<compile_context>
chip_gen: v7x
topology: tpu7x:2x2x1
jax: 0.10.2.dev20260603
libtpu: 0.0.44.dev20260713+nightly
codegen_flags: <defaults>
</compile_context>

<pallas_src>
import jax
import jax.numpy as jnp
from jax import lax
from jax.experimental import pallas as pl
from jax.experimental.pallas import tpu as pltpu
from jax.experimental.pallas import tpu_sc as plsc

B = 16384
NODES = 1000000
K = 64
H = 128
LH = 384

NC = 2
NS = 16
NW = NC * NS
CHUNK = 2 * B // NW
IDXW = 128
NJ = CHUNK // IDXW
SH = B // NW
NG = SH // IDXW
NHALF = 2
QH = SH // NHALF
NGH = NG // NHALF

BLK1 = 2048



def _dense_body(h_ref, t_ref, wt_ref, znt_ref, b_ref, zn_ref, o_ref):
    wt = wt_ref[...]
    znt = znt_ref[...]
    zn = zn_ref[...]
    bb = b_ref[...]
    for side, x_ref in ((0, h_ref), (1, t_ref)):
        xo = jnp.dot(x_ref[...], wt, preferred_element_type=jnp.float32) + bb
        lg = jnp.dot(xo, znt, preferred_element_type=jnp.float32)
        m = jnp.max(lg, axis=-1, keepdims=True)
        e = jnp.exp(lg - m)
        probs = e / jnp.sum(e, axis=-1, keepdims=True)
        o_ref[side] = jax.nn.sigmoid(
            jnp.dot(probs, zn, preferred_element_type=jnp.float32))


def _dense_call(head_embs, tail_embs, wt, znt, b2, Zn):
    grid = (B // BLK1,)
    return pl.pallas_call(
        _dense_body,
        grid=grid,
        in_specs=[
            pl.BlockSpec((BLK1, LH), lambda i: (i, 0)),
            pl.BlockSpec((BLK1, LH), lambda i: (i, 0)),
            pl.BlockSpec((LH, H), lambda i: (0, 0)),
            pl.BlockSpec((H, K), lambda i: (0, 0)),
            pl.BlockSpec((1, H), lambda i: (0, 0)),
            pl.BlockSpec((K, H), lambda i: (0, 0)),
        ],
        out_specs=pl.BlockSpec((2, BLK1, H), lambda i: (0, i, 0)),
        out_shape=jax.ShapeDtypeStruct((2, B, H), jnp.float32),
    )(head_embs, tail_embs, wt, znt, b2, Zn)



def _dedup_body(idxs, vals, idxg, win,
                tab, idx_v, val_v, ig_v, wh_v, wt_v):
    c = lax.axis_index("c")
    s = lax.axis_index("s")
    wid = c * NS + s
    for side, wv in ((0, wh_v), (1, wt_v)):
        pltpu.sync_copy(idxs.at[side].at[s], idx_v)
        pltpu.sync_copy(vals.at[side].at[s], val_v)
        for j in range(NJ):
            pltpu.sync_copy(val_v.at[j], tab.at[idx_v.at[j]])
        plsc.subcore_barrier()
        pltpu.sync_copy(idxg.at[side].at[wid], ig_v)
        for j in range(NG):
            pltpu.sync_copy(tab.at[ig_v.at[j]], wv.at[j])
        plsc.subcore_barrier()
        pltpu.sync_copy(wv, win.at[side].at[wid])


def _dedup_call(idxs, vals, idxg):
    f = pl.kernel(
        _dedup_body,
        out_type=jax.ShapeDtypeStruct((2, NW, NG, IDXW), jnp.int32),
        mesh=plsc.VectorSubcoreMesh(
            core_axis_name="c", subcore_axis_name="s", num_cores=NC,
            num_subcores=NS),
        scratch_types=[
            pltpu.VMEM_SHARED((NODES,), jnp.int32),
            pltpu.VMEM((NJ, IDXW), jnp.int32),
            pltpu.VMEM((NJ, IDXW), jnp.int32),
            pltpu.VMEM((NG, IDXW), jnp.int32),
            pltpu.VMEM((NG, IDXW), jnp.int32),
            pltpu.VMEM((NG, IDXW), jnp.int32),
        ],
    )
    return f(idxs, vals, idxg)


def _combine_body(q, win, out, wh_v, wt_v, r1_v, r2_v, sem):
    c = lax.axis_index("c")
    s = lax.axis_index("s")
    wid = c * NS + s
    pltpu.sync_copy(win.at[0].at[wid], wh_v)
    pltpu.sync_copy(win.at[1].at[wid], wt_v)
    for hh in range(NHALF):
        cps = []
        for j in range(NGH):
            cps.append(pltpu.async_copy(
                q.at[wh_v.at[hh * NGH + j]],
                r1_v.at[pl.ds(j * IDXW, IDXW)], sem))
            cps.append(pltpu.async_copy(
                q.at[wt_v.at[hh * NGH + j]],
                r2_v.at[pl.ds(j * IDXW, IDXW)], sem))
        for cp in cps:
            cp.wait()

        def _mul_row(r, _):
            for k in range(H // 16):
                sl = pl.ds(k * 16, 16)
                r1_v[r, sl] = r1_v[r, sl] * r2_v[r, sl]
            return _

        lax.fori_loop(0, QH, _mul_row, 0)
        pltpu.sync_copy(
            r1_v, out.at[pl.ds(wid * SH + hh * QH, QH)])


def _combine_call(q, win):
    f = pl.kernel(
        _combine_body,
        out_type=jax.ShapeDtypeStruct((B, H), jnp.float32),
        mesh=plsc.VectorSubcoreMesh(
            core_axis_name="c", subcore_axis_name="s", num_cores=NC,
            num_subcores=NS),
        scratch_types=[
            pltpu.VMEM((NG, IDXW), jnp.int32),
            pltpu.VMEM((NG, IDXW), jnp.int32),
            pltpu.VMEM((QH, H), jnp.float32),
            pltpu.VMEM((QH, H), jnp.float32),
            pltpu.SemaphoreType.DMA,
        ],
    )
    return f(q, win)


def kernel(head_embs, tail_embs, Hn, Zn, W, b, head_idx, tail_idx):
    del Hn
    wt = W.T
    znt = Zn.T
    b2 = b.reshape(1, H)
    both = jnp.stack([head_idx, tail_idx])
    idxs = both.reshape(2, NS, NJ, IDXW)
    vals = jnp.arange(2 * B, dtype=jnp.int32).reshape(2, NS, NJ, IDXW)
    idxg = both.reshape(2, NW, NG, IDXW)
    win = _dedup_call(idxs, vals, idxg)
    q2 = _dense_call(head_embs, tail_embs, wt, znt, b2, Zn)
    q = q2.reshape(2 * B, H)
    return _combine_call(q, win)

# --- scband reference (transcript-rebuilt; emitter-appended) ---
"""Pipeline reference for scband-graph-classifier-21028159881816 (READ-ONLY COPY).

The authoritative reference and input builder live on the scoring server;
editing this copy changes nothing except your own understanding.
"""

import jax, jax.numpy as jnp
import numpy as np

B = 16384
NODES = 1000000
K = 64
H = 128
L = 3

def setup_inputs(seed: int = 0) -> dict:
    key = jax.random.key(seed)
    ks = jax.random.split(key, 8)
    head_embs = jax.random.normal(ks[0], (B, L * H), dtype=jnp.float32)
    tail_embs = jax.random.normal(ks[1], (B, L * H), dtype=jnp.float32)
    head_idx = jax.random.randint(ks[2], (B,), 0, NODES, dtype=jnp.int32)
    tail_idx = jax.random.randint(ks[3], (B,), 0, NODES, dtype=jnp.int32)
    # learned parameters
    Hn = jax.random.normal(ks[4], (NODES, K), dtype=jnp.float32) * 0.02  # cluster membership memory
    Zn = jax.random.normal(ks[5], (K, H), dtype=jnp.float32) * 0.02      # cluster centroids
    W = jax.random.normal(ks[6], (H, L * H), dtype=jnp.float32) * 0.02   # proj_ctx weight
    b = jnp.zeros((H,), dtype=jnp.float32)                               # proj_ctx bias
    return {"head_embs": head_embs, "tail_embs": tail_embs, "Hn": Hn, "Zn": Zn, "W": W, "b": b, "head_idx": head_idx, "tail_idx": tail_idx}


def reference(head_embs, tail_embs, Hn, Zn, W, b, head_idx, tail_idx):
    # proj_ctx on concatenated per-layer node reprs (dropout omitted: eval mode)
    h_out = head_embs @ W.T + b            # [B, H]
    t_out = tail_embs @ W.T + b            # [B, H]
    # community view learning: scatter-overwrite cluster assignments into memory Hn
    cluster_h = jax.nn.softmax(h_out @ Zn.T, axis=-1)   # [B, K]
    Hn1 = Hn.at[head_idx].set(cluster_h)                # scatter-overwrite
    s1 = jax.nn.sigmoid(jnp.take(Hn1, head_idx, axis=0) @ Zn)  # gather + summary
    cluster_t = jax.nn.softmax(t_out @ Zn.T, axis=-1)
    Hn2 = Hn1.at[tail_idx].set(cluster_t)
    s2 = jax.nn.sigmoid(jnp.take(Hn2, tail_idx, axis=0) @ Zn)
    s = s1 * s2                                         # [B, H]
    return s

if __name__ == "__main__":
    import jax
    _d = setup_inputs()
    print(jax.jit(kernel)(*tuple(_d.values())))

</pallas_src>

<mosaic_0001>
#map = affine_map<(d0, d1) -> (0, 0)>
#map1 = affine_map<(d0, d1) -> (0, 0, 0, 0)>
module attributes {stable_mosaic.version = 14 : i64} {
  func.func @_combine_body(%arg0: i32, %arg1: i32, %arg2: memref<32768x128xf32, #tpu.memory_space<hbm>>, %arg3: memref<2x32x4x128xi32, #tpu.memory_space<hbm>>, %arg4: memref<16384x128xf32, #tpu.memory_space<hbm>>, %arg5: memref<4x128xi32, #tpu.memory_space<vmem>>, %arg6: memref<4x128xi32, #tpu.memory_space<vmem>>, %arg7: memref<256x128xf32, #tpu.memory_space<vmem>>, %arg8: memref<256x128xf32, #tpu.memory_space<vmem>>, %arg9: memref<!tpu.dma_semaphore, #tpu.memory_space<semaphore_mem>>) attributes {dimension_semantics = [#tpu.dimension_semantics<core_parallel>, #tpu.dimension_semantics<subcore_parallel>], iteration_bounds = array<i64: 2, 16>, scalar_prefetch = 0 : i64, scratch_operands = 5 : i64, tpu.core_type = #tpu.core_type<sc_vector_subcore>, window_params = [{transform_indices = #map}, {transform_indices = #map1}, {transform_indices = #map}]} {
    %mul3A = arith.constant 16 : i32
    %mul3A_0 = arith.muli %arg0, %mul3A : i32
    %add3A = arith.addi %mul3A_0, %arg1 : i32
    %run_scoped3A = arith.constant 0 : i32
    "tpu.region"() ({
      %run_scoped3A_179 = tpu.sem_alloc : memref<!tpu.dma_semaphore, #tpu.memory_space<semaphore_mem>>
      %dma_start3A_180 = arith.constant 0 : i32
      %dma_start3A_181 = arith.constant 0 : i32
      %dma_start3A_182 = arith.constant 0 : i32
      %dma_start3A_183 = tpu.memref_slice %arg3[%run_scoped3A, %dma_start3A_180, %dma_start3A_181, %dma_start3A_182] : memref<2x32x4x128xi32, #tpu.memory_space<hbm>> -> memref<1x32x4x128xi32, #tpu.memory_space<hbm>>
      %dma_start3A_184 = tpu.memref_squeeze %dma_start3A_183 : memref<1x32x4x128xi32, #tpu.memory_space<hbm>> -> memref<32x4x128xi32, #tpu.memory_space<hbm>>
      %dma_start3A_185 = arith.constant 0 : i32
      %dma_start3A_186 = arith.constant 0 : i32
      %dma_start3A_187 = tpu.memref_slice %dma_start3A_184[%add3A, %dma_start3A_185, %dma_start3A_186] : memref<32x4x128xi32, #tpu.memory_space<hbm>> -> memref<1x4x128xi32, #tpu.memory_space<hbm>>
      %dma_start3A_188 = tpu.memref_squeeze %dma_start3A_187 : memref<1x4x128xi32, #tpu.memory_space<hbm>> -> memref<4x128xi32, #tpu.memory_space<hbm>>
      %dma_start3A_189 = arith.constant 0 : i32
      %dma_start3A_190 = arith.constant 0 : i32
      %dma_start3A_191 = arith.constant 0 : i32
      %dma_start3A_192 = tpu.memref_slice %arg3[%run_scoped3A, %dma_start3A_189, %dma_start3A_190, %dma_start3A_191] : memref<2x32x4x128xi32, #tpu.memory_space<hbm>> -> memref<1x32x4x128xi32, #tpu.memory_space<hbm>>
      %dma_start3A_193 = tpu.memref_squeeze %dma_start3A_192 : memref<1x32x4x128xi32, #tpu.memory_space<hbm>> -> memref<32x4x128xi32, #tpu.memory_space<hbm>>
      %dma_start3A_194 = arith.constant 0 : i32
      %dma_start3A_195 = arith.constant 0 : i32
      %dma_start3A_196 = tpu.memref_slice %dma_start3A_193[%add3A, %dma_start3A_194, %dma_start3A_195] : memref<32x4x128xi32, #tpu.memory_space<hbm>> -> memref<1x4x128xi32, #tpu.memory_space<hbm>>
      %dma_start3A_197 = tpu.memref_squeeze %dma_start3A_196 : memref<1x4x128xi32, #tpu.memory_space<hbm>> -> memref<4x128xi32, #tpu.memory_space<hbm>>
      tpu.enqueue_dma source(%dma_start3A_197 : memref<4x128xi32, #tpu.memory_space<hbm>>) target(%arg5 : memref<4x128xi32, #tpu.memory_space<vmem>>) target_semaphore(%run_scoped3A_179 : memref<!tpu.dma_semaphore, #tpu.memory_space<semaphore_mem>>)
      %dma_wait3A_198 = arith.constant 0 : i32
      %dma_wait3A_199 = arith.constant 0 : i32
      %dma_wait3A_200 = arith.constant 0 : i32
      %dma_wait3A_201 = tpu.memref_slice %arg3[%run_scoped3A, %dma_wait3A_198, %dma_wait3A_199, %dma_wait3A_200] : memref<2x32x4x128xi32, #tpu.memory_space<hbm>> -> memref<1x32x4x128xi32, #tpu.memory_space<hbm>>
      %dma_wait3A_202 = tpu.memref_squeeze %dma_wait3A_201 : memref<1x32x4x128xi32, #tpu.memory_space<hbm>> -> memref<32x4x128xi32, #tpu.memory_space<hbm>>
      %dma_wait3A_203 = arith.constant 0 : i32
      %dma_wait3A_204 = arith.constant 0 : i32
      %dma_wait3A_205 = tpu.memref_slice %dma_wait3A_202[%add3A, %dma_wait3A_203, %dma_wait3A_204] : memref<32x4x128xi32, #tpu.memory_space<hbm>> -> memref<1x4x128xi32, #tpu.memory_space<hbm>>
      %dma_wait3A_206 = tpu.memref_squeeze %dma_wait3A_205 : memref<1x4x128xi32, #tpu.memory_space<hbm>> -> memref<4x128xi32, #tpu.memory_space<hbm>>
      %dma_wait3A_207 = arith.constant 0 : i32
      %dma_wait3A_208 = arith.constant 0 : i32
      %dma_wait3A_209 = arith.constant 0 : i32
      %dma_wait3A_210 = tpu.memref_slice %arg3[%run_scoped3A, %dma_wait3A_207, %dma_wait3A_208, %dma_wait3A_209] : memref<2x32x4x128xi32, #tpu.memory_space<hbm>> -> memref<1x32x4x128xi32, #tpu.memory_space<hbm>>
      %dma_wait3A_211 = tpu.memref_squeeze %dma_wait3A_210 : memref<1x32x4x128xi32, #tpu.memory_space<hbm>> -> memref<32x4x128xi32, #tpu.memory_space<hbm>>
      %dma_wait3A_212 = arith.constant 0 : i32
      %dma_wait3A_213 = arith.constant 0 : i32
      %dma_wait3A_214 = tpu.memref_slice %dma_wait3A_211[%add3A, %dma_wait3A_212, %dma_wait3A_213] : memref<32x4x128xi32, #tpu.memory_space<hbm>> -> memref<1x4x128xi32, #tpu.memory_space<hbm>>
      %dma_wait3A_215 = tpu.memref_squeeze %dma_wait3A_214 : memref<1x4x128xi32, #tpu.memory_space<hbm>> -> memref<4x128xi32, #tpu.memory_space<hbm>>
      tpu.wait_dma2 semaphore(%run_scoped3A_179 : memref<!tpu.dma_semaphore, #tpu.memory_space<semaphore_mem>>) src(%dma_wait3A_215 : memref<4x128xi32, #tpu.memory_space<hbm>>) dst(%arg5 : memref<4x128xi32, #tpu.memory_space<vmem>>)
      tpu.yield
    }) : () -> ()
    %run_scoped3A_1 = arith.constant 1 : i32
    "tpu.region"() ({
      %run_scoped3A_179 = tpu.sem_alloc : memref<!tpu.dma_semaphore, #tpu.memory_space<semaphore_mem>>
      %dma_start3A_180 = arith.constant 0 : i32
      %dma_start3A_181 = arith.constant 0 : i32
      %dma_start3A_182 = arith.constant 0 : i32
      %dma_start3A_183 = tpu.memref_slice %arg3[%run_scoped3A_1, %dma_start3A_180, %dma_start3A_181, %dma_start3A_182] : memref<2x32x4x128xi32, #tpu.memory_space<hbm>> -> memref<1x32x4x128xi32, #tpu.memory_space<hbm>>
      %dma_start3A_184 = tpu.memref_squeeze %dma_start3A_183 : memref<1x32x4x128xi32, #tpu.memory_space<hbm>> -> memref<32x4x128xi32, #tpu.memory_space<hbm>>
      %dma_start3A_185 = arith.constant 0 : i32
      %dma_start3A_186 = arith.constant 0 : i32
      %dma_start3A_187 = tpu.memref_slice %dma_start3A_184[%add3A, %dma_start3A_185, %dma_start3A_186] : memref<32x4x128xi32, #tpu.memory_space<hbm>> -> memref<1x4x128xi32, #tpu.memory_space<hbm>>
      %dma_start3A_188 = tpu.memref_squeeze %dma_start3A_187 : memref<1x4x128xi32, #tpu.memory_space<hbm>> -> memref<4x128xi32, #tpu.memory_space<hbm>>
      %dma_start3A_189 = arith.constant 0 : i32
      %dma_start3A_190 = arith.constant 0 : i32
      %dma_start3A_191 = arith.constant 0 : i32
      %dma_start3A_192 = tpu.memref_slice %arg3[%run_scoped3A_1, %dma_start3A_189, %dma_start3A_190, %dma_start3A_191] : memref<2x32x4x128xi32, #tpu.memory_space<hbm>> -> memref<1x32x4x128xi32, #tpu.memory_space<hbm>>
      %dma_start3A_193 = tpu.memref_squeeze %dma_start3A_192 : memref<1x32x4x128xi32, #tpu.memory_space<hbm>> -> memref<32x4x128xi32, #tpu.memory_space<hbm>>
      %dma_start3A_194 = arith.constant 0 : i32
      %dma_start3A_195 = arith.constant 0 : i32
      %dma_start3A_196 = tpu.memref_slice %dma_start3A_193[%add3A, %dma_start3A_194, %dma_start3A_195] : memref<32x4x128xi32, #tpu.memory_space<hbm>> -> memref<1x4x128xi32, #tpu.memory_space<hbm>>
      %dma_start3A_197 = tpu.memref_squeeze %dma_start3A_196 : memref<1x4x128xi32, #tpu.memory_space<hbm>> -> memref<4x128xi32, #tpu.memory_space<hbm>>
      tpu.enqueue_dma source(%dma_start3A_197 : memref<4x128xi32, #tpu.memory_space<hbm>>) target(%arg6 : memref<4x128xi32, #tpu.memory_space<vmem>>) target_semaphore(%run_scoped3A_179 : memref<!tpu.dma_semaphore, #tpu.memory_space<semaphore_mem>>)
      %dma_wait3A_198 = arith.constant 0 : i32
      %dma_wait3A_199 = arith.constant 0 : i32
      %dma_wait3A_200 = arith.constant 0 : i32
      %dma_wait3A_201 = tpu.memref_slice %arg3[%run_scoped3A_1, %dma_wait3A_198, %dma_wait3A_199, %dma_wait3A_200] : memref<2x32x4x128xi32, #tpu.memory_space<hbm>> -> memref<1x32x4x128xi32, #tpu.memory_space<hbm>>
      %dma_wait3A_202 = tpu.memref_squeeze %dma_wait3A_201 : memref<1x32x4x128xi32, #tpu.memory_space<hbm>> -> memref<32x4x128xi32, #tpu.memory_space<hbm>>
      %dma_wait3A_203 = arith.constant 0 : i32
      %dma_wait3A_204 = arith.constant 0 : i32
      %dma_wait3A_205 = tpu.memref_slice %dma_wait3A_202[%add3A, %dma_wait3A_203, %dma_wait3A_204] : memref<32x4x128xi32, #tpu.memory_space<hbm>> -> memref<1x4x128xi32, #tpu.memory_space<hbm>>
      %dma_wait3A_206 = tpu.memref_squeeze %dma_wait3A_205 : memref<1x4x128xi32, #tpu.memory_space<hbm>> -> memref<4x128xi32, #tpu.memory_space<hbm>>
      %dma_wait3A_207 = arith.constant 0 : i32
      %dma_wait3A_208 = arith.constant 0 : i32
      %dma_wait3A_209 = arith.constant 0 : i32
      %dma_wait3A_210 = tpu.memref_slice %arg3[%run_scoped3A_1, %dma_wait3A_207, %dma_wait3A_208, %dma_wait3A_209] : memref<2x32x4x128xi32, #tpu.memory_space<hbm>> -> memref<1x32x4x128xi32, #tpu.memory_space<hbm>>
      %dma_wait3A_211 = tpu.memref_squeeze %dma_wait3A_210 : memref<1x32x4x128xi32, #tpu.memory_space<hbm>> -> memref<32x4x128xi32, #tpu.memory_space<hbm>>
      %dma_wait3A_212 = arith.constant 0 : i32
      %dma_wait3A_213 = arith.constant 0 : i32
      %dma_wait3A_214 = tpu.memref_slice %dma_wait3A_211[%add3A, %dma_wait3A_212, %dma_wait3A_213] : memref<32x4x128xi32, #tpu.memory_space<hbm>> -> memref<1x4x128xi32, #tpu.memory_space<hbm>>
      %dma_wait3A_215 = tpu.memref_squeeze %dma_wait3A_214 : memref<1x4x128xi32, #tpu.memory_space<hbm>> -> memref<4x128xi32, #tpu.memory_space<hbm>>
      tpu.wait_dma2 semaphore(%run_scoped3A_179 : memref<!tpu.dma_semaphore, #tpu.memory_space<semaphore_mem>>) src(%dma_wait3A_215 : memref<4x128xi32, #tpu.memory_space<hbm>>) dst(%arg6 : memref<4x128xi32, #tpu.memory_space<vmem>>)
      tpu.yield
    }) : () -> ()
    %dma_start3A = arith.constant 0 : i32
    %dma_start3A_2 = arith.constant 0 : i32
    %dma_start3A_3 = arith.constant 0 : i32
    %dma_start3A_4 = tpu.memref_slice %arg7[%dma_start3A_2, %dma_start3A_3] : memref<256x128xf32, #tpu.memory_space<vmem>> -> memref<128x128xf32, #tpu.memory_space<vmem>>
    %dma_start3A_5 = arith.constant 0 : i32
    %dma_start3A_6 = tpu.memref_slice %arg5[%dma_start3A, %dma_start3A_5] : memref<4x128xi32, #tpu.memory_space<vmem>> -> memref<1x128xi32, #tpu.memory_space<vmem>>
    %dma_start3A_7 = tpu.memref_squeeze %dma_start3A_6 : memref<1x128xi32, #tpu.memory_space<vmem>> -> memref<128xi32, #tpu.memory_space<vmem>>
    %dma_start3A_8 = arith.constant 0 : i32
    %dma_start3A_9 = arith.constant 0 : i32
    %dma_start3A_10 = tpu.memref_slice %arg2[%dma_start3A_8, %dma_start3A_9] : memref<32768x128xf32, #tpu.memory_space<hbm>> -> memref<32768x128xf32, #tpu.memory_space<hbm>>
    tpu.enqueue_indirect_dma source(%dma_start3A_10 : memref<32768x128xf32, #tpu.memory_space<hbm>>) target(%dma_start3A_4 : memref<128x128xf32, #tpu.memory_space<vmem>>) offsets(%dma_start3A_7 : memref<128xi32, #tpu.memory_space<vmem>>) semaphore(%arg9 : memref<!tpu.dma_semaphore, #tpu.memory_space<semaphore_mem>>)
    %dma_start3A_11 = arith.constant 0 : i32
    %dma_start3A_12 = arith.constant 0 : i32
    %dma_start3A_13 = arith.constant 0 : i32
    %dma_start3A_14 = tpu.memref_slice %arg8[%dma_start3A_12, %dma_start3A_13] : memref<256x128xf32, #tpu.memory_space<vmem>> -> memref<128x128xf32, #tpu.memory_space<vmem>>
    %dma_start3A_15 = arith.constant 0 : i32
    %dma_start3A_16 = tpu.memref_slice %arg6[%dma_start3A_11, %dma_start3A_15] : memref<4x128xi32, #tpu.memory_space<vmem>> -> memref<1x128xi32, #tpu.memory_space<vmem>>
    %dma_start3A_17 = tpu.memref_squeeze %dma_start3A_16 : memref<1x128xi32, #tpu.memory_space<vmem>> -> memref<128xi32, #tpu.memory_space<vmem>>
    %dma_start3A_18 = arith.constant 0 : i32
    %dma_start3A_19 = arith.constant 0 : i32
    %dma_start3A_20 = tpu.memref_slice %arg2[%dma_start3A_18, %dma_start3A_19] : memref<32768x128xf32, #tpu.memory_space<hbm>> -> memref<32768x128xf32, #tpu.memory_space<hbm>>
    tpu.enqueue_indirect_dma source(%dma_start3A_20 : memref<32768x128xf32, #tpu.memory_space<hbm>>) target(%dma_start3A_14 : memref<128x128xf32, #tpu.memory_space<vmem>>) offsets(%dma_start3A_17 : memref<128xi32, #tpu.memory_space<vmem>>) semaphore(%arg9 : memref<!tpu.dma_semaphore, #tpu.memory_space<semaphore_mem>>)
    %dma_start3A_21 = arith.constant 1 : i32
    %dma_start3A_22 = arith.constant 128 : i32
    %dma_start3A_23 = arith.constant 0 : i32
    %dma_start3A_24 = tpu.memref_slice %arg7[%dma_start3A_22, %dma_start3A_23] : memref<256x128xf32, #tpu.memory_space<vmem>> -> memref<128x128xf32, #tpu.memory_space<vmem>>
    %dma_start3A_25 = arith.constant 0 : i32
    %dma_start3A_26 = tpu.memref_slice %arg5[%dma_start3A_21, %dma_start3A_25] : memref<4x128xi32, #tpu.memory_space<vmem>> -> memref<1x128xi32, #tpu.memory_space<vmem>>
    %dma_start3A_27 = tpu.memref_squeeze %dma_start3A_26 : memref<1x128xi32, #tpu.memory_space<vmem>> -> memref<128xi32, #tpu.memory_space<vmem>>
    %dma_start3A_28 = arith.constant 0 : i32
    %dma_start3A_29 = arith.constant 0 : i32
    %dma_start3A_30 = tpu.memref_slice %arg2[%dma_start3A_28, %dma_start3A_29] : memref<32768x128xf32, #tpu.memory_space<hbm>> -> memref<32768x128xf32, #tpu.memory_space<hbm>>
    tpu.enqueue_indirect_dma source(%dma_start3A_30 : memref<32768x128xf32, #tpu.memory_space<hbm>>) target(%dma_start3A_24 : memref<128x128xf32, #tpu.memory_space<vmem>>) offsets(%dma_start3A_27 : memref<128xi32, #tpu.memory_space<vmem>>) semaphore(%arg9 : memref<!tpu.dma_semaphore, #tpu.memory_space<semaphore_mem>>)
    %dma_start3A_31 = arith.constant 1 : i32
    %dma_start3A_32 = arith.constant 128 : i32
    %dma_start3A_33 = arith.constant 0 : i32
    %dma_start3A_34 = tpu.memref_slice %arg8[%dma_start3A_32, %dma_start3A_33] : memref<256x128xf32, #tpu.memory_space<vmem>> -> memref<128x128xf32, #tpu.memory_space<vmem>>
    %dma_start3A_35 = arith.constant 0 : i32
    %dma_start3A_36 = tpu.memref_slice %arg6[%dma_start3A_31, %dma_start3A_35] : memref<4x128xi32, #tpu.memory_space<vmem>> -> memref<1x128xi32, #tpu.memory_space<vmem>>
    %dma_start3A_37 = tpu.memref_squeeze %dma_start3A_36 : memref<1x128xi32, #tpu.memory_space<vmem>> -> memref<128xi32, #tpu.memory_space<vmem>>
    %dma_start3A_38 = arith.constant 0 : i32
    %dma_start3A_39 = arith.constant 0 : i32
    %dma_start3A_40 = tpu.memref_slice %arg2[%dma_start3A_38, %dma_start3A_39] : memref<32768x128xf32, #tpu.memory_space<hbm>> -> memref<32768x128xf32, #tpu.memory_space<hbm>>
    tpu.enqueue_indirect_dma source(%dma_start3A_40 : memref<32768x128xf32, #tpu.memory_space<hbm>>) target(%dma_start3A_34 : memref<128x128xf32, #tpu.memory_space<vmem>>) offsets(%dma_start3A_37 : memref<128xi32, #tpu.memory_space<vmem>>) semaphore(%arg9 : memref<!tpu.dma_semaphore, #tpu.memory_space<semaphore_mem>>)
    %dma_wait3A = arith.constant 0 : i32
    %dma_wait3A_41 = arith.constant 0 : i32
    %dma_wait3A_42 = arith.constant 0 : i32
    %dma_wait3A_43 = tpu.memref_slice %arg7[%dma_wait3A_41, %dma_wait3A_42] : memref<256x128xf32, #tpu.memory_space<vmem>> -> memref<128x128xf32, #tpu.memory_space<vmem>>
    %dma_wait3A_44 = arith.constant 0 : i32
    %dma_wait3A_45 = tpu.memref_slice %arg5[%dma_wait3A, %dma_wait3A_44] : memref<4x128xi32, #tpu.memory_space<vmem>> -> memref<1x128xi32, #tpu.memory_space<vmem>>
    %dma_wait3A_46 = tpu.memref_squeeze %dma_wait3A_45 : memref<1x128xi32, #tpu.memory_space<vmem>> -> memref<128xi32, #tpu.memory_space<vmem>>
    %dma_wait3A_47 = arith.constant 0 : i32
    %dma_wait3A_48 = arith.constant 0 : i32
    %dma_wait3A_49 = tpu.memref_slice %arg2[%dma_wait3A_47, %dma_wait3A_48] : memref<32768x128xf32, #tpu.memory_space<hbm>> -> memref<32768x128xf32, #tpu.memory_space<hbm>>
    tpu.wait_indirect_dma semaphore(%arg9 : memref<!tpu.dma_semaphore, #tpu.memory_space<semaphore_mem>>) src(%dma_wait3A_49 : memref<32768x128xf32, #tpu.memory_space<hbm>>) dst(%dma_wait3A_43 : memref<128x128xf32, #tpu.memory_space<vmem>>)
    %dma_wait3A_50 = arith.constant 0 : i32
    %dma_wait3A_51 = arith.constant 0 : i32
    %dma_wait3A_52 = arith.constant 0 : i32
    %dma_wait3A_53 = tpu.memref_slice %arg8[%dma_wait3A_51, %dma_wait3A_52] : memref<256x128xf32, #tpu.memory_space<vmem>> -> memref<128x128xf32, #tpu.memory_space<vmem>>
    %dma_wait3A_54 = arith.constant 0 : i32
    %dma_wait3A_55 = tpu.memref_slice %arg6[%dma_wait3A_50, %dma_wait3A_54] : memref<4x128xi32, #tpu.memory_space<vmem>> -> memref<1x128xi32, #tpu.memory_space<vmem>>
    %dma_wait3A_56 = tpu.memref_squeeze %dma_wait3A_55 : memref<1x128xi32, #tpu.memory_space<vmem>> -> memref<128xi32, #tpu.memory_space<vmem>>
    %dma_wait3A_57 = arith.constant 0 : i32
    %dma_wait3A_58 = arith.constant 0 : i32
    %dma_wait3A_59 = tpu.memref_slice %arg2[%dma_wait3A_57, %dma_wait3A_58] : memref<32768x128xf32, #tpu.memory_space<hbm>> -> memref<32768x128xf32, #tpu.memory_space<hbm>>
    tpu.wait_indirect_dma semaphore(%arg9 : memref<!tpu.dma_semaphore, #tpu.memory_space<semaphore_mem>>) src(%dma_wait3A_59 : memref<32768x128xf32, #tpu.memory_space<hbm>>) dst(%dma_wait3A_53 : memref<128x128xf32, #tpu.memory_space<vmem>>)
    %dma_wait3A_60 = arith.constant 1 : i32
    %dma_wait3A_61 = arith.constant 128 : i32
    %dma_wait3A_62 = arith.constant 0 : i32
    %dma_wait3A_63 = tpu.memref_slice %arg7[%dma_wait3A_61, %dma_wait3A_62] : memref<256x128xf32, #tpu.memory_space<vmem>> -> memref<128x128xf32, #tpu.memory_space<vmem>>
    %dma_wait3A_64 = arith.constant 0 : i32
    %dma_wait3A_65 = tpu.memref_slice %arg5[%dma_wait3A_60, %dma_wait3A_64] : memref<4x128xi32, #tpu.memory_space<vmem>> -> memref<1x128xi32, #tpu.memory_space<vmem>>
    %dma_wait3A_66 = tpu.memref_squeeze %dma_wait3A_65 : memref<1x128xi32, #tpu.memory_space<vmem>> -> memref<128xi32, #tpu.memory_space<vmem>>
    %dma_wait3A_67 = arith.constant 0 : i32
    %dma_wait3A_68 = arith.constant 0 : i32
    %dma_wait3A_69 = tpu.memref_slice %arg2[%dma_wait3A_67, %dma_wait3A_68] : memref<32768x128xf32, #tpu.memory_space<hbm>> -> memref<32768x128xf32, #tpu.memory_space<hbm>>
    tpu.wait_indirect_dma semaphore(%arg9 : memref<!tpu.dma_semaphore, #tpu.memory_space<semaphore_mem>>) src(%dma_wait3A_69 : memref<32768x128xf32, #tpu.memory_space<hbm>>) dst(%dma_wait3A_63 : memref<128x128xf32, #tpu.memory_space<vmem>>)
    %dma_wait3A_70 = arith.constant 1 : i32
    %dma_wait3A_71 = arith.constant 128 : i32
    %dma_wait3A_72 = arith.constant 0 : i32
    %dma_wait3A_73 = tpu.memref_slice %arg8[%dma_wait3A_71, %dma_wait3A_72] : memref<256x128xf32, #tpu.memory_space<vmem>> -> memref<128x128xf32, #tpu.memory_space<vmem>>
    %dma_wait3A_74 = arith.constant 0 : i32
    %dma_wait3A_75 = tpu.memref_slice %arg6[%dma_wait3A_70, %dma_wait3A_74] : memref<4x128xi32, #tpu.memory_space<vmem>> -> memref<1x128xi32, #tpu.memory_space<vmem>>
    %dma_wait3A_76 = tpu.memref_squeeze %dma_wait3A_75 : memref<1x128xi32, #tpu.memory_space<vmem>> -> memref<128xi32, #tpu.memory_space<vmem>>
    %dma_wait3A_77 = arith.constant 0 : i32
    %dma_wait3A_78 = arith.constant 0 : i32
    %dma_wait3A_79 = tpu.memref_slice %arg2[%dma_wait3A_77, %dma_wait3A_78] : memref<32768x128xf32, #tpu.memory_space<hbm>> -> memref<32768x128xf32, #tpu.memory_space<hbm>>
    tpu.wait_indirect_dma semaphore(%arg9 : memref<!tpu.dma_semaphore, #tpu.memory_space<semaphore_mem>>) src(%dma_wait3A_79 : memref<32768x128xf32, #tpu.memory_space<hbm>>) dst(%dma_wait3A_73 : memref<128x128xf32, #tpu.memory_space<vmem>>)
    %scan3A = arith.constant 0 : i32
    %scan3A_80 = arith.constant 0 : i32
    %scan3A_81 = arith.constant 256 : i32
    %scan3A_82 = arith.addi %scan3A_80, %scan3A_81 : i32
    %scan3A_83 = arith.constant 1 : i32
    scf.for %scan3A_179 = %scan3A_80 to %scan3A_82 step %scan3A_83  : i32 {
      %get3A = arith.index_cast %scan3A_179 : i32 to index
      %get3A_180 = arith.constant 0 : index
      %get3A_181 = tpu.vector_load %arg7[%get3A, %get3A_180] {strides = array<i32>} : memref<256x128xf32, #tpu.memory_space<vmem>>, vector<1x16xf32>,
      %get3A_182 = vector.shape_cast %get3A_181 : vector<1x16xf32> to vector<16xf32>
      %get3A_183 = arith.index_cast %scan3A_179 : i32 to index
      %get3A_184 = arith.constant 0 : index
      %get3A_185 = tpu.vector_load %arg8[%get3A_183, %get3A_184] {strides = array<i32>} : memref<256x128xf32, #tpu.memory_space<vmem>>, vector<1x16xf32>,
      %get3A_186 = vector.shape_cast %get3A_185 : vector<1x16xf32> to vector<16xf32>
      %mul3A_187 = arith.mulf %get3A_182, %get3A_186 : vector<16xf32>
      %swap3A = arith.index_cast %scan3A_179 : i32 to index
      %swap3A_188 = arith.constant 0 : index
      %swap3A_189 = tpu.vector_load %arg7[%swap3A, %swap3A_188] {strides = array<i32>} : memref<256x128xf32, #tpu.memory_space<vmem>>, vector<1x16xf32>,
      %swap3A_190 = vector.shape_cast %swap3A_189 : vector<1x16xf32> to vector<16xf32>
      %swap3A_191 = vector.shape_cast %mul3A_187 : vector<16xf32> to vector<1x16xf32>
      tpu.vector_store %arg7[%swap3A, %swap3A_188], %swap3A_191 {strides = array<i32>} : memref<256x128xf32, #tpu.memory_space<vmem>>, vector<1x16xf32>,
      %get3A_192 = arith.index_cast %scan3A_179 : i32 to index
      %get3A_193 = arith.constant 16 : index
      %get3A_194 = tpu.vector_load %arg7[%get3A_192, %get3A_193] {strides = array<i32>} : memref<256x128xf32, #tpu.memory_space<vmem>>, vector<1x16xf32>,
      %get3A_195 = vector.shape_cast %get3A_194 : vector<1x16xf32> to vector<16xf32>
      %get3A_196 = arith.index_cast %scan3A_179 : i32 to index
      %get3A_197 = arith.constant 16 : index
      %get3A_198 = tpu.vector_load %arg8[%get3A_196, %get3A_197] {strides = array<i32>} : memref<256x128xf32, #tpu.memory_space<vmem>>, vector<1x16xf32>,
      %get3A_199 = vector.shape_cast %get3A_198 : vector<1x16xf32> to vector<16xf32>
      %mul3A_200 = arith.mulf %get3A_195, %get3A_199 : vector<16xf32>
      %swap3A_201 = arith.index_cast %scan3A_179 : i32 to index
      %swap3A_202 = arith.constant 16 : index
      %swap3A_203 = tpu.vector_load %arg7[%swap3A_201, %swap3A_202] {strides = array<i32>} : memref<256x128xf32, #tpu.memory_space<vmem>>, vector<1x16xf32>,
      %swap3A_204 = vector.shape_cast %swap3A_203 : vector<1x16xf32> to vector<16xf32>
      %swap3A_205 = vector.shape_cast %mul3A_200 : vector<16xf32> to vector<1x16xf32>
      tpu.vector_store %arg7[%swap3A_201, %swap3A_202], %swap3A_205 {strides = array<i32>} : memref<256x128xf32, #tpu.memory_space<vmem>>, vector<1x16xf32>,
      %get3A_206 = arith.index_cast %scan3A_179 : i32 to index
      %get3A_207 = arith.constant 32 : index
      %get3A_208 = tpu.vector_load %arg7[%get3A_206, %get3A_207] {strides = array<i32>} : memref<256x128xf32, #tpu.memory_space<vmem>>, vector<1x16xf32>,
      %get3A_209 = vector.shape_cast %get3A_208 : vector<1x16xf32> to vector<16xf32>
      %get3A_210 = arith.index_cast %scan3A_179 : i32 to index
      %get3A_211 = arith.constant 32 : index
      %get3A_212 = tpu.vector_load %arg8[%get3A_210, %get3A_211] {strides = array<i32>} : memref<256x128xf32, #tpu.memory_space<vmem>>, vector<1x16xf32>,
      %get3A_213 = vector.shape_cast %get3A_212 : vector<1x16xf32> to vector<16xf32>
      %mul3A_214 = arith.mulf %get3A_209, %get3A_213 : vector<16xf32>
      %swap3A_215 = arith.index_cast %scan3A_179 : i32 to index
      %swap3A_216 = arith.constant 32 : index
      %swap3A_217 = tpu.vector_load %arg7[%swap3A_215, %swap3A_216] {strides = array<i32>} : memref<256x128xf32, #tpu.memory_space<vmem>>, vector<1x16xf32>,
      %swap3A_218 = vector.shape_cast %swap3A_217 : vector<1x16xf32> to vector<16xf32>
      %swap3A_219 = vector.shape_cast %mul3A_214 : vector<16xf32> to vector<1x16xf32>
      tpu.vector_store %arg7[%swap3A_215, %swap3A_216], %swap3A_219 {strides = array<i32>} : memref<256x128xf32, #tpu.memory_space<vmem>>, vector<1x16xf32>,
      %get3A_220 = arith.index_cast %scan3A_179 : i32 to index
      %get3A_221 = arith.constant 48 : index
      %get3A_222 = tpu.vector_load %arg7[%get3A_220, %get3A_221] {strides = array<i32>} : memref<256x128xf32, #tpu.memory_space<vmem>>, vector<1x16xf32>,
      %get3A_223 = vector.shape_cast %get3A_222 : vector<1x16xf32> to vector<16xf32>
      %get3A_224 = arith.index_cast %scan3A_179 : i32 to index
      %get3A_225 = arith.constant 48 : index
      %get3A_226 = tpu.vector_load %arg8[%get3A_224, %get3A_225] {strides = array<i32>} : memref<256x128xf32, #tpu.memory_space<vmem>>, vector<1x16xf32>,
      %get3A_227 = vector.shape_cast %get3A_226 : vector<1x16xf32> to vector<16xf32>
      %mul3A_228 = arith.mulf %get3A_223, %get3A_227 : vector<16xf32>
      %swap3A_229 = arith.index_cast %scan3A_179 : i32 to index
      %swap3A_230 = arith.constant 48 : index
      %swap3A_231 = tpu.vector_load %arg7[%swap3A_229, %swap3A_230] {strides = array<i32>} : memref<256x128xf32, #tpu.memory_space<vmem>>, vector<1x16xf32>,
      %swap3A_232 = vector.shape_cast %swap3A_231 : vector<1x16xf32> to vector<16xf32>
      %swap3A_233 = vector.shape_cast %mul3A_228 : vector<16xf32> to vector<1x16xf32>
      tpu.vector_store %arg7[%swap3A_229, %swap3A_230], %swap3A_233 {strides = array<i32>} : memref<256x128xf32, #tpu.memory_space<vmem>>, vector<1x16xf32>,
      %get3A_234 = arith.index_cast %scan3A_179 : i32 to index
      %get3A_235 = arith.constant 64 : index
      %get3A_236 = tpu.vector_load %arg7[%get3A_234, %get3A_235] {strides = array<i32>} : memref<256x128xf32, #tpu.memory_space<vmem>>, vector<1x16xf32>,
      %get3A_237 = vector.shape_cast %get3A_236 : vector<1x16xf32> to vector<16xf32>
      %get3A_238 = arith.index_cast %scan3A_179 : i32 to index
      %get3A_239 = arith.constant 64 : index
      %get3A_240 = tpu.vector_load %arg8[%get3A_238, %get3A_239] {strides = array<i32>} : memref<256x128xf32, #tpu.memory_space<vmem>>, vector<1x16xf32>,
      %get3A_241 = vector.shape_cast %get3A_240 : vector<1x16xf32> to vector<16xf32>
      %mul3A_242 = arith.mulf %get3A_237, %get3A_241 : vector<16xf32>
      %swap3A_243 = arith.index_cast %scan3A_179 : i32 to index
      %swap3A_244 = arith.constant 64 : index
      %swap3A_245 = tpu.vector_load %arg7[%swap3A_243, %swap3A_244] {strides = array<i32>} : memref<256x128xf32, #tpu.memory_space<vmem>>, vector<1x16xf32>,
      %swap3A_246 = vector.shape_cast %swap3A_245 : vector<1x16xf32> to vector<16xf32>
      %swap3A_247 = vector.shape_cast %mul3A_242 : vector<16xf32> to vector<1x16xf32>
      tpu.vector_store %arg7[%swap3A_243, %swap3A_244], %swap3A_247 {strides = array<i32>} : memref<256x128xf32, #tpu.memory_space<vmem>>, vector<1x16xf32>,
      %get3A_248 = arith.index_cast %scan3A_179 : i32 to index
      %get3A_249 = arith.constant 80 : index
      %get3A_250 = tpu.vector_load %arg7[%get3A_248, %get3A_249] {strides = array<i32>} : memref<256x128xf32, #tpu.memory_space<vmem>>, vector<1x16xf32>,
      %get3A_251 = vector.shape_cast %get3A_250 : vector<1x16xf32> to vector<16xf32>
      %get3A_252 = arith.index_cast %scan3A_179 : i32 to index
      %get3A_253 = arith.constant 80 : index
      %get3A_254 = tpu.vector_load %arg8[%get3A_252, %get3A_253] {strides = array<i32>} : memref<256x128xf32, #tpu.memory_space<vmem>>, vector<1x16xf32>,
      %get3A_255 = vector.shape_cast %get3A_254 : vector<1x16xf32> to vector<16xf32>
      %mul3A_256 = arith.mulf %get3A_251, %get3A_255 : vector<16xf32>
      %swap3A_257 = arith.index_cast %scan3A_179 : i32 to index
      %swap3A_258 = arith.constant 80 : index
      %swap3A_259 = tpu.vector_load %arg7[%swap3A_257, %swap3A_258] {strides = array<i32>} : memref<256x128xf32, #tpu.memory_space<vmem>>, vector<1x16xf32>,
      %swap3A_260 = vector.shape_cast %swap3A_259 : vector<1x16xf32> to vector<16xf32>
      %swap3A_261 = vector.shape_cast %mul3A_256 : vector<16xf32> to vector<1x16xf32>
      tpu.vector_store %arg7[%swap3A_257, %swap3A_258], %swap3A_261 {strides = array<i32>} : memref<256x128xf32, #tpu.memory_space<vmem>>, vector<1x16xf32>,
      %get3A_262 = arith.index_cast %scan3A_179 : i32 to index
      %get3A_263 = arith.constant 96 : index
      %get3A_264 = tpu.vector_load %arg7[%get3A_262, %get3A_263] {strides = array<i32>} : memref<256x128xf32, #tpu.memory_space<vmem>>, vector<1x16xf32>,
      %get3A_265 = vector.shape_cast %get3A_264 : vector<1x16xf32> to vector<16xf32>
      %get3A_266 = arith.index_cast %scan3A_179 : i32 to index
      %get3A_267 = arith.constant 96 : index
      %get3A_268 = tpu.vector_load %arg8[%get3A_266, %get3A_267] {strides = array<i32>} : memref<256x128xf32, #tpu.memory_space<vmem>>, vector<1x16xf32>,
      %get3A_269 = vector.shape_cast %get3A_268 : vector<1x16xf32> to vector<16xf32>
      %mul3A_270 = arith.mulf %get3A_265, %get3A_269 : vector<16xf32>
      %swap3A_271 = arith.index_cast %scan3A_179 : i32 to index
      %swap3A_272 = arith.constant 96 : index
      %swap3A_273 = tpu.vector_load %arg7[%swap3A_271, %swap3A_272] {strides = array<i32>} : memref<256x128xf32, #tpu.memory_space<vmem>>, vector<1x16xf32>,
      %swap3A_274 = vector.shape_cast %swap3A_273 : vector<1x16xf32> to vector<16xf32>
      %swap3A_275 = vector.shape_cast %mul3A_270 : vector<16xf32> to vector<1x16xf32>
      tpu.vector_store %arg7[%swap3A_271, %swap3A_272], %swap3A_275 {strides = array<i32>} : memref<256x128xf32, #tpu.memory_space<vmem>>, vector<1x16xf32>,
      %get3A_276 = arith.index_cast %scan3A_179 : i32 to index
      %get3A_277 = arith.constant 112 : index
      %get3A_278 = tpu.vector_load %arg7[%get3A_276, %get3A_277] {strides = array<i32>} : memref<256x128xf32, #tpu.memory_space<vmem>>, vector<1x16xf32>,
      %get3A_279 = vector.shape_cast %get3A_278 : vector<1x16xf32> to vector<16xf32>
      %get3A_280 = arith.index_cast %scan3A_179 : i32 to index
      %get3A_281 = arith.constant 112 : index
      %get3A_282 = tpu.vector_load %arg8[%get3A_280, %get3A_281] {strides = array<i32>} : memref<256x128xf32, #tpu.memory_space<vmem>>, vector<1x16xf32>,
      %get3A_283 = vector.shape_cast %get3A_282 : vector<1x16xf32> to vector<16xf32>
      %mul3A_284 = arith.mulf %get3A_279, %get3A_283 : vector<16xf32>
      %swap3A_285 = arith.index_cast %scan3A_179 : i32 to index
      %swap3A_286 = arith.constant 112 : index
      %swap3A_287 = tpu.vector_load %arg7[%swap3A_285, %swap3A_286] {strides = array<i32>} : memref<256x128xf32, #tpu.memory_space<vmem>>, vector<1x16xf32>,
      %swap3A_288 = vector.shape_cast %swap3A_287 : vector<1x16xf32> to vector<16xf32>
      %swap3A_289 = vector.shape_cast %mul3A_284 : vector<16xf32> to vector<1x16xf32>
      tpu.vector_store %arg7[%swap3A_285, %swap3A_286], %swap3A_289 {strides = array<i32>} : memref<256x128xf32, #tpu.memory_space<vmem>>, vector<1x16xf32>,
    }
    %scan3A_84 = arith.constant 256 : i32
    %mul3A_85 = arith.constant 512 : i32
    %mul3A_86 = arith.muli %add3A, %mul3A_85 : i32
    %add3A_87 = arith.constant 0 : i32
    %add3A_88 = arith.addi %mul3A_86, %add3A_87 : i32
    "tpu.region"() ({
      %run_scoped3A_179 = tpu.sem_alloc : memref<!tpu.dma_semaphore, #tpu.memory_space<semaphore_mem>>
      %dma_start3A_180 = arith.constant 0 : i32
      %dma_start3A_181 = tpu.memref_slice %arg4[%add3A_88, %dma_start3A_180] : memref<16384x128xf32, #tpu.memory_space<hbm>> -> memref<256x128xf32, #tpu.memory_space<hbm>>
      %dma_start3A_182 = arith.constant 0 : i32
      %dma_start3A_183 = tpu.memref_slice %arg4[%add3A_88, %dma_start3A_182] : memref<16384x128xf32, #tpu.memory_space<hbm>> -> memref<256x128xf32, #tpu.memory_space<hbm>>
      tpu.enqueue_dma source(%arg7 : memref<256x128xf32, #tpu.memory_space<vmem>>) target(%dma_start3A_183 : memref<256x128xf32, #tpu.memory_space<hbm>>) target_semaphore(%run_scoped3A_179 : memref<!tpu.dma_semaphore, #tpu.memory_space<semaphore_mem>>)
      %dma_wait3A_184 = arith.constant 0 : i32
      %dma_wait3A_185 = tpu.memref_slice %arg4[%add3A_88, %dma_wait3A_184] : memref<16384x128xf32, #tpu.memory_space<hbm>> -> memref<256x128xf32, #tpu.memory_space<hbm>>
      %dma_wait3A_186 = arith.constant 0 : i32
      %dma_wait3A_187 = tpu.memref_slice %arg4[%add3A_88, %dma_wait3A_186] : memref<16384x128xf32, #tpu.memory_space<hbm>> -> memref<256x128xf32, #tpu.memory_space<hbm>>
      tpu.wait_dma2 semaphore(%run_scoped3A_179 : memref<!tpu.dma_semaphore, #tpu.memory_space<semaphore_mem>>) src(%arg7 : memref<256x128xf32, #tpu.memory_space<vmem>>) dst(%dma_wait3A_187 : memref<256x128xf32, #tpu.memory_space<hbm>>)
      tpu.yield
    }) : () -> ()
    %dma_start3A_89 = arith.constant 2 : i32
    %dma_start3A_90 = arith.constant 0 : i32
    %dma_start3A_91 = arith.constant 0 : i32
    %dma_start3A_92 = tpu.memref_slice %arg7[%dma_start3A_90, %dma_start3A_91] : memref<256x128xf32, #tpu.memory_space<vmem>> -> memref<128x128xf32, #tpu.memory_space<vmem>>
    %dma_start3A_93 = arith.constant 0 : i32
    %dma_start3A_94 = tpu.memref_slice %arg5[%dma_start3A_89, %dma_start3A_93] : memref<4x128xi32, #tpu.memory_space<vmem>> -> memref<1x128xi32, #tpu.memory_space<vmem>>
    %dma_start3A_95 = tpu.memref_squeeze %dma_start3A_94 : memref<1x128xi32, #tpu.memory_space<vmem>> -> memref<128xi32, #tpu.memory_space<vmem>>
    %dma_start3A_96 = arith.constant 0 : i32
    %dma_start3A_97 = arith.constant 0 : i32
    %dma_start3A_98 = tpu.memref_slice %arg2[%dma_start3A_96, %dma_start3A_97] : memref<32768x128xf32, #tpu.memory_space<hbm>> -> memref<32768x128xf32, #tpu.memory_space<hbm>>
    tpu.enqueue_indirect_dma source(%dma_start3A_98 : memref<32768x128xf32, #tpu.memory_space<hbm>>) target(%dma_start3A_92 : memref<128x128xf32, #tpu.memory_space<vmem>>) offsets(%dma_start3A_95 : memref<128xi32, #tpu.memory_space<vmem>>) semaphore(%arg9 : memref<!tpu.dma_semaphore, #tpu.memory_space<semaphore_mem>>)
    %dma_start3A_99 = arith.constant 2 : i32
    %dma_start3A_100 = arith.constant 0 : i32
    %dma_start3A_101 = arith.constant 0 : i32
    %dma_start3A_102 = tpu.memref_slice %arg8[%dma_start3A_100, %dma_start3A_101] : memref<256x128xf32, #tpu.memory_space<vmem>> -> memref<128x128xf32, #tpu.memory_space<vmem>>
    %dma_start3A_103 = arith.constant 0 : i32
    %dma_start3A_104 = tpu.memref_slice %arg6[%dma_start3A_99, %dma_start3A_103] : memref<4x128xi32, #tpu.memory_space<vmem>> -> memref<1x128xi32, #tpu.memory_space<vmem>>
    %dma_start3A_105 = tpu.memref_squeeze %dma_start3A_104 : memref<1x128xi32, #tpu.memory_space<vmem>> -> memref<128xi32, #tpu.memory_space<vmem>>
    %dma_start3A_106 = arith.constant 0 : i32
    %dma_start3A_107 = arith.constant 0 : i32
    %dma_start3A_108 = tpu.memref_slice %arg2[%dma_start3A_106, %dma_start3A_107] : memref<32768x128xf32, #tpu.memory_space<hbm>> -> memref<32768x128xf32, #tpu.memory_space<hbm>>
    tpu.enqueue_indirect_dma source(%dma_start3A_108 : memref<32768x128xf32, #tpu.memory_space<hbm>>) target(%dma_start3A_102 : memref<128x128xf32, #tpu.memory_space<vmem>>) offsets(%dma_start3A_105 : memref<128xi32, #tpu.memory_space<vmem>>) semaphore(%arg9 : memref<!tpu.dma_semaphore, #tpu.memory_space<semaphore_mem>>)
    %dma_start3A_109 = arith.constant 3 : i32
    %dma_start3A_110 = arith.constant 128 : i32
    %dma_start3A_111 = arith.constant 0 : i32
    %dma_start3A_112 = tpu.memref_slice %arg7[%dma_start3A_110, %dma_start3A_111] : memref<256x128xf32, #tpu.memory_space<vmem>> -> memref<128x128xf32, #tpu.memory_space<vmem>>
    %dma_start3A_113 = arith.constant 0 : i32
    %dma_start3A_114 = tpu.memref_slice %arg5[%dma_start3A_109, %dma_start3A_113] : memref<4x128xi32, #tpu.memory_space<vmem>> -> memref<1x128xi32, #tpu.memory_space<vmem>>
    %dma_start3A_115 = tpu.memref_squeeze %dma_start3A_114 : memref<1x128xi32, #tpu.memory_space<vmem>> -> memref<128xi32, #tpu.memory_space<vmem>>
    %dma_start3A_116 = arith.constant 0 : i32
    %dma_start3A_117 = arith.constant 0 : i32
    %dma_start3A_118 = tpu.memref_slice %arg2[%dma_start3A_116, %dma_start3A_117] : memref<32768x128xf32, #tpu.memory_space<hbm>> -> memref<32768x128xf32, #tpu.memory_space<hbm>>
    tpu.enqueue_indirect_dma source(%dma_start3A_118 : memref<32768x128xf32, #tpu.memory_space<hbm>>) target(%dma_start3A_112 : memref<128x128xf32, #tpu.memory_space<vmem>>) offsets(%dma_start3A_115 : memref<128xi32, #tpu.memory_space<vmem>>) semaphore(%arg9 : memref<!tpu.dma_semaphore, #tpu.memory_space<semaphore_mem>>)
    %dma_start3A_119 = arith.constant 3 : i32
    %dma_start3A_120 = arith.constant 128 : i32
    %dma_start3A_121 = arith.constant 0 : i32
    %dma_start3A_122 = tpu.memref_slice %arg8[%dma_start3A_120, %dma_start3A_121] : memref<256x128xf32, #tpu.memory_space<vmem>> -> memref<128x128xf32, #tpu.memory_space<vmem>>
    %dma_start3A_123 = arith.constant 0 : i32
    %dma_start3A_124 = tpu.memref_slice %arg6[%dma_start3A_119, %dma_start3A_123] : memref<4x128xi32, #tpu.memory_space<vmem>> -> memref<1x128xi32, #tpu.memory_space<vmem>>
    %dma_start3A_125 = tpu.memref_squeeze %dma_start3A_124 : memref<1x128xi32, #tpu.memory_space<vmem>> -> memref<128xi32, #tpu.memory_space<vmem>>
    %dma_start3A_126 = arith.constant 0 : i32
    %dma_start3A_127 = arith.constant 0 : i32
    %dma_start3A_128 = tpu.memref_slice %arg2[%dma_start3A_126, %dma_start3A_127] : memref<32768x128xf32, #tpu.memory_space<hbm>> -> memref<32768x128xf32, #tpu.memory_space<hbm>>
    tpu.enqueue_indirect_dma source(%dma_start3A_128 : memref<32768x128xf32, #tpu.memory_space<hbm>>) target(%dma_start3A_122 : memref<128x128xf32, #tpu.memory_space<vmem>>) offsets(%dma_start3A_125 : memref<128xi32, #tpu.memory_space<vmem>>) semaphore(%arg9 : memref<!tpu.dma_semaphore, #tpu.memory_space<semaphore_mem>>)
    %dma_wait3A_129 = arith.constant 2 : i32
    %dma_wait3A_130 = arith.constant 0 : i32
    %dma_wait3A_131 = arith.constant 0 : i32
    %dma_wait3A_132 = tpu.memref_slice %arg7[%dma_wait3A_130, %dma_wait3A_131] : memref<256x128xf32, #tpu.memory_space<vmem>> -> memref<128x128xf32, #tpu.memory_space<vmem>>
    %dma_wait3A_133 = arith.constant 0 : i32
    %dma_wait3A_134 = tpu.memref_slice %arg5[%dma_wait3A_129, %dma_wait3A_133] : memref<4x128xi32, #tpu.memory_space<vmem>> -> memref<1x128xi32, #tpu.memory_space<vmem>>
    %dma_wait3A_135 = tpu.memref_squeeze %dma_wait3A_134 : memref<1x128xi32, #tpu.memory_space<vmem>> -> memref<128xi32, #tpu.memory_space<vmem>>
    %dma_wait3A_136 = arith.constant 0 : i32
    %dma_wait3A_137 = arith.constant 0 : i32
    %dma_wait3A_138 = tpu.memref_slice %arg2[%dma_wait3A_136, %dma_wait3A_137] : memref<32768x128xf32, #tpu.memory_space<hbm>> -> memref<32768x128xf32, #tpu.memory_space<hbm>>
    tpu.wait_indirect_dma semaphore(%arg9 : memref<!tpu.dma_semaphore, #tpu.memory_space<semaphore_mem>>) src(%dma_wait3A_138 : memref<32768x128xf32, #tpu.memory_space<hbm>>) dst(%dma_wait3A_132 : memref<128x128xf32, #tpu.memory_space<vmem>>)
    %dma_wait3A_139 = arith.constant 2 : i32
    %dma_wait3A_140 = arith.constant 0 : i32
    %dma_wait3A_141 = arith.constant 0 : i32
    %dma_wait3A_142 = tpu.memref_slice %arg8[%dma_wait3A_140, %dma_wait3A_141] : memref<256x128xf32, #tpu.memory_space<vmem>> -> memref<128x128xf32, #tpu.memory_space<vmem>>
    %dma_wait3A_143 = arith.constant 0 : i32
    %dma_wait3A_144 = tpu.memref_slice %arg6[%dma_wait3A_139, %dma_wait3A_143] : memref<4x128xi32, #tpu.memory_space<vmem>> -> memref<1x128xi32, #tpu.memory_space<vmem>>
    %dma_wait3A_145 = tpu.memref_squeeze %dma_wait3A_144 : memref<1x128xi32, #tpu.memory_space<vmem>> -> memref<128xi32, #tpu.memory_space<vmem>>
    %dma_wait3A_146 = arith.constant 0 : i32
    %dma_wait3A_147 = arith.constant 0 : i32
    %dma_wait3A_148 = tpu.memref_slice %arg2[%dma_wait3A_146, %dma_wait3A_147] : memref<32768x128xf32, #tpu.memory_space<hbm>> -> memref<32768x128xf32, #tpu.memory_space<hbm>>
    tpu.wait_indirect_dma semaphore(%arg9 : memref<!tpu.dma_semaphore, #tpu.memory_space<semaphore_mem>>) src(%dma_wait3A_148 : memref<32768x128xf32, #tpu.memory_space<hbm>>) dst(%dma_wait3A_142 : memref<128x128xf32, #tpu.memory_space<vmem>>)
    %dma_wait3A_149 = arith.constant 3 : i32
    %dma_wait3A_150 = arith.constant 128 : i32
    %dma_wait3A_151 = arith.constant 0 : i32
    %dma_wait3A_152 = tpu.memref_slice %arg7[%dma_wait3A_150, %dma_wait3A_151] : memref<256x128xf32, #tpu.memory_space<vmem>> -> memref<128x128xf32, #tpu.memory_space<vmem>>
    %dma_wait3A_153 = arith.constant 0 : i32
    %dma_wait3A_154 = tpu.memref_slice %arg5[%dma_wait3A_149, %dma_wait3A_153] : memref<4x128xi32, #tpu.memory_space<vmem>> -> memref<1x128xi32, #tpu.memory_space<vmem>>
    %dma_wait3A_155 = tpu.memref_squeeze %dma_wait3A_154 : memref<1x128xi32, #tpu.memory_space<vmem>> -> memref<128xi32, #tpu.memory_space<vmem>>
    %dma_wait3A_156 = arith.constant 0 : i32
    %dma_wait3A_157 = arith.constant 0 : i32
    %dma_wait3A_158 = tpu.memref_slice %arg2[%dma_wait3A_156, %dma_wait3A_157] : memref<32768x128xf32, #tpu.memory_space<hbm>> -> memref<32768x128xf32, #tpu.memory_space<hbm>>
    tpu.wait_indirect_dma semaphore(%arg9 : memref<!tpu.dma_semaphore, #tpu.memory_space<semaphore_mem>>) src(%dma_wait3A_158 : memref<32768x128xf32, #tpu.memory_space<hbm>>) dst(%dma_wait3A_152 : memref<128x128xf32, #tpu.memory_space<vmem>>)
    %dma_wait3A_159 = arith.constant 3 : i32
    %dma_wait3A_160 = arith.constant 128 : i32
    %dma_wait3A_161 = arith.constant 0 : i32
    %dma_wait3A_162 = tpu.memref_slice %arg8[%dma_wait3A_160, %dma_wait3A_161] : memref<256x128xf32, #tpu.memory_space<vmem>> -> memref<128x128xf32, #tpu.memory_space<vmem>>
    %dma_wait3A_163 = arith.constant 0 : i32
    %dma_wait3A_164 = tpu.memref_slice %arg6[%dma_wait3A_159, %dma_wait3A_163] : memref<4x128xi32, #tpu.memory_space<vmem>> -> memref<1x128xi32, #tpu.memory_space<vmem>>
    %dma_wait3A_165 = tpu.memref_squeeze %dma_wait3A_164 : memref<1x128xi32, #tpu.memory_space<vmem>> -> memref<128xi32, #tpu.memory_space<vmem>>
    %dma_wait3A_166 = arith.constant 0 : i32
    %dma_wait3A_167 = arith.constant 0 : i32
    %dma_wait3A_168 = tpu.memref_slice %arg2[%dma_wait3A_166, %dma_wait3A_167] : memref<32768x128xf32, #tpu.memory_space<hbm>> -> memref<32768x128xf32, #tpu.memory_space<hbm>>
    tpu.wait_indirect_dma semaphore(%arg9 : memref<!tpu.dma_semaphore, #tpu.memory_space<semaphore_mem>>) src(%dma_wait3A_168 : memref<32768x128xf32, #tpu.memory_space<hbm>>) dst(%dma_wait3A_162 : memref<128x128xf32, #tpu.memory_space<vmem>>)
    %scan3A_169 = arith.constant 0 : i32
    %scan3A_170 = arith.constant 0 : i32
    %scan3A_171 = arith.constant 256 : i32
    %scan3A_172 = arith.addi %scan3A_170, %scan3A_171 : i32
    %scan3A_173 = arith.constant 1 : i32
    scf.for %scan3A_179 = %scan3A_170 to %scan3A_172 step %scan3A_173  : i32 {
      %get3A = arith.index_cast %scan3A_179 : i32 to index
      %get3A_180 = arith.constant 0 : index
      %get3A_181 = tpu.vector_load %arg7[%get3A, %get3A_180] {strides = array<i32>} : memref<256x128xf32, #tpu.memory_space<vmem>>, vector<1x16xf32>,
      %get3A_182 = vector.shape_cast %get3A_181 : vector<1x16xf32> to vector<16xf32>
      %get3A_183 = arith.index_cast %scan3A_179 : i32 to index
      %get3A_184 = arith.constant 0 : index
      %get3A_185 = tpu.vector_load %arg8[%get3A_183, %get3A_184] {strides = array<i32>} : memref<256x128xf32, #tpu.memory_space<vmem>>, vector<1x16xf32>,
      %get3A_186 = vector.shape_cast %get3A_185 : vector<1x16xf32> to vector<16xf32>
      %mul3A_187 = arith.mulf %get3A_182, %get3A_186 : vector<16xf32>
      %swap3A = arith.index_cast %scan3A_179 : i32 to index
      %swap3A_188 = arith.constant 0 : index
      %swap3A_189 = tpu.vector_load %arg7[%swap3A, %swap3A_188] {strides = array<i32>} : memref<256x128xf32, #tpu.memory_space<vmem>>, vector<1x16xf32>,
      %swap3A_190 = vector.shape_cast %swap3A_189 : vector<1x16xf32> to vector<16xf32>
      %swap3A_191 = vector.shape_cast %mul3A_187 : vector<16xf32> to vector<1x16xf32>
      tpu.vector_store %arg7[%swap3A, %swap3A_188], %swap3A_191 {strides = array<i32>} : memref<256x128xf32, #tpu.memory_space<vmem>>, vector<1x16xf32>,
      %get3A_192 = arith.index_cast %scan3A_179 : i32 to index
      %get3A_193 = arith.constant 16 : index
      %get3A_194 = tpu.vector_load %arg7[%get3A_192, %get3A_193] {strides = array<i32>} : memref<256x128xf32, #tpu.memory_space<vmem>>, vector<1x16xf32>,
      %get3A_195 = vector.shape_cast %get3A_194 : vector<1x16xf32> to vector<16xf32>
      %get3A_196 = arith.index_cast %scan3A_179 : i32 to index
      %get3A_197 = arith.constant 16 : index
      %get3A_198 = tpu.vector_load %arg8[%get3A_196, %get3A_197] {strides = array<i32>} : memref<256x128xf32, #tpu.memory_space<vmem>>, vector<1x16xf32>,
      %get3A_199 = vector.shape_cast %get3A_198 : vector<1x16xf32> to vector<16xf32>
      %mul3A_200 = arith.mulf %get3A_195, %get3A_199 : vector<16xf32>
      %swap3A_201 = arith.index_cast %scan3A_179 : i32 to index
      %swap3A_202 = arith.constant 16 : index
      %swap3A_203 = tpu.vector_load %arg7[%swap3A_201, %swap3A_202] {strides = array<i32>} : memref<256x128xf32, #tpu.memory_space<vmem>>, vector<1x16xf32>,
      %swap3A_204 = vector.shape_cast %swap3A_203 : vector<1x16xf32> to vector<16xf32>
      %swap3A_205 = vector.shape_cast %mul3A_200 : vector<16xf32> to vector<1x16xf32>
      tpu.vector_store %arg7[%swap3A_201, %swap3A_202], %swap3A_205 {strides = array<i32>} : memref<256x128xf32, #tpu.memory_space<vmem>>, vector<1x16xf32>,
      %get3A_206 = arith.index_cast %scan3A_179 : i32 to index
      %get3A_207 = arith.constant 32 : index
      %get3A_208 = tpu.vector_load %arg7[%get3A_206, %get3A_207] {strides = array<i32>} : memref<256x128xf32, #tpu.memory_space<vmem>>, vector<1x16xf32>,
      %get3A_209 = vector.shape_cast %get3A_208 : vector<1x16xf32> to vector<16xf32>
      %get3A_210 = arith.index_cast %scan3A_179 : i32 to index
      %get3A_211 = arith.constant 32 : index
      %get3A_212 = tpu.vector_load %arg8[%get3A_210, %get3A_211] {strides = array<i32>} : memref<256x128xf32, #tpu.memory_space<vmem>>, vector<1x16xf32>,
      %get3A_213 = vector.shape_cast %get3A_212 : vector<1x16xf32> to vector<16xf32>
      %mul3A_214 = arith.mulf %get3A_209, %get3A_213 : vector<16xf32>
      %swap3A_215 = arith.index_cast %scan3A_179 : i32 to index
      %swap3A_216 = arith.constant 32 : index
      %swap3A_217 = tpu.vector_load %arg7[%swap3A_215, %swap3A_216] {strides = array<i32>} : memref<256x128xf32, #tpu.memory_space<vmem>>, vector<1x16xf32>,
      %swap3A_218 = vector.shape_cast %swap3A_217 : vector<1x16xf32> to vector<16xf32>
      %swap3A_219 = vector.shape_cast %mul3A_214 : vector<16xf32> to vector<1x16xf32>
      tpu.vector_store %arg7[%swap3A_215, %swap3A_216], %swap3A_219 {strides = array<i32>} : memref<256x128xf32, #tpu.memory_space<vmem>>, vector<1x16xf32>,
      %get3A_220 = arith.index_cast %scan3A_179 : i32 to index
      %get3A_221 = arith.constant 48 : index
      %get3A_222 = tpu.vector_load %arg7[%get3A_220, %get3A_221] {strides = array<i32>} : memref<256x128xf32, #tpu.memory_space<vmem>>, vector<1x16xf32>,
      %get3A_223 = vector.shape_cast %get3A_222 : vector<1x16xf32> to vector<16xf32>
      %get3A_224 = arith.index_cast %scan3A_179 : i32 to index
      %get3A_225 = arith.constant 48 : index
      %get3A_226 = tpu.vector_load %arg8[%get3A_224, %get3A_225] {strides = array<i32>} : memref<256x128xf32, #tpu.memory_space<vmem>>, vector<1x16xf32>,
      %get3A_227 = vector.shape_cast %get3A_226 : vector<1x16xf32> to vector<16xf32>
      %mul3A_228 = arith.mulf %get3A_223, %get3A_227 : vector<16xf32>
      %swap3A_229 = arith.index_cast %scan3A_179 : i32 to index
      %swap3A_230 = arith.constant 48 : index
      %swap3A_231 = tpu.vector_load %arg7[%swap3A_229, %swap3A_230] {strides = array<i32>} : memref<256x128xf32, #tpu.memory_space<vmem>>, vector<1x16xf32>,
      %swap3A_232 = vector.shape_cast %swap3A_231 : vector<1x16xf32> to vector<16xf32>
      %swap3A_233 = vector.shape_cast %mul3A_228 : vector<16xf32> to vector<1x16xf32>
      tpu.vector_store %arg7[%swap3A_229, %swap3A_230], %swap3A_233 {strides = array<i32>} : memref<256x128xf32, #tpu.memory_space<vmem>>, vector<1x16xf32>,
      %get3A_234 = arith.index_cast %scan3A_179 : i32 to index
      %get3A_235 = arith.constant 64 : index
      %get3A_236 = tpu.vector_load %arg7[%get3A_234, %get3A_235] {strides = array<i32>} : memref<256x128xf32, #tpu.memory_space<vmem>>, vector<1x16xf32>,
      %get3A_237 = vector.shape_cast %get3A_236 : vector<1x16xf32> to vector<16xf32>
      %get3A_238 = arith.index_cast %scan3A_179 : i32 to index
      %get3A_239 = arith.constant 64 : index
      %get3A_240 = tpu.vector_load %arg8[%get3A_238, %get3A_239] {strides = array<i32>} : memref<256x128xf32, #tpu.memory_space<vmem>>, vector<1x16xf32>,
      %get3A_241 = vector.shape_cast %get3A_240 : vector<1x16xf32> to vector<16xf32>
      %mul3A_242 = arith.mulf %get3A_237, %get3A_241 : vector<16xf32>
      %swap3A_243 = arith.index_cast %scan3A_179 : i32 to index
      %swap3A_244 = arith.constant 64 : index
      %swap3A_245 = tpu.vector_load %arg7[%swap3A_243, %swap3A_244] {strides = array<i32>} : memref<256x128xf32, #tpu.memory_space<vmem>>, vector<1x16xf32>,
      %swap3A_246 = vector.shape_cast %swap3A_245 : vector<1x16xf32> to vector<16xf32>
      %swap3A_247 = vector.shape_cast %mul3A_242 : vector<16xf32> to vector<1x16xf32>
      tpu.vector_store %arg7[%swap3A_243, %swap3A_244], %swap3A_247 {strides = array<i32>} : memref<256x128xf32, #tpu.memory_space<vmem>>, vector<1x16xf32>,
      %get3A_248 = arith.index_cast %scan3A_179 : i32 to index
      %get3A_249 = arith.constant 80 : index
      %get3A_250 = tpu.vector_load %arg7[%get3A_248, %get3A_249] {strides = array<i32>} : memref<256x128xf32, #tpu.memory_space<vmem>>, vector<1x16xf32>,
      %get3A_251 = vector.shape_cast %get3A_250 : vector<1x16xf32> to vector<16xf32>
      %get3A_252 = arith.index_cast %scan3A_179 : i32 to index
      %get3A_253 = arith.constant 80 : index
      %get3A_254 = tpu.vector_load %arg8[%get3A_252, %get3A_253] {strides = array<i32>} : memref<256x128xf32, #tpu.memory_space<vmem>>, vector<1x16xf32>,
      %get3A_255 = vector.shape_cast %get3A_254 : vector<1x16xf32> to vector<16xf32>
      %mul3A_256 = arith.mulf %get3A_251, %get3A_255 : vector<16xf32>
      %swap3A_257 = arith.index_cast %scan3A_179 : i32 to index
      %swap3A_258 = arith.constant 80 : index
      %swap3A_259 = tpu.vector_load %arg7[%swap3A_257, %swap3A_258] {strides = array<i32>} : memref<256x128xf32, #tpu.memory_space<vmem>>, vector<1x16xf32>,
      %swap3A_260 = vector.shape_cast %swap3A_259 : vector<1x16xf32> to vector<16xf32>
      %swap3A_261 = vector.shape_cast %mul3A_256 : vector<16xf32> to vector<1x16xf32>
      tpu.vector_store %arg7[%swap3A_257, %swap3A_258], %swap3A_261 {strides = array<i32>} : memref<256x128xf32, #tpu.memory_space<vmem>>, vector<1x16xf32>,
      %get3A_262 = arith.index_cast %scan3A_179 : i32 to index
      %get3A_263 = arith.constant 96 : index
      %get3A_264 = tpu.vector_load %arg7[%get3A_262, %get3A_263] {strides = array<i32>} : memref<256x128xf32, #tpu.memory_space<vmem>>, vector<1x16xf32>,
      %get3A_265 = vector.shape_cast %get3A_264 : vector<1x16xf32> to vector<16xf32>
      %get3A_266 = arith.index_cast %scan3A_179 : i32 to index
      %get3A_267 = arith.constant 96 : index
      %get3A_268 = tpu.vector_load %arg8[%get3A_266, %get3A_267] {strides = array<i32>} : memref<256x128xf32, #tpu.memory_space<vmem>>, vector<1x16xf32>,
      %get3A_269 = vector.shape_cast %get3A_268 : vector<1x16xf32> to vector<16xf32>
      %mul3A_270 = arith.mulf %get3A_265, %get3A_269 : vector<16xf32>
      %swap3A_271 = arith.index_cast %scan3A_179 : i32 to index
      %swap3A_272 = arith.constant 96 : index
      %swap3A_273 = tpu.vector_load %arg7[%swap3A_271, %swap3A_272] {strides = array<i32>} : memref<256x128xf32, #tpu.memory_space<vmem>>, vector<1x16xf32>,
      %swap3A_274 = vector.shape_cast %swap3A_273 : vector<1x16xf32> to vector<16xf32>
      %swap3A_275 = vector.shape_cast %mul3A_270 : vector<16xf32> to vector<1x16xf32>
      tpu.vector_store %arg7[%swap3A_271, %swap3A_272], %swap3A_275 {strides = array<i32>} : memref<256x128xf32, #tpu.memory_space<vmem>>, vector<1x16xf32>,
      %get3A_276 = arith.index_cast %scan3A_179 : i32 to index
      %get3A_277 = arith.constant 112 : index
      %get3A_278 = tpu.vector_load %arg7[%get3A_276, %get3A_277] {strides = array<i32>} : memref<256x128xf32, #tpu.memory_space<vmem>>, vector<1x16xf32>,
      %get3A_279 = vector.shape_cast %get3A_278 : vector<1x16xf32> to vector<16xf32>
      %get3A_280 = arith.index_cast %scan3A_179 : i32 to index
      %get3A_281 = arith.constant 112 : index
      %get3A_282 = tpu.vector_load %arg8[%get3A_280, %get3A_281] {strides = array<i32>} : memref<256x128xf32, #tpu.memory_space<vmem>>, vector<1x16xf32>,
      %get3A_283 = vector.shape_cast %get3A_282 : vector<1x16xf32> to vector<16xf32>
      %mul3A_284 = arith.mulf %get3A_279, %get3A_283 : vector<16xf32>
      %swap3A_285 = arith.index_cast %scan3A_179 : i32 to index
      %swap3A_286 = arith.constant 112 : index
      %swap3A_287 = tpu.vector_load %arg7[%swap3A_285, %swap3A_286] {strides = array<i32>} : memref<256x128xf32, #tpu.memory_space<vmem>>, vector<1x16xf32>,
      %swap3A_288 = vector.shape_cast %swap3A_287 : vector<1x16xf32> to vector<16xf32>
      %swap3A_289 = vector.shape_cast %mul3A_284 : vector<16xf32> to vector<1x16xf32>
      tpu.vector_store %arg7[%swap3A_285, %swap3A_286], %swap3A_289 {strides = array<i32>} : memref<256x128xf32, #tpu.memory_space<vmem>>, vector<1x16xf32>,
    }
    %scan3A_174 = arith.constant 256 : i32
    %mul3A_175 = arith.constant 512 : i32
    %mul3A_176 = arith.muli %add3A, %mul3A_175 : i32
    %add3A_177 = arith.constant 256 : i32
    %add3A_178 = arith.addi %mul3A_176, %add3A_177 : i32
    "tpu.region"() ({
      %run_scoped3A_179 = tpu.sem_alloc : memref<!tpu.dma_semaphore, #tpu.memory_space<semaphore_mem>>
      %dma_start3A_180 = arith.constant 0 : i32
      %dma_start3A_181 = tpu.memref_slice %arg4[%add3A_178, %dma_start3A_180] : memref<16384x128xf32, #tpu.memory_space<hbm>> -> memref<256x128xf32, #tpu.memory_space<hbm>>
      %dma_start3A_182 = arith.constant 0 : i32
      %dma_start3A_183 = tpu.memref_slice %arg4[%add3A_178, %dma_start3A_182] : memref<16384x128xf32, #tpu.memory_space<hbm>> -> memref<256x128xf32, #tpu.memory_space<hbm>>
      tpu.enqueue_dma source(%arg7 : memref<256x128xf32, #tpu.memory_space<vmem>>) target(%dma_start3A_183 : memref<256x128xf32, #tpu.memory_space<hbm>>) target_semaphore(%run_scoped3A_179 : memref<!tpu.dma_semaphore, #tpu.memory_space<semaphore_mem>>)
      %dma_wait3A_184 = arith.constant 0 : i32
      %dma_wait3A_185 = tpu.memref_slice %arg4[%add3A_178, %dma_wait3A_184] : memref<16384x128xf32, #tpu.memory_space<hbm>> -> memref<256x128xf32, #tpu.memory_space<hbm>>
      %dma_wait3A_186 = arith.constant 0 : i32
      %dma_wait3A_187 = tpu.memref_slice %arg4[%add3A_178, %dma_wait3A_186] : memref<16384x128xf32, #tpu.memory_space<hbm>> -> memref<256x128xf32, #tpu.memory_space<hbm>>
      tpu.wait_dma2 semaphore(%run_scoped3A_179 : memref<!tpu.dma_semaphore, #tpu.memory_space<semaphore_mem>>) src(%arg7 : memref<256x128xf32, #tpu.memory_space<vmem>>) dst(%dma_wait3A_187 : memref<256x128xf32, #tpu.memory_space<hbm>>)
      tpu.yield
    }) : () -> ()
    return
  }
}

#map = affine_map<(d0, d1) -> (0, 0, 0, 0)>
module attributes {stable_mosaic.version = 14 : i64} {
  func.func @_dedup_body(%arg0: i32, %arg1: i32, %arg2: memref<2x16x8x128xi32, #tpu.memory_space<hbm>>, %arg3: memref<2x16x8x128xi32, #tpu.memory_space<hbm>>, %arg4: memref<2x32x4x128xi32, #tpu.memory_space<hbm>>, %arg5: memref<2x32x4x128xi32, #tpu.memory_space<hbm>>, %arg6: memref<1000000xi32, #tpu.memory_space<vmem_shared>>, %arg7: memref<8x128xi32, #tpu.memory_space<vmem>>, %arg8: memref<8x128xi32, #tpu.memory_space<vmem>>, %arg9: memref<4x128xi32, #tpu.memory_space<vmem>>, %arg10: memref<4x128xi32, #tpu.memory_space<vmem>>, %arg11: memref<4x128xi32, #tpu.memory_space<vmem>>) attributes {dimension_semantics = [#tpu.dimension_semantics<core_parallel>, #tpu.dimension_semantics<subcore_parallel>], iteration_bounds = array<i64: 2, 16>, scalar_prefetch = 0 : i64, scratch_operands = 6 : i64, tpu.core_type = #tpu.core_type<sc_vector_subcore>, window_params = [{transform_indices = #map}, {transform_indices = #map}, {transform_indices = #map}, {transform_indices = #map}]} {
    %mul3A = arith.constant 16 : i32
    %mul3A_0 = arith.muli %arg0, %mul3A : i32
    %add3A = arith.addi %mul3A_0, %arg1 : i32
    %run_scoped3A = arith.constant 0 : i32
    "tpu.region"() ({
      %run_scoped3A_59 = tpu.sem_alloc : memref<!tpu.dma_semaphore, #tpu.memory_space<semaphore_mem>>
      %dma_start3A = arith.constant 0 : i32
      %dma_start3A_60 = arith.constant 0 : i32
      %dma_start3A_61 = arith.constant 0 : i32
      %dma_start3A_62 = tpu.memref_slice %arg2[%run_scoped3A, %dma_start3A, %dma_start3A_60, %dma_start3A_61] : memref<2x16x8x128xi32, #tpu.memory_space<hbm>> -> memref<1x16x8x128xi32, #tpu.memory_space<hbm>>
      %dma_start3A_63 = tpu.memref_squeeze %dma_start3A_62 : memref<1x16x8x128xi32, #tpu.memory_space<hbm>> -> memref<16x8x128xi32, #tpu.memory_space<hbm>>
      %dma_start3A_64 = arith.constant 0 : i32
      %dma_start3A_65 = arith.constant 0 : i32
      %dma_start3A_66 = tpu.memref_slice %dma_start3A_63[%arg1, %dma_start3A_64, %dma_start3A_65] : memref<16x8x128xi32, #tpu.memory_space<hbm>> -> memref<1x8x128xi32, #tpu.memory_space<hbm>>
      %dma_start3A_67 = tpu.memref_squeeze %dma_start3A_66 : memref<1x8x128xi32, #tpu.memory_space<hbm>> -> memref<8x128xi32, #tpu.memory_space<hbm>>
      %dma_start3A_68 = arith.constant 0 : i32
      %dma_start3A_69 = arith.constant 0 : i32
      %dma_start3A_70 = arith.constant 0 : i32
      %dma_start3A_71 = tpu.memref_slice %arg2[%run_scoped3A, %dma_start3A_68, %dma_start3A_69, %dma_start3A_70] : memref<2x16x8x128xi32, #tpu.memory_space<hbm>> -> memref<1x16x8x128xi32, #tpu.memory_space<hbm>>
      %dma_start3A_72 = tpu.memref_squeeze %dma_start3A_71 : memref<1x16x8x128xi32, #tpu.memory_space<hbm>> -> memref<16x8x128xi32, #tpu.memory_space<hbm>>
      %dma_start3A_73 = arith.constant 0 : i32
      %dma_start3A_74 = arith.constant 0 : i32
      %dma_start3A_75 = tpu.memref_slice %dma_start3A_72[%arg1, %dma_start3A_73, %dma_start3A_74] : memref<16x8x128xi32, #tpu.memory_space<hbm>> -> memref<1x8x128xi32, #tpu.memory_space<hbm>>
      %dma_start3A_76 = tpu.memref_squeeze %dma_start3A_75 : memref<1x8x128xi32, #tpu.memory_space<hbm>> -> memref<8x128xi32, #tpu.memory_space<hbm>>
      tpu.enqueue_dma source(%dma_start3A_76 : memref<8x128xi32, #tpu.memory_space<hbm>>) target(%arg7 : memref<8x128xi32, #tpu.memory_space<vmem>>) target_semaphore(%run_scoped3A_59 : memref<!tpu.dma_semaphore, #tpu.memory_space<semaphore_mem>>)
      %dma_wait3A = arith.constant 0 : i32
      %dma_wait3A_77 = arith.constant 0 : i32
      %dma_wait3A_78 = arith.constant 0 : i32
      %dma_wait3A_79 = tpu.memref_slice %arg2[%run_scoped3A, %dma_wait3A, %dma_wait3A_77, %dma_wait3A_78] : memref<2x16x8x128xi32, #tpu.memory_space<hbm>> -> memref<1x16x8x128xi32, #tpu.memory_space<hbm>>
      %dma_wait3A_80 = tpu.memref_squeeze %dma_wait3A_79 : memref<1x16x8x128xi32, #tpu.memory_space<hbm>> -> memref<16x8x128xi32, #tpu.memory_space<hbm>>
      %dma_wait3A_81 = arith.constant 0 : i32
      %dma_wait3A_82 = arith.constant 0 : i32
      %dma_wait3A_83 = tpu.memref_slice %dma_wait3A_80[%arg1, %dma_wait3A_81, %dma_wait3A_82] : memref<16x8x128xi32, #tpu.memory_space<hbm>> -> memref<1x8x128xi32, #tpu.memory_space<hbm>>
      %dma_wait3A_84 = tpu.memref_squeeze %dma_wait3A_83 : memref<1x8x128xi32, #tpu.memory_space<hbm>> -> memref<8x128xi32, #tpu.memory_space<hbm>>
      %dma_wait3A_85 = arith.constant 0 : i32
      %dma_wait3A_86 = arith.constant 0 : i32
      %dma_wait3A_87 = arith.constant 0 : i32
      %dma_wait3A_88 = tpu.memref_slice %arg2[%run_scoped3A, %dma_wait3A_85, %dma_wait3A_86, %dma_wait3A_87] : memref<2x16x8x128xi32, #tpu.memory_space<hbm>> -> memref<1x16x8x128xi32, #tpu.memory_space<hbm>>
      %dma_wait3A_89 = tpu.memref_squeeze %dma_wait3A_88 : memref<1x16x8x128xi32, #tpu.memory_space<hbm>> -> memref<16x8x128xi32, #tpu.memory_space<hbm>>
      %dma_wait3A_90 = arith.constant 0 : i32
      %dma_wait3A_91 = arith.constant 0 : i32
      %dma_wait3A_92 = tpu.memref_slice %dma_wait3A_89[%arg1, %dma_wait3A_90, %dma_wait3A_91] : memref<16x8x128xi32, #tpu.memory_space<hbm>> -> memref<1x8x128xi32, #tpu.memory_space<hbm>>
      %dma_wait3A_93 = tpu.memref_squeeze %dma_wait3A_92 : memref<1x8x128xi32, #tpu.memory_space<hbm>> -> memref<8x128xi32, #tpu.memory_space<hbm>>
      tpu.wait_dma2 semaphore(%run_scoped3A_59 : memref<!tpu.dma_semaphore, #tpu.memory_space<semaphore_mem>>) src(%dma_wait3A_93 : memref<8x128xi32, #tpu.memory_space<hbm>>) dst(%arg7 : memref<8x128xi32, #tpu.memory_space<vmem>>)
      tpu.yield
    }) : () -> ()
    %run_scoped3A_1 = arith.constant 0 : i32
    "tpu.region"() ({
      %run_scoped3A_59 = tpu.sem_alloc : memref<!tpu.dma_semaphore, #tpu.memory_space<semaphore_mem>>
      %dma_start3A = arith.constant 0 : i32
      %dma_start3A_60 = arith.constant 0 : i32
      %dma_start3A_61 = arith.constant 0 : i32
      %dma_start3A_62 = tpu.memref_slice %arg3[%run_scoped3A_1, %dma_start3A, %dma_start3A_60, %dma_start3A_61] : memref<2x16x8x128xi32, #tpu.memory_space<hbm>> -> memref<1x16x8x128xi32, #tpu.memory_space<hbm>>
      %dma_start3A_63 = tpu.memref_squeeze %dma_start3A_62 : memref<1x16x8x128xi32, #tpu.memory_space<hbm>> -> memref<16x8x128xi32, #tpu.memory_space<hbm>>
      %dma_start3A_64 = arith.constant 0 : i32
      %dma_start3A_65 = arith.constant 0 : i32
      %dma_start3A_66 = tpu.memref_slice %dma_start3A_63[%arg1, %dma_start3A_64, %dma_start3A_65] : memref<16x8x128xi32, #tpu.memory_space<hbm>> -> memref<1x8x128xi32, #tpu.memory_space<hbm>>
      %dma_start3A_67 = tpu.memref_squeeze %dma_start3A_66 : memref<1x8x128xi32, #tpu.memory_space<hbm>> -> memref<8x128xi32, #tpu.memory_space<hbm>>
      %dma_start3A_68 = arith.constant 0 : i32
      %dma_start3A_69 = arith.constant 0 : i32
      %dma_start3A_70 = arith.constant 0 : i32
      %dma_start3A_71 = tpu.memref_slice %arg3[%run_scoped3A_1, %dma_start3A_68, %dma_start3A_69, %dma_start3A_70] : memref<2x16x8x128xi32, #tpu.memory_space<hbm>> -> memref<1x16x8x128xi32, #tpu.memory_space<hbm>>
      %dma_start3A_72 = tpu.memref_squeeze %dma_start3A_71 : memref<1x16x8x128xi32, #tpu.memory_space<hbm>> -> memref<16x8x128xi32, #tpu.memory_space<hbm>>
      %dma_start3A_73 = arith.constant 0 : i32
      %dma_start3A_74 = arith.constant 0 : i32
      %dma_start3A_75 = tpu.memref_slice %dma_start3A_72[%arg1, %dma_start3A_73, %dma_start3A_74] : memref<16x8x128xi32, #tpu.memory_space<hbm>> -> memref<1x8x128xi32, #tpu.memory_space<hbm>>
      %dma_start3A_76 = tpu.memref_squeeze %dma_start3A_75 : memref<1x8x128xi32, #tpu.memory_space<hbm>> -> memref<8x128xi32, #tpu.memory_space<hbm>>
      tpu.enqueue_dma source(%dma_start3A_76 : memref<8x128xi32, #tpu.memory_space<hbm>>) target(%arg8 : memref<8x128xi32, #tpu.memory_space<vmem>>) target_semaphore(%run_scoped3A_59 : memref<!tpu.dma_semaphore, #tpu.memory_space<semaphore_mem>>)
      %dma_wait3A = arith.constant 0 : i32
      %dma_wait3A_77 = arith.constant 0 : i32
      %dma_wait3A_78 = arith.constant 0 : i32
      %dma_wait3A_79 = tpu.memref_slice %arg3[%run_scoped3A_1, %dma_wait3A, %dma_wait3A_77, %dma_wait3A_78] : memref<2x16x8x128xi32, #tpu.memory_space<hbm>> -> memref<1x16x8x128xi32, #tpu.memory_space<hbm>>
      %dma_wait3A_80 = tpu.memref_squeeze %dma_wait3A_79 : memref<1x16x8x128xi32, #tpu.memory_space<hbm>> -> memref<16x8x128xi32, #tpu.memory_space<hbm>>
      %dma_wait3A_81 = arith.constant 0 : i32
      %dma_wait3A_82 = arith.constant 0 : i32
      %dma_wait3A_83 = tpu.memref_slice %dma_wait3A_80[%arg1, %dma_wait3A_81, %dma_wait3A_82] : memref<16x8x128xi32, #tpu.memory_space<hbm>> -> memref<1x8x128xi32, #tpu.memory_space<hbm>>
      %dma_wait3A_84 = tpu.memref_squeeze %dma_wait3A_83 : memref<1x8x128xi32, #tpu.memory_space<hbm>> -> memref<8x128xi32, #tpu.memory_space<hbm>>
      %dma_wait3A_85 = arith.constant 0 : i32
      %dma_wait3A_86 = arith.constant 0 : i32
      %dma_wait3A_87 = arith.constant 0 : i32
      %dma_wait3A_88 = tpu.memref_slice %arg3[%run_scoped3A_1, %dma_wait3A_85, %dma_wait3A_86, %dma_wait3A_87] : memref<2x16x8x128xi32, #tpu.memory_space<hbm>> -> memref<1x16x8x128xi32, #tpu.memory_space<hbm>>
      %dma_wait3A_89 = tpu.memref_squeeze %dma_wait3A_88 : memref<1x16x8x128xi32, #tpu.memory_space<hbm>> -> memref<16x8x128xi32, #tpu.memory_space<hbm>>
      %dma_wait3A_90 = arith.constant 0 : i32
      %dma_wait3A_91 = arith.constant 0 : i32
      %dma_wait3A_92 = tpu.memref_slice %dma_wait3A_89[%arg1, %dma_wait3A_90, %dma_wait3A_91] : memref<16x8x128xi32, #tpu.memory_space<hbm>> -> memref<1x8x128xi32, #tpu.memory_space<hbm>>
      %dma_wait3A_93 = tpu.memref_squeeze %dma_wait3A_92 : memref<1x8x128xi32, #tpu.memory_space<hbm>> -> memref<8x128xi32, #tpu.memory_space<hbm>>
      tpu.wait_dma2 semaphore(%run_scoped3A_59 : memref<!tpu.dma_semaphore, #tpu.memory_space<semaphore_mem>>) src(%dma_wait3A_93 : memref<8x128xi32, #tpu.memory_space<hbm>>) dst(%arg8 : memref<8x128xi32, #tpu.memory_space<vmem>>)
      tpu.yield
    }) : () -> ()
    %run_scoped3A_2 = arith.constant 0 : i32
    %run_scoped3A_3 = arith.constant 0 : i32
    "tpu.region"() ({
      %run_scoped3A_59 = tpu.sem_alloc : memref<!tpu.dma_semaphore, #tpu.memory_space<semaphore_mem>>
      %dma_start3A = arith.constant 0 : i32
      %dma_start3A_60 = tpu.memref_slice %arg8[%run_scoped3A_2, %dma_start3A] : memref<8x128xi32, #tpu.memory_space<vmem>> -> memref<1x128xi32, #tpu.memory_space<vmem>>
      %dma_start3A_61 = tpu.memref_squeeze %dma_start3A_60 : memref<1x128xi32, #tpu.memory_space<vmem>> -> memref<128xi32, #tpu.memory_space<vmem>>
      %dma_start3A_62 = arith.constant 0 : i32
      %dma_start3A_63 = tpu.memref_slice %arg7[%run_scoped3A_3, %dma_start3A_62] : memref<8x128xi32, #tpu.memory_space<vmem>> -> memref<1x128xi32, #tpu.memory_space<vmem>>
      %dma_start3A_64 = tpu.memref_squeeze %dma_start3A_63 : memref<1x128xi32, #tpu.memory_space<vmem>> -> memref<128xi32, #tpu.memory_space<vmem>>
      %dma_start3A_65 = arith.constant 0 : i32
      %dma_start3A_66 = tpu.memref_slice %arg6[%dma_start3A_65] : memref<1000000xi32, #tpu.memory_space<vmem_shared>> -> memref<1000000xi32, #tpu.memory_space<vmem_shared>>
      tpu.enqueue_indirect_dma source(%dma_start3A_61 : memref<128xi32, #tpu.memory_space<vmem>>) target(%dma_start3A_66 : memref<1000000xi32, #tpu.memory_space<vmem_shared>>) offsets(%dma_start3A_64 : memref<128xi32, #tpu.memory_space<vmem>>) semaphore(%run_scoped3A_59 : memref<!tpu.dma_semaphore, #tpu.memory_space<semaphore_mem>>)
      %dma_wait3A = arith.constant 0 : i32
      %dma_wait3A_67 = tpu.memref_slice %arg8[%run_scoped3A_2, %dma_wait3A] : memref<8x128xi32, #tpu.memory_space<vmem>> -> memref<1x128xi32, #tpu.memory_space<vmem>>
      %dma_wait3A_68 = tpu.memref_squeeze %dma_wait3A_67 : memref<1x128xi32, #tpu.memory_space<vmem>> -> memref<128xi32, #tpu.memory_space<vmem>>
      %dma_wait3A_69 = arith.constant 0 : i32
      %dma_wait3A_70 = tpu.memref_slice %arg7[%run_scoped3A_3, %dma_wait3A_69] : memref<8x128xi32, #tpu.memory_space<vmem>> -> memref<1x128xi32, #tpu.memory_space<vmem>>
      %dma_wait3A_71 = tpu.memref_squeeze %dma_wait3A_70 : memref<1x128xi32, #tpu.memory_space<vmem>> -> memref<128xi32, #tpu.memory_space<vmem>>
      %dma_wait3A_72 = arith.constant 0 : i32
      %dma_wait3A_73 = tpu.memref_slice %arg6[%dma_wait3A_72] : memref<1000000xi32, #tpu.memory_space<vmem_shared>> -> memref<1000000xi32, #tpu.memory_space<vmem_shared>>
      tpu.wait_indirect_dma semaphore(%run_scoped3A_59 : memref<!tpu.dma_semaphore, #tpu.memory_space<semaphore_mem>>) src(%dma_wait3A_68 : memref<128xi32, #tpu.memory_space<vmem>>) dst(%dma_wait3A_73 : memref<1000000xi32, #tpu.memory_space<vmem_shared>>)
      tpu.yield
    }) : () -> ()
    %run_scoped3A_4 = arith.constant 1 : i32
    %run_scoped3A_5 = arith.constant 1 : i32
    "tpu.region"() ({
      %run_scoped3A_59 = tpu.sem_alloc : memref<!tpu.dma_semaphore, #tpu.memory_space<semaphore_mem>>
      %dma_start3A = arith.constant 0 : i32
      %dma_start3A_60 = tpu.memref_slice %arg8[%run_scoped3A_4, %dma_start3A] : memref<8x128xi32, #tpu.memory_space<vmem>> -> memref<1x128xi32, #tpu.memory_space<vmem>>
      %dma_start3A_61 = tpu.memref_squeeze %dma_start3A_60 : memref<1x128xi32, #tpu.memory_space<vmem>> -> memref<128xi32, #tpu.memory_space<vmem>>
      %dma_start3A_62 = arith.constant 0 : i32
      %dma_start3A_63 = tpu.memref_slice %arg7[%run_scoped3A_5, %dma_start3A_62] : memref<8x128xi32, #tpu.memory_space<vmem>> -> memref<1x128xi32, #tpu.memory_space<vmem>>
      %dma_start3A_64 = tpu.memref_squeeze %dma_start3A_63 : memref<1x128xi32, #tpu.memory_space<vmem>> -> memref<128xi32, #tpu.memory_space<vmem>>
      %dma_start3A_65 = arith.constant 0 : i32
      %dma_start3A_66 = tpu.memref_slice %arg6[%dma_start3A_65] : memref<1000000xi32, #tpu.memory_space<vmem_shared>> -> memref<1000000xi32, #tpu.memory_space<vmem_shared>>
      tpu.enqueue_indirect_dma source(%dma_start3A_61 : memref<128xi32, #tpu.memory_space<vmem>>) target(%dma_start3A_66 : memref<1000000xi32, #tpu.memory_space<vmem_shared>>) offsets(%dma_start3A_64 : memref<128xi32, #tpu.memory_space<vmem>>) semaphore(%run_scoped3A_59 : memref<!tpu.dma_semaphore, #tpu.memory_space<semaphore_mem>>)
      %dma_wait3A = arith.constant 0 : i32
      %dma_wait3A_67 = tpu.memref_slice %arg8[%run_scoped3A_4, %dma_wait3A] : memref<8x128xi32, #tpu.memory_space<vmem>> -> memref<1x128xi32, #tpu.memory_space<vmem>>
      %dma_wait3A_68 = tpu.memref_squeeze %dma_wait3A_67 : memref<1x128xi32, #tpu.memory_space<vmem>> -> memref<128xi32, #tpu.memory_space<vmem>>
      %dma_wait3A_69 = arith.constant 0 : i32
      %dma_wait3A_70 = tpu.memref_slice %arg7[%run_scoped3A_5, %dma_wait3A_69] : memref<8x128xi32, #tpu.memory_space<vmem>> -> memref<1x128xi32, #tpu.memory_space<vmem>>
      %dma_wait3A_71 = tpu.memref_squeeze %dma_wait3A_70 : memref<1x128xi32, #tpu.memory_space<vmem>> -> memref<128xi32, #tpu.memory_space<vmem>>
      %dma_wait3A_72 = arith.constant 0 : i32
      %dma_wait3A_73 = tpu.memref_slice %arg6[%dma_wait3A_72] : memref<1000000xi32, #tpu.memory_space<vmem_shared>> -> memref<1000000xi32, #tpu.memory_space<vmem_shared>>
      tpu.wait_indirect_dma semaphore(%run_scoped3A_59 : memref<!tpu.dma_semaphore, #tpu.memory_space<semaphore_mem>>) src(%dma_wait3A_68 : memref<128xi32, #tpu.memory_space<vmem>>) dst(%dma_wait3A_73 : memref<1000000xi32, #tpu.memory_space<vmem_shared>>)
      tpu.yield
    }) : () -> ()
    %run_scoped3A_6 = arith.constant 2 : i32
    %run_scoped3A_7 = arith.constant 2 : i32
    "tpu.region"() ({
      %run_scoped3A_59 = tpu.sem_alloc : memref<!tpu.dma_semaphore, #tpu.memory_space<semaphore_mem>>
      %dma_start3A = arith.constant 0 : i32
      %dma_start3A_60 = tpu.memref_slice %arg8[%run_scoped3A_6, %dma_start3A] : memref<8x128xi32, #tpu.memory_space<vmem>> -> memref<1x128xi32, #tpu.memory_space<vmem>>
      %dma_start3A_61 = tpu.memref_squeeze %dma_start3A_60 : memref<1x128xi32, #tpu.memory_space<vmem>> -> memref<128xi32, #tpu.memory_space<vmem>>
      %dma_start3A_62 = arith.constant 0 : i32
      %dma_start3A_63 = tpu.memref_slice %arg7[%run_scoped3A_7, %dma_start3A_62] : memref<8x128xi32, #tpu.memory_space<vmem>> -> memref<1x128xi32, #tpu.memory_space<vmem>>
      %dma_start3A_64 = tpu.memref_squeeze %dma_start3A_63 : memref<1x128xi32, #tpu.memory_space<vmem>> -> memref<128xi32, #tpu.memory_space<vmem>>
      %dma_start3A_65 = arith.constant 0 : i32
      %dma_start3A_66 = tpu.memref_slice %arg6[%dma_start3A_65] : memref<1000000xi32, #tpu.memory_space<vmem_shared>> -> memref<1000000xi32, #tpu.memory_space<vmem_shared>>
      tpu.enqueue_indirect_dma source(%dma_start3A_61 : memref<128xi32, #tpu.memory_space<vmem>>) target(%dma_start3A_66 : memref<1000000xi32, #tpu.memory_space<vmem_shared>>) offsets(%dma_start3A_64 : memref<128xi32, #tpu.memory_space<vmem>>) semaphore(%run_scoped3A_59 : memref<!tpu.dma_semaphore, #tpu.memory_space<semaphore_mem>>)
      %dma_wait3A = arith.constant 0 : i32
      %dma_wait3A_67 = tpu.memref_slice %arg8[%run_scoped3A_6, %dma_wait3A] : memref<8x128xi32, #tpu.memory_space<vmem>> -> memref<1x128xi32, #tpu.memory_space<vmem>>
      %dma_wait3A_68 = tpu.memref_squeeze %dma_wait3A_67 : memref<1x128xi32, #tpu.memory_space<vmem>> -> memref<128xi32, #tpu.memory_space<vmem>>
      %dma_wait3A_69 = arith.constant 0 : i32
      %dma_wait3A_70 = tpu.memref_slice %arg7[%run_scoped3A_7, %dma_wait3A_69] : memref<8x128xi32, #tpu.memory_space<vmem>> -> memref<1x128xi32, #tpu.memory_space<vmem>>
      %dma_wait3A_71 = tpu.memref_squeeze %dma_wait3A_70 : memref<1x128xi32, #tpu.memory_space<vmem>> -> memref<128xi32, #tpu.memory_space<vmem>>
      %dma_wait3A_72 = arith.constant 0 : i32
      %dma_wait3A_73 = tpu.memref_slice %arg6[%dma_wait3A_72] : memref<1000000xi32, #tpu.memory_space<vmem_shared>> -> memref<1000000xi32, #tpu.memory_space<vmem_shared>>
      tpu.wait_indirect_dma semaphore(%run_scoped3A_59 : memref<!tpu.dma_semaphore, #tpu.memory_space<semaphore_mem>>) src(%dma_wait3A_68 : memref<128xi32, #tpu.memory_space<vmem>>) dst(%dma_wait3A_73 : memref<1000000xi32, #tpu.memory_space<vmem_shared>>)
      tpu.yield
    }) : () -> ()
    %run_scoped3A_8 = arith.constant 3 : i32
    %run_scoped3A_9 = arith.constant 3 : i32
    "tpu.region"() ({
      %run_scoped3A_59 = tpu.sem_alloc : memref<!tpu.dma_semaphore, #tpu.memory_space<semaphore_mem>>
      %dma_start3A = arith.constant 0 : i32
      %dma_start3A_60 = tpu.memref_slice %arg8[%run_scoped3A_8, %dma_start3A] : memref<8x128xi32, #tpu.memory_space<vmem>> -> memref<1x128xi32, #tpu.memory_space<vmem>>
      %dma_start3A_61 = tpu.memref_squeeze %dma_start3A_60 : memref<1x128xi32, #tpu.memory_space<vmem>> -> memref<128xi32, #tpu.memory_space<vmem>>
      %dma_start3A_62 = arith.constant 0 : i32
      %dma_start3A_63 = tpu.memref_slice %arg7[%run_scoped3A_9, %dma_start3A_62] : memref<8x128xi32, #tpu.memory_space<vmem>> -> memref<1x128xi32, #tpu.memory_space<vmem>>
      %dma_start3A_64 = tpu.memref_squeeze %dma_start3A_63 : memref<1x128xi32, #tpu.memory_space<vmem>> -> memref<128xi32, #tpu.memory_space<vmem>>
      %dma_start3A_65 = arith.constant 0 : i32
      %dma_start3A_66 = tpu.memref_slice %arg6[%dma_start3A_65] : memref<1000000xi32, #tpu.memory_space<vmem_shared>> -> memref<1000000xi32, #tpu.memory_space<vmem_shared>>
      tpu.enqueue_indirect_dma source(%dma_start3A_61 : memref<128xi32, #tpu.memory_space<vmem>>) target(%dma_start3A_66 : memref<1000000xi32, #tpu.memory_space<vmem_shared>>) offsets(%dma_start3A_64 : memref<128xi32, #tpu.memory_space<vmem>>) semaphore(%run_scoped3A_59 : memref<!tpu.dma_semaphore, #tpu.memory_space<semaphore_mem>>)
      %dma_wait3A = arith.constant 0 : i32
      %dma_wait3A_67 = tpu.memref_slice %arg8[%run_scoped3A_8, %dma_wait3A] : memref<8x128xi32, #tpu.memory_space<vmem>> -> memref<1x128xi32, #tpu.memory_space<vmem>>
      %dma_wait3A_68 = tpu.memref_squeeze %dma_wait3A_67 : memref<1x128xi32, #tpu.memory_space<vmem>> -> memref<128xi32, #tpu.memory_space<vmem>>
      %dma_wait3A_69 = arith.constant 0 : i32
      %dma_wait3A_70 = tpu.memref_slice %arg7[%run_scoped3A_9, %dma_wait3A_69] : memref<8x128xi32, #tpu.memory_space<vmem>> -> memref<1x128xi32, #tpu.memory_space<vmem>>
      %dma_wait3A_71 = tpu.memref_squeeze %dma_wait3A_70 : memref<1x128xi32, #tpu.memory_space<vmem>> -> memref<128xi32, #tpu.memory_space<vmem>>
      %dma_wait3A_72 = arith.constant 0 : i32
      %dma_wait3A_73 = tpu.memref_slice %arg6[%dma_wait3A_72] : memref<1000000xi32, #tpu.memory_space<vmem_shared>> -> memref<1000000xi32, #tpu.memory_space<vmem_shared>>
      tpu.wait_indirect_dma semaphore(%run_scoped3A_59 : memref<!tpu.dma_semaphore, #tpu.memory_space<semaphore_mem>>) src(%dma_wait3A_68 : memref<128xi32, #tpu.memory_space<vmem>>) dst(%dma_wait3A_73 : memref<1000000xi32, #tpu.memory_space<vmem_shared>>)
      tpu.yield
    }) : () -> ()
    %run_scoped3A_10 = arith.constant 4 : i32
    %run_scoped3A_11 = arith.constant 4 : i32
    "tpu.region"() ({
      %run_scoped3A_59 = tpu.sem_alloc : memref<!tpu.dma_semaphore, #tpu.memory_space<semaphore_mem>>
      %dma_start3A = arith.constant 0 : i32
      %dma_start3A_60 = tpu.memref_slice %arg8[%run_scoped3A_10, %dma_start3A] : memref<8x128xi32, #tpu.memory_space<vmem>> -> memref<1x128xi32, #tpu.memory_space<vmem>>
      %dma_start3A_61 = tpu.memref_squeeze %dma_start3A_60 : memref<1x128xi32, #tpu.memory_space<vmem>> -> memref<128xi32, #tpu.memory_space<vmem>>
      %dma_start3A_62 = arith.constant 0 : i32
      %dma_start3A_63 = tpu.memref_slice %arg7[%run_scoped3A_11, %dma_start3A_62] : memref<8x128xi32, #tpu.memory_space<vmem>> -> memref<1x128xi32, #tpu.memory_space<vmem>>
      %dma_start3A_64 = tpu.memref_squeeze %dma_start3A_63 : memref<1x128xi32, #tpu.memory_space<vmem>> -> memref<128xi32, #tpu.memory_space<vmem>>
      %dma_start3A_65 = arith.constant 0 : i32
      %dma_start3A_66 = tpu.memref_slice %arg6[%dma_start3A_65] : memref<1000000xi32, #tpu.memory_space<vmem_shared>> -> memref<1000000xi32, #tpu.memory_space<vmem_shared>>
      tpu.enqueue_indirect_dma source(%dma_start3A_61 : memref<128xi32, #tpu.memory_space<vmem>>) target(%dma_start3A_66 : memref<1000000xi32, #tpu.memory_space<vmem_shared>>) offsets(%dma_start3A_64 : memref<128xi32, #tpu.memory_space<vmem>>) semaphore(%run_scoped3A_59 : memref<!tpu.dma_semaphore, #tpu.memory_space<semaphore_mem>>)
      %dma_wait3A = arith.constant 0 : i32
      %dma_wait3A_67 = tpu.memref_slice %arg8[%run_scoped3A_10, %dma_wait3A] : memref<8x128xi32, #tpu.memory_space<vmem>> -> memref<1x128xi32, #tpu.memory_space<vmem>>
      %dma_wait3A_68 = tpu.memref_squeeze %dma_wait3A_67 : memref<1x128xi32, #tpu.memory_space<vmem>> -> memref<128xi32, #tpu.memory_space<vmem>>
      %dma_wait3A_69 = arith.constant 0 : i32
      %dma_wait3A_70 = tpu.memref_slice %arg7[%run_scoped3A_11, %dma_wait3A_69] : memref<8x128xi32, #tpu.memory_space<vmem>> -> memref<1x128xi32, #tpu.memory_space<vmem>>
      %dma_wait3A_71 = tpu.memref_squeeze %dma_wait3A_70 : memref<1x128xi32, #tpu.memory_space<vmem>> -> memref<128xi32, #tpu.memory_space<vmem>>
      %dma_wait3A_72 = arith.constant 0 : i32
      %dma_wait3A_73 = tpu.memref_slice %arg6[%dma_wait3A_72] : memref<1000000xi32, #tpu.memory_space<vmem_shared>> -> memref<1000000xi32, #tpu.memory_space<vmem_shared>>
      tpu.wait_indirect_dma semaphore(%run_scoped3A_59 : memref<!tpu.dma_semaphore, #tpu.memory_space<semaphore_mem>>) src(%dma_wait3A_68 : memref<128xi32, #tpu.memory_space<vmem>>) dst(%dma_wait3A_73 : memref<1000000xi32, #tpu.memory_space<vmem_shared>>)
      tpu.yield
    }) : () -> ()
    %run_scoped3A_12 = arith.constant 5 : i32
    %run_scoped3A_13 = arith.constant 5 : i32
    "tpu.region"() ({
      %run_scoped3A_59 = tpu.sem_alloc : memref<!tpu.dma_semaphore, #tpu.memory_space<semaphore_mem>>
      %dma_start3A = arith.constant 0 : i32
      %dma_start3A_60 = tpu.memref_slice %arg8[%run_scoped3A_12, %dma_start3A] : memref<8x128xi32, #tpu.memory_space<vmem>> -> memref<1x128xi32, #tpu.memory_space<vmem>>
      %dma_start3A_61 = tpu.memref_squeeze %dma_start3A_60 : memref<1x128xi32, #tpu.memory_space<vmem>> -> memref<128xi32, #tpu.memory_space<vmem>>
      %dma_start3A_62 = arith.constant 0 : i32
      %dma_start3A_63 = tpu.memref_slice %arg7[%run_scoped3A_13, %dma_start3A_62] : memref<8x128xi32, #tpu.memory_space<vmem>> -> memref<1x128xi32, #tpu.memory_space<vmem>>
      %dma_start3A_64 = tpu.memref_squeeze %dma_start3A_63 : memref<1x128xi32, #tpu.memory_space<vmem>> -> memref<128xi32, #tpu.memory_space<vmem>>
      %dma_start3A_65 = arith.constant 0 : i32
      %dma_start3A_66 = tpu.memref_slice %arg6[%dma_start3A_65] : memref<1000000xi32, #tpu.memory_space<vmem_shared>> -> memref<1000000xi32, #tpu.memory_space<vmem_shared>>
      tpu.enqueue_indirect_dma source(%dma_start3A_61 : memref<128xi32, #tpu.memory_space<vmem>>) target(%dma_start3A_66 : memref<1000000xi32, #tpu.memory_space<vmem_shared>>) offsets(%dma_start3A_64 : memref<128xi32, #tpu.memory_space<vmem>>) semaphore(%run_scoped3A_59 : memref<!tpu.dma_semaphore, #tpu.memory_space<semaphore_mem>>)
      %dma_wait3A = arith.constant 0 : i32
      %dma_wait3A_67 = tpu.memref_slice %arg8[%run_scoped3A_12, %dma_wait3A] : memref<8x128xi32, #tpu.memory_space<vmem>> -> memref<1x128xi32, #tpu.memory_space<vmem>>
      %dma_wait3A_68 = tpu.memref_squeeze %dma_wait3A_67 : memref<1x128xi32, #tpu.memory_space<vmem>> -> memref<128xi32, #tpu.memory_space<vmem>>
      %dma_wait3A_69 = arith.constant 0 : i32
      %dma_wait3A_70 = tpu.memref_slice %arg7[%run_scoped3A_13, %dma_wait3A_69] : memref<8x128xi32, #tpu.memory_space<vmem>> -> memref<1x128xi32, #tpu.memory_space<vmem>>
      %dma_wait3A_71 = tpu.memref_squeeze %dma_wait3A_70 : memref<1x128xi32, #tpu.memory_space<vmem>> -> memref<128xi32, #tpu.memory_space<vmem>>
      %dma_wait3A_72 = arith.constant 0 : i32
      %dma_wait3A_73 = tpu.memref_slice %arg6[%dma_wait3A_72] : memref<1000000xi32, #tpu.memory_space<vmem_shared>> -> memref<1000000xi32, #tpu.memory_space<vmem_shared>>
      tpu.wait_indirect_dma semaphore(%run_scoped3A_59 : memref<!tpu.dma_semaphore, #tpu.memory_space<semaphore_mem>>) src(%dma_wait3A_68 : memref<128xi32, #tpu.memory_space<vmem>>) dst(%dma_wait3A_73 : memref<1000000xi32, #tpu.memory_space<vmem_shared>>)
      tpu.yield
    }) : () -> ()
    %run_scoped3A_14 = arith.constant 6 : i32
    %run_scoped3A_15 = arith.constant 6 : i32
    "tpu.region"() ({
      %run_scoped3A_59 = tpu.sem_alloc : memref<!tpu.dma_semaphore, #tpu.memory_space<semaphore_mem>>
      %dma_start3A = arith.constant 0 : i32
      %dma_start3A_60 = tpu.memref_slice %arg8[%run_scoped3A_14, %dma_start3A] : memref<8x128xi32, #tpu.memory_space<vmem>> -> memref<1x128xi32, #tpu.memory_space<vmem>>
      %dma_start3A_61 = tpu.memref_squeeze %dma_start3A_60 : memref<1x128xi32, #tpu.memory_space<vmem>> -> memref<128xi32, #tpu.memory_space<vmem>>
      %dma_start3A_62 = arith.constant 0 : i32
      %dma_start3A_63 = tpu.memref_slice %arg7[%run_scoped3A_15, %dma_start3A_62] : memref<8x128xi32, #tpu.memory_space<vmem>> -> memref<1x128xi32, #tpu.memory_space<vmem>>
      %dma_start3A_64 = tpu.memref_squeeze %dma_start3A_63 : memref<1x128xi32, #tpu.memory_space<vmem>> -> memref<128xi32, #tpu.memory_space<vmem>>
      %dma_start3A_65 = arith.constant 0 : i32
      %dma_start3A_66 = tpu.memref_slice %arg6[%dma_start3A_65] : memref<1000000xi32, #tpu.memory_space<vmem_shared>> -> memref<1000000xi32, #tpu.memory_space<vmem_shared>>
      tpu.enqueue_indirect_dma source(%dma_start3A_61 : memref<128xi32, #tpu.memory_space<vmem>>) target(%dma_start3A_66 : memref<1000000xi32, #tpu.memory_space<vmem_shared>>) offsets(%dma_start3A_64 : memref<128xi32, #tpu.memory_space<vmem>>) semaphore(%run_scoped3A_59 : memref<!tpu.dma_semaphore, #tpu.memory_space<semaphore_mem>>)
      %dma_wait3A = arith.constant 0 : i32
      %dma_wait3A_67 = tpu.memref_slice %arg8[%run_scoped3A_14, %dma_wait3A] : memref<8x128xi32, #tpu.memory_space<vmem>> -> memref<1x128xi32, #tpu.memory_space<vmem>>
      %dma_wait3A_68 = tpu.memref_squeeze %dma_wait3A_67 : memref<1x128xi32, #tpu.memory_space<vmem>> -> memref<128xi32, #tpu.memory_space<vmem>>
      %dma_wait3A_69 = arith.constant 0 : i32
      %dma_wait3A_70 = tpu.memref_slice %arg7[%run_scoped3A_15, %dma_wait3A_69] : memref<8x128xi32, #tpu.memory_space<vmem>> -> memref<1x128xi32, #tpu.memory_space<vmem>>
      %dma_wait3A_71 = tpu.memref_squeeze %dma_wait3A_70 : memref<1x128xi32, #tpu.memory_space<vmem>> -> memref<128xi32, #tpu.memory_space<vmem>>
      %dma_wait3A_72 = arith.constant 0 : i32
      %dma_wait3A_73 = tpu.memref_slice %arg6[%dma_wait3A_72] : memref<1000000xi32, #tpu.memory_space<vmem_shared>> -> memref<1000000xi32, #tpu.memory_space<vmem_shared>>
      tpu.wait_indirect_dma semaphore(%run_scoped3A_59 : memref<!tpu.dma_semaphore, #tpu.memory_space<semaphore_mem>>) src(%dma_wait3A_68 : memref<128xi32, #tpu.memory_space<vmem>>) dst(%dma_wait3A_73 : memref<1000000xi32, #tpu.memory_space<vmem_shared>>)
      tpu.yield
    }) : () -> ()
    %run_scoped3A_16 = arith.constant 7 : i32
    %run_scoped3A_17 = arith.constant 7 : i32
    "tpu.region"() ({
      %run_scoped3A_59 = tpu.sem_alloc : memref<!tpu.dma_semaphore, #tpu.memory_space<semaphore_mem>>
      %dma_start3A = arith.constant 0 : i32
      %dma_start3A_60 = tpu.memref_slice %arg8[%run_scoped3A_16, %dma_start3A] : memref<8x128xi32, #tpu.memory_space<vmem>> -> memref<1x128xi32, #tpu.memory_space<vmem>>
      %dma_start3A_61 = tpu.memref_squeeze %dma_start3A_60 : memref<1x128xi32, #tpu.memory_space<vmem>> -> memref<128xi32, #tpu.memory_space<vmem>>
      %dma_start3A_62 = arith.constant 0 : i32
      %dma_start3A_63 = tpu.memref_slice %arg7[%run_scoped3A_17, %dma_start3A_62] : memref<8x128xi32, #tpu.memory_space<vmem>> -> memref<1x128xi32, #tpu.memory_space<vmem>>
      %dma_start3A_64 = tpu.memref_squeeze %dma_start3A_63 : memref<1x128xi32, #tpu.memory_space<vmem>> -> memref<128xi32, #tpu.memory_space<vmem>>
      %dma_start3A_65 = arith.constant 0 : i32
      %dma_start3A_66 = tpu.memref_slice %arg6[%dma_start3A_65] : memref<1000000xi32, #tpu.memory_space<vmem_shared>> -> memref<1000000xi32, #tpu.memory_space<vmem_shared>>
      tpu.enqueue_indirect_dma source(%dma_start3A_61 : memref<128xi32, #tpu.memory_space<vmem>>) target(%dma_start3A_66 : memref<1000000xi32, #tpu.memory_space<vmem_shared>>) offsets(%dma_start3A_64 : memref<128xi32, #tpu.memory_space<vmem>>) semaphore(%run_scoped3A_59 : memref<!tpu.dma_semaphore, #tpu.memory_space<semaphore_mem>>)
      %dma_wait3A = arith.constant 0 : i32
      %dma_wait3A_67 = tpu.memref_slice %arg8[%run_scoped3A_16, %dma_wait3A] : memref<8x128xi32, #tpu.memory_space<vmem>> -> memref<1x128xi32, #tpu.memory_space<vmem>>
      %dma_wait3A_68 = tpu.memref_squeeze %dma_wait3A_67 : memref<1x128xi32, #tpu.memory_space<vmem>> -> memref<128xi32, #tpu.memory_space<vmem>>
      %dma_wait3A_69 = arith.constant 0 : i32
      %dma_wait3A_70 = tpu.memref_slice %arg7[%run_scoped3A_17, %dma_wait3A_69] : memref<8x128xi32, #tpu.memory_space<vmem>> -> memref<1x128xi32, #tpu.memory_space<vmem>>
      %dma_wait3A_71 = tpu.memref_squeeze %dma_wait3A_70 : memref<1x128xi32, #tpu.memory_space<vmem>> -> memref<128xi32, #tpu.memory_space<vmem>>
      %dma_wait3A_72 = arith.constant 0 : i32
      %dma_wait3A_73 = tpu.memref_slice %arg6[%dma_wait3A_72] : memref<1000000xi32, #tpu.memory_space<vmem_shared>> -> memref<1000000xi32, #tpu.memory_space<vmem_shared>>
      tpu.wait_indirect_dma semaphore(%run_scoped3A_59 : memref<!tpu.dma_semaphore, #tpu.memory_space<semaphore_mem>>) src(%dma_wait3A_68 : memref<128xi32, #tpu.memory_space<vmem>>) dst(%dma_wait3A_73 : memref<1000000xi32, #tpu.memory_space<vmem_shared>>)
      tpu.yield
    }) : () -> ()
    %barrier3A = arith.constant 0 : index
    tpu.barrier barrier_id(%barrier3A)
    %run_scoped3A_18 = arith.constant 0 : i32
    "tpu.region"() ({
      %run_scoped3A_59 = tpu.sem_alloc : memref<!tpu.dma_semaphore, #tpu.memory_space<semaphore_mem>>
      %dma_start3A = arith.constant 0 : i32
      %dma_start3A_60 = arith.constant 0 : i32
      %dma_start3A_61 = arith.constant 0 : i32
      %dma_start3A_62 = tpu.memref_slice %arg4[%run_scoped3A_18, %dma_start3A, %dma_start3A_60, %dma_start3A_61] : memref<2x32x4x128xi32, #tpu.memory_space<hbm>> -> memref<1x32x4x128xi32, #tpu.memory_space<hbm>>
      %dma_start3A_63 = tpu.memref_squeeze %dma_start3A_62 : memref<1x32x4x128xi32, #tpu.memory_space<hbm>> -> memref<32x4x128xi32, #tpu.memory_space<hbm>>
      %dma_start3A_64 = arith.constant 0 : i32
      %dma_start3A_65 = arith.constant 0 : i32
      %dma_start3A_66 = tpu.memref_slice %dma_start3A_63[%add3A, %dma_start3A_64, %dma_start3A_65] : memref<32x4x128xi32, #tpu.memory_space<hbm>> -> memref<1x4x128xi32, #tpu.memory_space<hbm>>
      %dma_start3A_67 = tpu.memref_squeeze %dma_start3A_66 : memref<1x4x128xi32, #tpu.memory_space<hbm>> -> memref<4x128xi32, #tpu.memory_space<hbm>>
      %dma_start3A_68 = arith.constant 0 : i32
      %dma_start3A_69 = arith.constant 0 : i32
      %dma_start3A_70 = arith.constant 0 : i32
      %dma_start3A_71 = tpu.memref_slice %arg4[%run_scoped3A_18, %dma_start3A_68, %dma_start3A_69, %dma_start3A_70] : memref<2x32x4x128xi32, #tpu.memory_space<hbm>> -> memref<1x32x4x128xi32, #tpu.memory_space<hbm>>
      %dma_start3A_72 = tpu.memref_squeeze %dma_start3A_71 : memref<1x32x4x128xi32, #tpu.memory_space<hbm>> -> memref<32x4x128xi32, #tpu.memory_space<hbm>>
      %dma_start3A_73 = arith.constant 0 : i32
      %dma_start3A_74 = arith.constant 0 : i32
      %dma_start3A_75 = tpu.memref_slice %dma_start3A_72[%add3A, %dma_start3A_73, %dma_start3A_74] : memref<32x4x128xi32, #tpu.memory_space<hbm>> -> memref<1x4x128xi32, #tpu.memory_space<hbm>>
      %dma_start3A_76 = tpu.memref_squeeze %dma_start3A_75 : memref<1x4x128xi32, #tpu.memory_space<hbm>> -> memref<4x128xi32, #tpu.memory_space<hbm>>
      tpu.enqueue_dma source(%dma_start3A_76 : memref<4x128xi32, #tpu.memory_space<hbm>>) target(%arg9 : memref<4x128xi32, #tpu.memory_space<vmem>>) target_semaphore(%run_scoped3A_59 : memref<!tpu.dma_semaphore, #tpu.memory_space<semaphore_mem>>)
      %dma_wait3A = arith.constant 0 : i32
      %dma_wait3A_77 = arith.constant 0 : i32
      %dma_wait3A_78 = arith.constant 0 : i32
      %dma_wait3A_79 = tpu.memref_slice %arg4[%run_scoped3A_18, %dma_wait3A, %dma_wait3A_77, %dma_wait3A_78] : memref<2x32x4x128xi32, #tpu.memory_space<hbm>> -> memref<1x32x4x128xi32, #tpu.memory_space<hbm>>
      %dma_wait3A_80 = tpu.memref_squeeze %dma_wait3A_79 : memref<1x32x4x128xi32, #tpu.memory_space<hbm>> -> memref<32x4x128xi32, #tpu.memory_space<hbm>>
      %dma_wait3A_81 = arith.constant 0 : i32
      %dma_wait3A_82 = arith.constant 0 : i32
      %dma_wait3A_83 = tpu.memref_slice %dma_wait3A_80[%add3A, %dma_wait3A_81, %dma_wait3A_82] : memref<32x4x128xi32, #tpu.memory_space<hbm>> -> memref<1x4x128xi32, #tpu.memory_space<hbm>>
      %dma_wait3A_84 = tpu.memref_squeeze %dma_wait3A_83 : memref<1x4x128xi32, #tpu.memory_space<hbm>> -> memref<4x128xi32, #tpu.memory_space<hbm>>
      %dma_wait3A_85 = arith.constant 0 : i32
      %dma_wait3A_86 = arith.constant 0 : i32
      %dma_wait3A_87 = arith.constant 0 : i32
      %dma_wait3A_88 = tpu.memref_slice %arg4[%run_scoped3A_18, %dma_wait3A_85, %dma_wait3A_86, %dma_wait3A_87] : memref<2x32x4x128xi32, #tpu.memory_space<hbm>> -> memref<1x32x4x128xi32, #tpu.memory_space<hbm>>
      %dma_wait3A_89 = tpu.memref_squeeze %dma_wait3A_88 : memref<1x32x4x128xi32, #tpu.memory_space<hbm>> -> memref<32x4x128xi32, #tpu.memory_space<hbm>>
      %dma_wait3A_90 = arith.constant 0 : i32
      %dma_wait3A_91 = arith.constant 0 : i32
      %dma_wait3A_92 = tpu.memref_slice %dma_wait3A_89[%add3A, %dma_wait3A_90, %dma_wait3A_91] : memref<32x4x128xi32, #tpu.memory_space<hbm>> -> memref<1x4x128xi32, #tpu.memory_space<hbm>>
      %dma_wait3A_93 = tpu.memref_squeeze %dma_wait3A_92 : memref<1x4x128xi32, #tpu.memory_space<hbm>> -> memref<4x128xi32, #tpu.memory_space<hbm>>
      tpu.wait_dma2 semaphore(%run_scoped3A_59 : memref<!tpu.dma_semaphore, #tpu.memory_space<semaphore_mem>>) src(%dma_wait3A_93 : memref<4x128xi32, #tpu.memory_space<hbm>>) dst(%arg9 : memref<4x128xi32, #tpu.memory_space<vmem>>)
      tpu.yield
    }) : () -> ()
    %run_scoped3A_19 = arith.constant 0 : i32
    %run_scoped3A_20 = arith.constant 0 : i32
    "tpu.region"() ({
      %run_scoped3A_59 = tpu.sem_alloc : memref<!tpu.dma_semaphore, #tpu.memory_space<semaphore_mem>>
      %dma_start3A = arith.constant 0 : i32
      %dma_start3A_60 = tpu.memref_slice %arg10[%run_scoped3A_20, %dma_start3A] : memref<4x128xi32, #tpu.memory_space<vmem>> -> memref<1x128xi32, #tpu.memory_space<vmem>>
      %dma_start3A_61 = tpu.memref_squeeze %dma_start3A_60 : memref<1x128xi32, #tpu.memory_space<vmem>> -> memref<128xi32, #tpu.memory_space<vmem>>
      %dma_start3A_62 = arith.constant 0 : i32
      %dma_start3A_63 = tpu.memref_slice %arg9[%run_scoped3A_19, %dma_start3A_62] : memref<4x128xi32, #tpu.memory_space<vmem>> -> memref<1x128xi32, #tpu.memory_space<vmem>>
      %dma_start3A_64 = tpu.memref_squeeze %dma_start3A_63 : memref<1x128xi32, #tpu.memory_space<vmem>> -> memref<128xi32, #tpu.memory_space<vmem>>
      %dma_start3A_65 = arith.constant 0 : i32
      %dma_start3A_66 = tpu.memref_slice %arg6[%dma_start3A_65] : memref<1000000xi32, #tpu.memory_space<vmem_shared>> -> memref<1000000xi32, #tpu.memory_space<vmem_shared>>
      tpu.enqueue_indirect_dma source(%dma_start3A_66 : memref<1000000xi32, #tpu.memory_space<vmem_shared>>) target(%dma_start3A_61 : memref<128xi32, #tpu.memory_space<vmem>>) offsets(%dma_start3A_64 : memref<128xi32, #tpu.memory_space<vmem>>) semaphore(%run_scoped3A_59 : memref<!tpu.dma_semaphore, #tpu.memory_space<semaphore_mem>>)
      %dma_wait3A = arith.constant 0 : i32
      %dma_wait3A_67 = tpu.memref_slice %arg10[%run_scoped3A_20, %dma_wait3A] : memref<4x128xi32, #tpu.memory_space<vmem>> -> memref<1x128xi32, #tpu.memory_space<vmem>>
      %dma_wait3A_68 = tpu.memref_squeeze %dma_wait3A_67 : memref<1x128xi32, #tpu.memory_space<vmem>> -> memref<128xi32, #tpu.memory_space<vmem>>
      %dma_wait3A_69 = arith.constant 0 : i32
      %dma_wait3A_70 = tpu.memref_slice %arg9[%run_scoped3A_19, %dma_wait3A_69] : memref<4x128xi32, #tpu.memory_space<vmem>> -> memref<1x128xi32, #tpu.memory_space<vmem>>
      %dma_wait3A_71 = tpu.memref_squeeze %dma_wait3A_70 : memref<1x128xi32, #tpu.memory_space<vmem>> -> memref<128xi32, #tpu.memory_space<vmem>>
      %dma_wait3A_72 = arith.constant 0 : i32
      %dma_wait3A_73 = tpu.memref_slice %arg6[%dma_wait3A_72] : memref<1000000xi32, #tpu.memory_space<vmem_shared>> -> memref<1000000xi32, #tpu.memory_space<vmem_shared>>
      tpu.wait_indirect_dma semaphore(%run_scoped3A_59 : memref<!tpu.dma_semaphore, #tpu.memory_space<semaphore_mem>>) src(%dma_wait3A_73 : memref<1000000xi32, #tpu.memory_space<vmem_shared>>) dst(%dma_wait3A_68 : memref<128xi32, #tpu.memory_space<vmem>>)
      tpu.yield
    }) : () -> ()
    %run_scoped3A_21 = arith.constant 1 : i32
    %run_scoped3A_22 = arith.constant 1 : i32
    "tpu.region"() ({
      %run_scoped3A_59 = tpu.sem_alloc : memref<!tpu.dma_semaphore, #tpu.memory_space<semaphore_mem>>
      %dma_start3A = arith.constant 0 : i32
      %dma_start3A_60 = tpu.memref_slice %arg10[%run_scoped3A_22, %dma_start3A] : memref<4x128xi32, #tpu.memory_space<vmem>> -> memref<1x128xi32, #tpu.memory_space<vmem>>
      %dma_start3A_61 = tpu.memref_squeeze %dma_start3A_60 : memref<1x128xi32, #tpu.memory_space<vmem>> -> memref<128xi32, #tpu.memory_space<vmem>>
      %dma_start3A_62 = arith.constant 0 : i32
      %dma_start3A_63 = tpu.memref_slice %arg9[%run_scoped3A_21, %dma_start3A_62] : memref<4x128xi32, #tpu.memory_space<vmem>> -> memref<1x128xi32, #tpu.memory_space<vmem>>
      %dma_start3A_64 = tpu.memref_squeeze %dma_start3A_63 : memref<1x128xi32, #tpu.memory_space<vmem>> -> memref<128xi32, #tpu.memory_space<vmem>>
      %dma_start3A_65 = arith.constant 0 : i32
      %dma_start3A_66 = tpu.memref_slice %arg6[%dma_start3A_65] : memref<1000000xi32, #tpu.memory_space<vmem_shared>> -> memref<1000000xi32, #tpu.memory_space<vmem_shared>>
      tpu.enqueue_indirect_dma source(%dma_start3A_66 : memref<1000000xi32, #tpu.memory_space<vmem_shared>>) target(%dma_start3A_61 : memref<128xi32, #tpu.memory_space<vmem>>) offsets(%dma_start3A_64 : memref<128xi32, #tpu.memory_space<vmem>>) semaphore(%run_scoped3A_59 : memref<!tpu.dma_semaphore, #tpu.memory_space<semaphore_mem>>)
      %dma_wait3A = arith.constant 0 : i32
      %dma_wait3A_67 = tpu.memref_slice %arg10[%run_scoped3A_22, %dma_wait3A] : memref<4x128xi32, #tpu.memory_space<vmem>> -> memref<1x128xi32, #tpu.memory_space<vmem>>
      %dma_wait3A_68 = tpu.memref_squeeze %dma_wait3A_67 : memref<1x128xi32, #tpu.memory_space<vmem>> -> memref<128xi32, #tpu.memory_space<vmem>>
      %dma_wait3A_69 = arith.constant 0 : i32
      %dma_wait3A_70 = tpu.memref_slice %arg9[%run_scoped3A_21, %dma_wait3A_69] : memref<4x128xi32, #tpu.memory_space<vmem>> -> memref<1x128xi32, #tpu.memory_space<vmem>>
      %dma_wait3A_71 = tpu.memref_squeeze %dma_wait3A_70 : memref<1x128xi32, #tpu.memory_space<vmem>> -> memref<128xi32, #tpu.memory_space<vmem>>
      %dma_wait3A_72 = arith.constant 0 : i32
      %dma_wait3A_73 = tpu.memref_slice %arg6[%dma_wait3A_72] : memref<1000000xi32, #tpu.memory_space<vmem_shared>> -> memref<1000000xi32, #tpu.memory_space<vmem_shared>>
      tpu.wait_indirect_dma semaphore(%run_scoped3A_59 : memref<!tpu.dma_semaphore, #tpu.memory_space<semaphore_mem>>) src(%dma_wait3A_73 : memref<1000000xi32, #tpu.memory_space<vmem_shared>>) dst(%dma_wait3A_68 : memref<128xi32, #tpu.memory_space<vmem>>)
      tpu.yield
    }) : () -> ()
    %run_scoped3A_23 = arith.constant 2 : i32
    %run_scoped3A_24 = arith.constant 2 : i32
    "tpu.region"() ({
      %run_scoped3A_59 = tpu.sem_alloc : memref<!tpu.dma_semaphore, #tpu.memory_space<semaphore_mem>>
      %dma_start3A = arith.constant 0 : i32
      %dma_start3A_60 = tpu.memref_slice %arg10[%run_scoped3A_24, %dma_start3A] : memref<4x128xi32, #tpu.memory_space<vmem>> -> memref<1x128xi32, #tpu.memory_space<vmem>>
      %dma_start3A_61 = tpu.memref_squeeze %dma_start3A_60 : memref<1x128xi32, #tpu.memory_space<vmem>> -> memref<128xi32, #tpu.memory_space<vmem>>
      %dma_start3A_62 = arith.constant 0 : i32
      %dma_start3A_63 = tpu.memref_slice %arg9[%run_scoped3A_23, %dma_start3A_62] : memref<4x128xi32, #tpu.memory_space<vmem>> -> memref<1x128xi32, #tpu.memory_space<vmem>>
      %dma_start3A_64 = tpu.memref_squeeze %dma_start3A_63 : memref<1x128xi32, #tpu.memory_space<vmem>> -> memref<128xi32, #tpu.memory_space<vmem>>
      %dma_start3A_65 = arith.constant 0 : i32
      %dma_start3A_66 = tpu.memref_slice %arg6[%dma_start3A_65] : memref<1000000xi32, #tpu.memory_space<vmem_shared>> -> memref<1000000xi32, #tpu.memory_space<vmem_shared>>
      tpu.enqueue_indirect_dma source(%dma_start3A_66 : memref<1000000xi32, #tpu.memory_space<vmem_shared>>) target(%dma_start3A_61 : memref<128xi32, #tpu.memory_space<vmem>>) offsets(%dma_start3A_64 : memref<128xi32, #tpu.memory_space<vmem>>) semaphore(%run_scoped3A_59 : memref<!tpu.dma_semaphore, #tpu.memory_space<semaphore_mem>>)
      %dma_wait3A = arith.constant 0 : i32
      %dma_wait3A_67 = tpu.memref_slice %arg10[%run_scoped3A_24, %dma_wait3A] : memref<4x128xi32, #tpu.memory_space<vmem>> -> memref<1x128xi32, #tpu.memory_space<vmem>>
      %dma_wait3A_68 = tpu.memref_squeeze %dma_wait3A_67 : memref<1x128xi32, #tpu.memory_space<vmem>> -> memref<128xi32, #tpu.memory_space<vmem>>
      %dma_wait3A_69 = arith.constant 0 : i32
      %dma_wait3A_70 = tpu.memref_slice %arg9[%run_scoped3A_23, %dma_wait3A_69] : memref<4x128xi32, #tpu.memory_space<vmem>> -> memref<1x128xi32, #tpu.memory_space<vmem>>
      %dma_wait3A_71 = tpu.memref_squeeze %dma_wait3A_70 : memref<1x128xi32, #tpu.memory_space<vmem>> -> memref<128xi32, #tpu.memory_space<vmem>>
      %dma_wait3A_72 = arith.constant 0 : i32
      %dma_wait3A_73 = tpu.memref_slice %arg6[%dma_wait3A_72] : memref<1000000xi32, #tpu.memory_space<vmem_shared>> -> memref<1000000xi32, #tpu.memory_space<vmem_shared>>
      tpu.wait_indirect_dma semaphore(%run_scoped3A_59 : memref<!tpu.dma_semaphore, #tpu.memory_space<semaphore_mem>>) src(%dma_wait3A_73 : memref<1000000xi32, #tpu.memory_space<vmem_shared>>) dst(%dma_wait3A_68 : memref<128xi32, #tpu.memory_space<vmem>>)
      tpu.yield
    }) : () -> ()
    %run_scoped3A_25 = arith.constant 3 : i32
    %run_scoped3A_26 = arith.constant 3 : i32
    "tpu.region"() ({
      %run_scoped3A_59 = tpu.sem_alloc : memref<!tpu.dma_semaphore, #tpu.memory_space<semaphore_mem>>
      %dma_start3A = arith.constant 0 : i32
      %dma_start3A_60 = tpu.memref_slice %arg10[%run_scoped3A_26, %dma_start3A] : memref<4x128xi32, #tpu.memory_space<vmem>> -> memref<1x128xi32, #tpu.memory_space<vmem>>
      %dma_start3A_61 = tpu.memref_squeeze %dma_start3A_60 : memref<1x128xi32, #tpu.memory_space<vmem>> -> memref<128xi32, #tpu.memory_space<vmem>>
      %dma_start3A_62 = arith.constant 0 : i32
      %dma_start3A_63 = tpu.memref_slice %arg9[%run_scoped3A_25, %dma_start3A_62] : memref<4x128xi32, #tpu.memory_space<vmem>> -> memref<1x128xi32, #tpu.memory_space<vmem>>
      %dma_start3A_64 = tpu.memref_squeeze %dma_start3A_63 : memref<1x128xi32, #tpu.memory_space<vmem>> -> memref<128xi32, #tpu.memory_space<vmem>>
      %dma_start3A_65 = arith.constant 0 : i32
      %dma_start3A_66 = tpu.memref_slice %arg6[%dma_start3A_65] : memref<1000000xi32, #tpu.memory_space<vmem_shared>> -> memref<1000000xi32, #tpu.memory_space<vmem_shared>>
      tpu.enqueue_indirect_dma source(%dma_start3A_66 : memref<1000000xi32, #tpu.memory_space<vmem_shared>>) target(%dma_start3A_61 : memref<128xi32, #tpu.memory_space<vmem>>) offsets(%dma_start3A_64 : memref<128xi32, #tpu.memory_space<vmem>>) semaphore(%run_scoped3A_59 : memref<!tpu.dma_semaphore, #tpu.memory_space<semaphore_mem>>)
      %dma_wait3A = arith.constant 0 : i32
      %dma_wait3A_67 = tpu.memref_slice %arg10[%run_scoped3A_26, %dma_wait3A] : memref<4x128xi32, #tpu.memory_space<vmem>> -> memref<1x128xi32, #tpu.memory_space<vmem>>
      %dma_wait3A_68 = tpu.memref_squeeze %dma_wait3A_67 : memref<1x128xi32, #tpu.memory_space<vmem>> -> memref<128xi32, #tpu.memory_space<vmem>>
      %dma_wait3A_69 = arith.constant 0 : i32
      %dma_wait3A_70 = tpu.memref_slice %arg9[%run_scoped3A_25, %dma_wait3A_69] : memref<4x128xi32, #tpu.memory_space<vmem>> -> memref<1x128xi32, #tpu.memory_space<vmem>>
      %dma_wait3A_71 = tpu.memref_squeeze %dma_wait3A_70 : memref<1x128xi32, #tpu.memory_space<vmem>> -> memref<128xi32, #tpu.memory_space<vmem>>
      %dma_wait3A_72 = arith.constant 0 : i32
      %dma_wait3A_73 = tpu.memref_slice %arg6[%dma_wait3A_72] : memref<1000000xi32, #tpu.memory_space<vmem_shared>> -> memref<1000000xi32, #tpu.memory_space<vmem_shared>>
      tpu.wait_indirect_dma semaphore(%run_scoped3A_59 : memref<!tpu.dma_semaphore, #tpu.memory_space<semaphore_mem>>) src(%dma_wait3A_73 : memref<1000000xi32, #tpu.memory_space<vmem_shared>>) dst(%dma_wait3A_68 : memref<128xi32, #tpu.memory_space<vmem>>)
      tpu.yield
    }) : () -> ()
    %barrier3A_27 = arith.constant 0 : index
    tpu.barrier barrier_id(%barrier3A_27)
    %run_scoped3A_28 = arith.constant 0 : i32
    "tpu.region"() ({
      %run_scoped3A_59 = tpu.sem_alloc : memref<!tpu.dma_semaphore, #tpu.memory_space<semaphore_mem>>
      %dma_start3A = arith.constant 0 : i32
      %dma_start3A_60 = arith.constant 0 : i32
      %dma_start3A_61 = arith.constant 0 : i32
      %dma_start3A_62 = tpu.memref_slice %arg5[%run_scoped3A_28, %dma_start3A, %dma_start3A_60, %dma_start3A_61] : memref<2x32x4x128xi32, #tpu.memory_space<hbm>> -> memref<1x32x4x128xi32, #tpu.memory_space<hbm>>
      %dma_start3A_63 = tpu.memref_squeeze %dma_start3A_62 : memref<1x32x4x128xi32, #tpu.memory_space<hbm>> -> memref<32x4x128xi32, #tpu.memory_space<hbm>>
      %dma_start3A_64 = arith.constant 0 : i32
      %dma_start3A_65 = arith.constant 0 : i32
      %dma_start3A_66 = tpu.memref_slice %dma_start3A_63[%add3A, %dma_start3A_64, %dma_start3A_65] : memref<32x4x128xi32, #tpu.memory_space<hbm>> -> memref<1x4x128xi32, #tpu.memory_space<hbm>>
      %dma_start3A_67 = tpu.memref_squeeze %dma_start3A_66 : memref<1x4x128xi32, #tpu.memory_space<hbm>> -> memref<4x128xi32, #tpu.memory_space<hbm>>
      %dma_start3A_68 = arith.constant 0 : i32
      %dma_start3A_69 = arith.constant 0 : i32
      %dma_start3A_70 = arith.constant 0 : i32
      %dma_start3A_71 = tpu.memref_slice %arg5[%run_scoped3A_28, %dma_start3A_68, %dma_start3A_69, %dma_start3A_70] : memref<2x32x4x128xi32, #tpu.memory_space<hbm>> -> memref<1x32x4x128xi32, #tpu.memory_space<hbm>>
      %dma_start3A_72 = tpu.memref_squeeze %dma_start3A_71 : memref<1x32x4x128xi32, #tpu.memory_space<hbm>> -> memref<32x4x128xi32, #tpu.memory_space<hbm>>
      %dma_start3A_73 = arith.constant 0 : i32
      %dma_start3A_74 = arith.constant 0 : i32
      %dma_start3A_75 = tpu.memref_slice %dma_start3A_72[%add3A, %dma_start3A_73, %dma_start3A_74] : memref<32x4x128xi32, #tpu.memory_space<hbm>> -> memref<1x4x128xi32, #tpu.memory_space<hbm>>
      %dma_start3A_76 = tpu.memref_squeeze %dma_start3A_75 : memref<1x4x128xi32, #tpu.memory_space<hbm>> -> memref<4x128xi32, #tpu.memory_space<hbm>>
      tpu.enqueue_dma source(%arg10 : memref<4x128xi32, #tpu.memory_space<vmem>>) target(%dma_start3A_76 : memref<4x128xi32, #tpu.memory_space<hbm>>) target_semaphore(%run_scoped3A_59 : memref<!tpu.dma_semaphore, #tpu.memory_space<semaphore_mem>>)
      %dma_wait3A = arith.constant 0 : i32
      %dma_wait3A_77 = arith.constant 0 : i32
      %dma_wait3A_78 = arith.constant 0 : i32
      %dma_wait3A_79 = tpu.memref_slice %arg5[%run_scoped3A_28, %dma_wait3A, %dma_wait3A_77, %dma_wait3A_78] : memref<2x32x4x128xi32, #tpu.memory_space<hbm>> -> memref<1x32x4x128xi32, #tpu.memory_space<hbm>>
      %dma_wait3A_80 = tpu.memref_squeeze %dma_wait3A_79 : memref<1x32x4x128xi32, #tpu.memory_space<hbm>> -> memref<32x4x128xi32, #tpu.memory_space<hbm>>
      %dma_wait3A_81 = arith.constant 0 : i32
      %dma_wait3A_82 = arith.constant 0 : i32
      %dma_wait3A_83 = tpu.memref_slice %dma_wait3A_80[%add3A, %dma_wait3A_81, %dma_wait3A_82] : memref<32x4x128xi32, #tpu.memory_space<hbm>> -> memref<1x4x128xi32, #tpu.memory_space<hbm>>
      %dma_wait3A_84 = tpu.memref_squeeze %dma_wait3A_83 : memref<1x4x128xi32, #tpu.memory_space<hbm>> -> memref<4x128xi32, #tpu.memory_space<hbm>>
      %dma_wait3A_85 = arith.constant 0 : i32
      %dma_wait3A_86 = arith.constant 0 : i32
      %dma_wait3A_87 = arith.constant 0 : i32
      %dma_wait3A_88 = tpu.memref_slice %arg5[%run_scoped3A_28, %dma_wait3A_85, %dma_wait3A_86, %dma_wait3A_87] : memref<2x32x4x128xi32, #tpu.memory_space<hbm>> -> memref<1x32x4x128xi32, #tpu.memory_space<hbm>>
      %dma_wait3A_89 = tpu.memref_squeeze %dma_wait3A_88 : memref<1x32x4x128xi32, #tpu.memory_space<hbm>> -> memref<32x4x128xi32, #tpu.memory_space<hbm>>
      %dma_wait3A_90 = arith.constant 0 : i32
      %dma_wait3A_91 = arith.constant 0 : i32
      %dma_wait3A_92 = tpu.memref_slice %dma_wait3A_89[%add3A, %dma_wait3A_90, %dma_wait3A_91] : memref<32x4x128xi32, #tpu.memory_space<hbm>> -> memref<1x4x128xi32, #tpu.memory_space<hbm>>
      %dma_wait3A_93 = tpu.memref_squeeze %dma_wait3A_92 : memref<1x4x128xi32, #tpu.memory_space<hbm>> -> memref<4x128xi32, #tpu.memory_space<hbm>>
      tpu.wait_dma2 semaphore(%run_scoped3A_59 : memref<!tpu.dma_semaphore, #tpu.memory_space<semaphore_mem>>) src(%arg10 : memref<4x128xi32, #tpu.memory_space<vmem>>) dst(%dma_wait3A_93 : memref<4x128xi32, #tpu.memory_space<hbm>>)
      tpu.yield
    }) : () -> ()
    %run_scoped3A_29 = arith.constant 1 : i32
    "tpu.region"() ({
      %run_scoped3A_59 = tpu.sem_alloc : memref<!tpu.dma_semaphore, #tpu.memory_space<semaphore_mem>>
      %dma_start3A = arith.constant 0 : i32
      %dma_start3A_60 = arith.constant 0 : i32
      %dma_start3A_61 = arith.constant 0 : i32
      %dma_start3A_62 = tpu.memref_slice %arg2[%run_scoped3A_29, %dma_start3A, %dma_start3A_60, %dma_start3A_61] : memref<2x16x8x128xi32, #tpu.memory_space<hbm>> -> memref<1x16x8x128xi32, #tpu.memory_space<hbm>>
      %dma_start3A_63 = tpu.memref_squeeze %dma_start3A_62 : memref<1x16x8x128xi32, #tpu.memory_space<hbm>> -> memref<16x8x128xi32, #tpu.memory_space<hbm>>
      %dma_start3A_64 = arith.constant 0 : i32
      %dma_start3A_65 = arith.constant 0 : i32
      %dma_start3A_66 = tpu.memref_slice %dma_start3A_63[%arg1, %dma_start3A_64, %dma_start3A_65] : memref<16x8x128xi32, #tpu.memory_space<hbm>> -> memref<1x8x128xi32, #tpu.memory_space<hbm>>
      %dma_start3A_67 = tpu.memref_squeeze %dma_start3A_66 : memref<1x8x128xi32, #tpu.memory_space<hbm>> -> memref<8x128xi32, #tpu.memory_space<hbm>>
      %dma_start3A_68 = arith.constant 0 : i32
      %dma_start3A_69 = arith.constant 0 : i32
      %dma_start3A_70 = arith.constant 0 : i32
      %dma_start3A_71 = tpu.memref_slice %arg2[%run_scoped3A_29, %dma_start3A_68, %dma_start3A_69, %dma_start3A_70] : memref<2x16x8x128xi32, #tpu.memory_space<hbm>> -> memref<1x16x8x128xi32, #tpu.memory_space<hbm>>
      %dma_start3A_72 = tpu.memref_squeeze %dma_start3A_71 : memref<1x16x8x128xi32, #tpu.memory_space<hbm>> -> memref<16x8x128xi32, #tpu.memory_space<hbm>>
      %dma_start3A_73 = arith.constant 0 : i32
      %dma_start3A_74 = arith.constant 0 : i32
      %dma_start3A_75 = tpu.memref_slice %dma_start3A_72[%arg1, %dma_start3A_73, %dma_start3A_74] : memref<16x8x128xi32, #tpu.memory_space<hbm>> -> memref<1x8x128xi32, #tpu.memory_space<hbm>>
      %dma_start3A_76 = tpu.memref_squeeze %dma_start3A_75 : memref<1x8x128xi32, #tpu.memory_space<hbm>> -> memref<8x128xi32, #tpu.memory_space<hbm>>
      tpu.enqueue_dma source(%dma_start3A_76 : memref<8x128xi32, #tpu.memory_space<hbm>>) target(%arg7 : memref<8x128xi32, #tpu.memory_space<vmem>>) target_semaphore(%run_scoped3A_59 : memref<!tpu.dma_semaphore, #tpu.memory_space<semaphore_mem>>)
      %dma_wait3A = arith.constant 0 : i32
      %dma_wait3A_77 = arith.constant 0 : i32
      %dma_wait3A_78 = arith.constant 0 : i32
      %dma_wait3A_79 = tpu.memref_slice %arg2[%run_scoped3A_29, %dma_wait3A, %dma_wait3A_77, %dma_wait3A_78] : memref<2x16x8x128xi32, #tpu.memory_space<hbm>> -> memref<1x16x8x128xi32, #tpu.memory_space<hbm>>
      %dma_wait3A_80 = tpu.memref_squeeze %dma_wait3A_79 : memref<1x16x8x128xi32, #tpu.memory_space<hbm>> -> memref<16x8x128xi32, #tpu.memory_space<hbm>>
      %dma_wait3A_81 = arith.constant 0 : i32
      %dma_wait3A_82 = arith.constant 0 : i32
      %dma_wait3A_83 = tpu.memref_slice %dma_wait3A_80[%arg1, %dma_wait3A_81, %dma_wait3A_82] : memref<16x8x128xi32, #tpu.memory_space<hbm>> -> memref<1x8x128xi32, #tpu.memory_space<hbm>>
      %dma_wait3A_84 = tpu.memref_squeeze %dma_wait3A_83 : memref<1x8x128xi32, #tpu.memory_space<hbm>> -> memref<8x128xi32, #tpu.memory_space<hbm>>
      %dma_wait3A_85 = arith.constant 0 : i32
      %dma_wait3A_86 = arith.constant 0 : i32
      %dma_wait3A_87 = arith.constant 0 : i32
      %dma_wait3A_88 = tpu.memref_slice %arg2[%run_scoped3A_29, %dma_wait3A_85, %dma_wait3A_86, %dma_wait3A_87] : memref<2x16x8x128xi32, #tpu.memory_space<hbm>> -> memref<1x16x8x128xi32, #tpu.memory_space<hbm>>
      %dma_wait3A_89 = tpu.memref_squeeze %dma_wait3A_88 : memref<1x16x8x128xi32, #tpu.memory_space<hbm>> -> memref<16x8x128xi32, #tpu.memory_space<hbm>>
      %dma_wait3A_90 = arith.constant 0 : i32
      %dma_wait3A_91 = arith.constant 0 : i32
      %dma_wait3A_92 = tpu.memref_slice %dma_wait3A_89[%arg1, %dma_wait3A_90, %dma_wait3A_91] : memref<16x8x128xi32, #tpu.memory_space<hbm>> -> memref<1x8x128xi32, #tpu.memory_space<hbm>>
      %dma_wait3A_93 = tpu.memref_squeeze %dma_wait3A_92 : memref<1x8x128xi32, #tpu.memory_space<hbm>> -> memref<8x128xi32, #tpu.memory_space<hbm>>
      tpu.wait_dma2 semaphore(%run_scoped3A_59 : memref<!tpu.dma_semaphore, #tpu.memory_space<semaphore_mem>>) src(%dma_wait3A_93 : memref<8x128xi32, #tpu.memory_space<hbm>>) dst(%arg7 : memref<8x128xi32, #tpu.memory_space<vmem>>)
      tpu.yield
    }) : () -> ()
    %run_scoped3A_30 = arith.constant 1 : i32
    "tpu.region"() ({
      %run_scoped3A_59 = tpu.sem_alloc : memref<!tpu.dma_semaphore, #tpu.memory_space<semaphore_mem>>
      %dma_start3A = arith.constant 0 : i32
      %dma_start3A_60 = arith.constant 0 : i32
      %dma_start3A_61 = arith.constant 0 : i32
      %dma_start3A_62 = tpu.memref_slice %arg3[%run_scoped3A_30, %dma_start3A, %dma_start3A_60, %dma_start3A_61] : memref<2x16x8x128xi32, #tpu.memory_space<hbm>> -> memref<1x16x8x128xi32, #tpu.memory_space<hbm>>
      %dma_start3A_63 = tpu.memref_squeeze %dma_start3A_62 : memref<1x16x8x128xi32, #tpu.memory_space<hbm>> -> memref<16x8x128xi32, #tpu.memory_space<hbm>>
      %dma_start3A_64 = arith.constant 0 : i32
      %dma_start3A_65 = arith.constant 0 : i32
      %dma_start3A_66 = tpu.memref_slice %dma_start3A_63[%arg1, %dma_start3A_64, %dma_start3A_65] : memref<16x8x128xi32, #tpu.memory_space<hbm>> -> memref<1x8x128xi32, #tpu.memory_space<hbm>>
      %dma_start3A_67 = tpu.memref_squeeze %dma_start3A_66 : memref<1x8x128xi32, #tpu.memory_space<hbm>> -> memref<8x128xi32, #tpu.memory_space<hbm>>
      %dma_start3A_68 = arith.constant 0 : i32
      %dma_start3A_69 = arith.constant 0 : i32
      %dma_start3A_70 = arith.constant 0 : i32
      %dma_start3A_71 = tpu.memref_slice %arg3[%run_scoped3A_30, %dma_start3A_68, %dma_start3A_69, %dma_start3A_70] : memref<2x16x8x128xi32, #tpu.memory_space<hbm>> -> memref<1x16x8x128xi32, #tpu.memory_space<hbm>>
      %dma_start3A_72 = tpu.memref_squeeze %dma_start3A_71 : memref<1x16x8x128xi32, #tpu.memory_space<hbm>> -> memref<16x8x128xi32, #tpu.memory_space<hbm>>
      %dma_start3A_73 = arith.constant 0 : i32
      %dma_start3A_74 = arith.constant 0 : i32
      %dma_start3A_75 = tpu.memref_slice %dma_start3A_72[%arg1, %dma_start3A_73, %dma_start3A_74] : memref<16x8x128xi32, #tpu.memory_space<hbm>> -> memref<1x8x128xi32, #tpu.memory_space<hbm>>
      %dma_start3A_76 = tpu.memref_squeeze %dma_start3A_75 : memref<1x8x128xi32, #tpu.memory_space<hbm>> -> memref<8x128xi32, #tpu.memory_space<hbm>>
      tpu.enqueue_dma source(%dma_start3A_76 : memref<8x128xi32, #tpu.memory_space<hbm>>) target(%arg8 : memref<8x128xi32, #tpu.memory_space<vmem>>) target_semaphore(%run_scoped3A_59 : memref<!tpu.dma_semaphore, #tpu.memory_space<semaphore_mem>>)
      %dma_wait3A = arith.constant 0 : i32
      %dma_wait3A_77 = arith.constant 0 : i32
      %dma_wait3A_78 = arith.constant 0 : i32
      %dma_wait3A_79 = tpu.memref_slice %arg3[%run_scoped3A_30, %dma_wait3A, %dma_wait3A_77, %dma_wait3A_78] : memref<2x16x8x128xi32, #tpu.memory_space<hbm>> -> memref<1x16x8x128xi32, #tpu.memory_space<hbm>>
      %dma_wait3A_80 = tpu.memref_squeeze %dma_wait3A_79 : memref<1x16x8x128xi32, #tpu.memory_space<hbm>> -> memref<16x8x128xi32, #tpu.memory_space<hbm>>
      %dma_wait3A_81 = arith.constant 0 : i32
      %dma_wait3A_82 = arith.constant 0 : i32
      %dma_wait3A_83 = tpu.memref_slice %dma_wait3A_80[%arg1, %dma_wait3A_81, %dma_wait3A_82] : memref<16x8x128xi32, #tpu.memory_space<hbm>> -> memref<1x8x128xi32, #tpu.memory_space<hbm>>
      %dma_wait3A_84 = tpu.memref_squeeze %dma_wait3A_83 : memref<1x8x128xi32, #tpu.memory_space<hbm>> -> memref<8x128xi32, #tpu.memory_space<hbm>>
      %dma_wait3A_85 = arith.constant 0 : i32
      %dma_wait3A_86 = arith.constant 0 : i32
      %dma_wait3A_87 = arith.constant 0 : i32
      %dma_wait3A_88 = tpu.memref_slice %arg3[%run_scoped3A_30, %dma_wait3A_85, %dma_wait3A_86, %dma_wait3A_87] : memref<2x16x8x128xi32, #tpu.memory_space<hbm>> -> memref<1x16x8x128xi32, #tpu.memory_space<hbm>>
      %dma_wait3A_89 = tpu.memref_squeeze %dma_wait3A_88 : memref<1x16x8x128xi32, #tpu.memory_space<hbm>> -> memref<16x8x128xi32, #tpu.memory_space<hbm>>
      %dma_wait3A_90 = arith.constant 0 : i32
      %dma_wait3A_91 = arith.constant 0 : i32
      %dma_wait3A_92 = tpu.memref_slice %dma_wait3A_89[%arg1, %dma_wait3A_90, %dma_wait3A_91] : memref<16x8x128xi32, #tpu.memory_space<hbm>> -> memref<1x8x128xi32, #tpu.memory_space<hbm>>
      %dma_wait3A_93 = tpu.memref_squeeze %dma_wait3A_92 : memref<1x8x128xi32, #tpu.memory_space<hbm>> -> memref<8x128xi32, #tpu.memory_space<hbm>>
      tpu.wait_dma2 semaphore(%run_scoped3A_59 : memref<!tpu.dma_semaphore, #tpu.memory_space<semaphore_mem>>) src(%dma_wait3A_93 : memref<8x128xi32, #tpu.memory_space<hbm>>) dst(%arg8 : memref<8x128xi32, #tpu.memory_space<vmem>>)
      tpu.yield
    }) : () -> ()
    %run_scoped3A_31 = arith.constant 0 : i32
    %run_scoped3A_32 = arith.constant 0 : i32
    "tpu.region"() ({
      %run_scoped3A_59 = tpu.sem_alloc : memref<!tpu.dma_semaphore, #tpu.memory_space<semaphore_mem>>
      %dma_start3A = arith.constant 0 : i32
      %dma_start3A_60 = tpu.memref_slice %arg8[%run_scoped3A_31, %dma_start3A] : memref<8x128xi32, #tpu.memory_space<vmem>> -> memref<1x128xi32, #tpu.memory_space<vmem>>
      %dma_start3A_61 = tpu.memref_squeeze %dma_start3A_60 : memref<1x128xi32, #tpu.memory_space<vmem>> -> memref<128xi32, #tpu.memory_space<vmem>>
      %dma_start3A_62 = arith.constant 0 : i32
      %dma_start3A_63 = tpu.memref_slice %arg7[%run_scoped3A_32, %dma_start3A_62] : memref<8x128xi32, #tpu.memory_space<vmem>> -> memref<1x128xi32, #tpu.memory_space<vmem>>
      %dma_start3A_64 = tpu.memref_squeeze %dma_start3A_63 : memref<1x128xi32, #tpu.memory_space<vmem>> -> memref<128xi32, #tpu.memory_space<vmem>>
      %dma_start3A_65 = arith.constant 0 : i32
      %dma_start3A_66 = tpu.memref_slice %arg6[%dma_start3A_65] : memref<1000000xi32, #tpu.memory_space<vmem_shared>> -> memref<1000000xi32, #tpu.memory_space<vmem_shared>>
      tpu.enqueue_indirect_dma source(%dma_start3A_61 : memref<128xi32, #tpu.memory_space<vmem>>) target(%dma_start3A_66 : memref<1000000xi32, #tpu.memory_space<vmem_shared>>) offsets(%dma_start3A_64 : memref<128xi32, #tpu.memory_space<vmem>>) semaphore(%run_scoped3A_59 : memref<!tpu.dma_semaphore, #tpu.memory_space<semaphore_mem>>)
      %dma_wait3A = arith.constant 0 : i32
      %dma_wait3A_67 = tpu.memref_slice %arg8[%run_scoped3A_31, %dma_wait3A] : memref<8x128xi32, #tpu.memory_space<vmem>> -> memref<1x128xi32, #tpu.memory_space<vmem>>
      %dma_wait3A_68 = tpu.memref_squeeze %dma_wait3A_67 : memref<1x128xi32, #tpu.memory_space<vmem>> -> memref<128xi32, #tpu.memory_space<vmem>>
      %dma_wait3A_69 = arith.constant 0 : i32
      %dma_wait3A_70 = tpu.memref_slice %arg7[%run_scoped3A_32, %dma_wait3A_69] : memref<8x128xi32, #tpu.memory_space<vmem>> -> memref<1x128xi32, #tpu.memory_space<vmem>>
      %dma_wait3A_71 = tpu.memref_squeeze %dma_wait3A_70 : memref<1x128xi32, #tpu.memory_space<vmem>> -> memref<128xi32, #tpu.memory_space<vmem>>
      %dma_wait3A_72 = arith.constant 0 : i32
      %dma_wait3A_73 = tpu.memref_slice %arg6[%dma_wait3A_72] : memref<1000000xi32, #tpu.memory_space<vmem_shared>> -> memref<1000000xi32, #tpu.memory_space<vmem_shared>>
      tpu.wait_indirect_dma semaphore(%run_scoped3A_59 : memref<!tpu.dma_semaphore, #tpu.memory_space<semaphore_mem>>) src(%dma_wait3A_68 : memref<128xi32, #tpu.memory_space<vmem>>) dst(%dma_wait3A_73 : memref<1000000xi32, #tpu.memory_space<vmem_shared>>)
      tpu.yield
    }) : () -> ()
    %run_scoped3A_33 = arith.constant 1 : i32
    %run_scoped3A_34 = arith.constant 1 : i32
    "tpu.region"() ({
      %run_scoped3A_59 = tpu.sem_alloc : memref<!tpu.dma_semaphore, #tpu.memory_space<semaphore_mem>>
      %dma_start3A = arith.constant 0 : i32
      %dma_start3A_60 = tpu.memref_slice %arg8[%run_scoped3A_33, %dma_start3A] : memref<8x128xi32, #tpu.memory_space<vmem>> -> memref<1x128xi32, #tpu.memory_space<vmem>>
      %dma_start3A_61 = tpu.memref_squeeze %dma_start3A_60 : memref<1x128xi32, #tpu.memory_space<vmem>> -> memref<128xi32, #tpu.memory_space<vmem>>
      %dma_start3A_62 = arith.constant 0 : i32
      %dma_start3A_63 = tpu.memref_slice %arg7[%run_scoped3A_34, %dma_start3A_62] : memref<8x128xi32, #tpu.memory_space<vmem>> -> memref<1x128xi32, #tpu.memory_space<vmem>>
      %dma_start3A_64 = tpu.memref_squeeze %dma_start3A_63 : memref<1x128xi32, #tpu.memory_space<vmem>> -> memref<128xi32, #tpu.memory_space<vmem>>
      %dma_start3A_65 = arith.constant 0 : i32
      %dma_start3A_66 = tpu.memref_slice %arg6[%dma_start3A_65] : memref<1000000xi32, #tpu.memory_space<vmem_shared>> -> memref<1000000xi32, #tpu.memory_space<vmem_shared>>
      tpu.enqueue_indirect_dma source(%dma_start3A_61 : memref<128xi32, #tpu.memory_space<vmem>>) target(%dma_start3A_66 : memref<1000000xi32, #tpu.memory_space<vmem_shared>>) offsets(%dma_start3A_64 : memref<128xi32, #tpu.memory_space<vmem>>) semaphore(%run_scoped3A_59 : memref<!tpu.dma_semaphore, #tpu.memory_space<semaphore_mem>>)
      %dma_wait3A = arith.constant 0 : i32
      %dma_wait3A_67 = tpu.memref_slice %arg8[%run_scoped3A_33, %dma_wait3A] : memref<8x128xi32, #tpu.memory_space<vmem>> -> memref<1x128xi32, #tpu.memory_space<vmem>>
      %dma_wait3A_68 = tpu.memref_squeeze %dma_wait3A_67 : memref<1x128xi32, #tpu.memory_space<vmem>> -> memref<128xi32, #tpu.memory_space<vmem>>
      %dma_wait3A_69 = arith.constant 0 : i32
      %dma_wait3A_70 = tpu.memref_slice %arg7[%run_scoped3A_34, %dma_wait3A_69] : memref<8x128xi32, #tpu.memory_space<vmem>> -> memref<1x128xi32, #tpu.memory_space<vmem>>
      %dma_wait3A_71 = tpu.memref_squeeze %dma_wait3A_70 : memref<1x128xi32, #tpu.memory_space<vmem>> -> memref<128xi32, #tpu.memory_space<vmem>>
      %dma_wait3A_72 = arith.constant 0 : i32
      %dma_wait3A_73 = tpu.memref_slice %arg6[%dma_wait3A_72] : memref<1000000xi32, #tpu.memory_space<vmem_shared>> -> memref<1000000xi32, #tpu.memory_space<vmem_shared>>
      tpu.wait_indirect_dma semaphore(%run_scoped3A_59 : memref<!tpu.dma_semaphore, #tpu.memory_space<semaphore_mem>>) src(%dma_wait3A_68 : memref<128xi32, #tpu.memory_space<vmem>>) dst(%dma_wait3A_73 : memref<1000000xi32, #tpu.memory_space<vmem_shared>>)
      tpu.yield
    }) : () -> ()
    %run_scoped3A_35 = arith.constant 2 : i32
    %run_scoped3A_36 = arith.constant 2 : i32
    "tpu.region"() ({
      %run_scoped3A_59 = tpu.sem_alloc : memref<!tpu.dma_semaphore, #tpu.memory_space<semaphore_mem>>
      %dma_start3A = arith.constant 0 : i32
      %dma_start3A_60 = tpu.memref_slice %arg8[%run_scoped3A_35, %dma_start3A] : memref<8x128xi32, #tpu.memory_space<vmem>> -> memref<1x128xi32, #tpu.memory_space<vmem>>
      %dma_start3A_61 = tpu.memref_squeeze %dma_start3A_60 : memref<1x128xi32, #tpu.memory_space<vmem>> -> memref<128xi32, #tpu.memory_space<vmem>>
      %dma_start3A_62 = arith.constant 0 : i32
      %dma_start3A_63 = tpu.memref_slice %arg7[%run_scoped3A_36, %dma_start3A_62] : memref<8x128xi32, #tpu.memory_space<vmem>> -> memref<1x128xi32, #tpu.memory_space<vmem>>
      %dma_start3A_64 = tpu.memref_squeeze %dma_start3A_63 : memref<1x128xi32, #tpu.memory_space<vmem>> -> memref<128xi32, #tpu.memory_space<vmem>>
      %dma_start3A_65 = arith.constant 0 : i32
      %dma_start3A_66 = tpu.memref_slice %arg6[%dma_start3A_65] : memref<1000000xi32, #tpu.memory_space<vmem_shared>> -> memref<1000000xi32, #tpu.memory_space<vmem_shared>>
      tpu.enqueue_indirect_dma source(%dma_start3A_61 : memref<128xi32, #tpu.memory_space<vmem>>) target(%dma_start3A_66 : memref<1000000xi32, #tpu.memory_space<vmem_shared>>) offsets(%dma_start3A_64 : memref<128xi32, #tpu.memory_space<vmem>>) semaphore(%run_scoped3A_59 : memref<!tpu.dma_semaphore, #tpu.memory_space<semaphore_mem>>)
      %dma_wait3A = arith.constant 0 : i32
      %dma_wait3A_67 = tpu.memref_slice %arg8[%run_scoped3A_35, %dma_wait3A] : memref<8x128xi32, #tpu.memory_space<vmem>> -> memref<1x128xi32, #tpu.memory_space<vmem>>
      %dma_wait3A_68 = tpu.memref_squeeze %dma_wait3A_67 : memref<1x128xi32, #tpu.memory_space<vmem>> -> memref<128xi32, #tpu.memory_space<vmem>>
      %dma_wait3A_69 = arith.constant 0 : i32
      %dma_wait3A_70 = tpu.memref_slice %arg7[%run_scoped3A_36, %dma_wait3A_69] : memref<8x128xi32, #tpu.memory_space<vmem>> -> memref<1x128xi32, #tpu.memory_space<vmem>>
      %dma_wait3A_71 = tpu.memref_squeeze %dma_wait3A_70 : memref<1x128xi32, #tpu.memory_space<vmem>> -> memref<128xi32, #tpu.memory_space<vmem>>
      %dma_wait3A_72 = arith.constant 0 : i32
      %dma_wait3A_73 = tpu.memref_slice %arg6[%dma_wait3A_72] : memref<1000000xi32, #tpu.memory_space<vmem_shared>> -> memref<1000000xi32, #tpu.memory_space<vmem_shared>>
      tpu.wait_indirect_dma semaphore(%run_scoped3A_59 : memref<!tpu.dma_semaphore, #tpu.memory_space<semaphore_mem>>) src(%dma_wait3A_68 : memref<128xi32, #tpu.memory_space<vmem>>) dst(%dma_wait3A_73 : memref<1000000xi32, #tpu.memory_space<vmem_shared>>)
      tpu.yield
    }) : () -> ()
    %run_scoped3A_37 = arith.constant 3 : i32
    %run_scoped3A_38 = arith.constant 3 : i32
    "tpu.region"() ({
      %run_scoped3A_59 = tpu.sem_alloc : memref<!tpu.dma_semaphore, #tpu.memory_space<semaphore_mem>>
      %dma_start3A = arith.constant 0 : i32
      %dma_start3A_60 = tpu.memref_slice %arg8[%run_scoped3A_37, %dma_start3A] : memref<8x128xi32, #tpu.memory_space<vmem>> -> memref<1x128xi32, #tpu.memory_space<vmem>>
      %dma_start3A_61 = tpu.memref_squeeze %dma_start3A_60 : memref<1x128xi32, #tpu.memory_space<vmem>> -> memref<128xi32, #tpu.memory_space<vmem>>
      %dma_start3A_62 = arith.constant 0 : i32
      %dma_start3A_63 = tpu.memref_slice %arg7[%run_scoped3A_38, %dma_start3A_62] : memref<8x128xi32, #tpu.memory_space<vmem>> -> memref<1x128xi32, #tpu.memory_space<vmem>>
      %dma_start3A_64 = tpu.memref_squeeze %dma_start3A_63 : memref<1x128xi32, #tpu.memory_space<vmem>> -> memref<128xi32, #tpu.memory_space<vmem>>
      %dma_start3A_65 = arith.constant 0 : i32
      %dma_start3A_66 = tpu.memref_slice %arg6[%dma_start3A_65] : memref<1000000xi32, #tpu.memory_space<vmem_shared>> -> memref<1000000xi32, #tpu.memory_space<vmem_shared>>
      tpu.enqueue_indirect_dma source(%dma_start3A_61 : memref<128xi32, #tpu.memory_space<vmem>>) target(%dma_start3A_66 : memref<1000000xi32, #tpu.memory_space<vmem_shared>>) offsets(%dma_start3A_64 : memref<128xi32, #tpu.memory_space<vmem>>) semaphore(%run_scoped3A_59 : memref<!tpu.dma_semaphore, #tpu.memory_space<semaphore_mem>>)
      %dma_wait3A = arith.constant 0 : i32
      %dma_wait3A_67 = tpu.memref_slice %arg8[%run_scoped3A_37, %dma_wait3A] : memref<8x128xi32, #tpu.memory_space<vmem>> -> memref<1x128xi32, #tpu.memory_space<vmem>>
      %dma_wait3A_68 = tpu.memref_squeeze %dma_wait3A_67 : memref<1x128xi32, #tpu.memory_space<vmem>> -> memref<128xi32, #tpu.memory_space<vmem>>
      %dma_wait3A_69 = arith.constant 0 : i32
      %dma_wait3A_70 = tpu.memref_slice %arg7[%run_scoped3A_38, %dma_wait3A_69] : memref<8x128xi32, #tpu.memory_space<vmem>> -> memref<1x128xi32, #tpu.memory_space<vmem>>
      %dma_wait3A_71 = tpu.memref_squeeze %dma_wait3A_70 : memref<1x128xi32, #tpu.memory_space<vmem>> -> memref<128xi32, #tpu.memory_space<vmem>>
      %dma_wait3A_72 = arith.constant 0 : i32
      %dma_wait3A_73 = tpu.memref_slice %arg6[%dma_wait3A_72] : memref<1000000xi32, #tpu.memory_space<vmem_shared>> -> memref<1000000xi32, #tpu.memory_space<vmem_shared>>
      tpu.wait_indirect_dma semaphore(%run_scoped3A_59 : memref<!tpu.dma_semaphore, #tpu.memory_space<semaphore_mem>>) src(%dma_wait3A_68 : memref<128xi32, #tpu.memory_space<vmem>>) dst(%dma_wait3A_73 : memref<1000000xi32, #tpu.memory_space<vmem_shared>>)
      tpu.yield
    }) : () -> ()
    %run_scoped3A_39 = arith.constant 4 : i32
    %run_scoped3A_40 = arith.constant 4 : i32
    "tpu.region"() ({
      %run_scoped3A_59 = tpu.sem_alloc : memref<!tpu.dma_semaphore, #tpu.memory_space<semaphore_mem>>
      %dma_start3A = arith.constant 0 : i32
      %dma_start3A_60 = tpu.memref_slice %arg8[%run_scoped3A_39, %dma_start3A] : memref<8x128xi32, #tpu.memory_space<vmem>> -> memref<1x128xi32, #tpu.memory_space<vmem>>
      %dma_start3A_61 = tpu.memref_squeeze %dma_start3A_60 : memref<1x128xi32, #tpu.memory_space<vmem>> -> memref<128xi32, #tpu.memory_space<vmem>>
      %dma_start3A_62 = arith.constant 0 : i32
      %dma_start3A_63 = tpu.memref_slice %arg7[%run_scoped3A_40, %dma_start3A_62] : memref<8x128xi32, #tpu.memory_space<vmem>> -> memref<1x128xi32, #tpu.memory_space<vmem>>
      %dma_start3A_64 = tpu.memref_squeeze %dma_start3A_63 : memref<1x128xi32, #tpu.memory_space<vmem>> -> memref<128xi32, #tpu.memory_space<vmem>>
      %dma_start3A_65 = arith.constant 0 : i32
      %dma_start3A_66 = tpu.memref_slice %arg6[%dma_start3A_65] : memref<1000000xi32, #tpu.memory_space<vmem_shared>> -> memref<1000000xi32, #tpu.memory_space<vmem_shared>>
      tpu.enqueue_indirect_dma source(%dma_start3A_61 : memref<128xi32, #tpu.memory_space<vmem>>) target(%dma_start3A_66 : memref<1000000xi32, #tpu.memory_space<vmem_shared>>) offsets(%dma_start3A_64 : memref<128xi32, #tpu.memory_space<vmem>>) semaphore(%run_scoped3A_59 : memref<!tpu.dma_semaphore, #tpu.memory_space<semaphore_mem>>)
      %dma_wait3A = arith.constant 0 : i32
      %dma_wait3A_67 = tpu.memref_slice %arg8[%run_scoped3A_39, %dma_wait3A] : memref<8x128xi32, #tpu.memory_space<vmem>> -> memref<1x128xi32, #tpu.memory_space<vmem>>
      %dma_wait3A_68 = tpu.memref_squeeze %dma_wait3A_67 : memref<1x128xi32, #tpu.memory_space<vmem>> -> memref<128xi32, #tpu.memory_space<vmem>>
      %dma_wait3A_69 = arith.constant 0 : i32
      %dma_wait3A_70 = tpu.memref_slice %arg7[%run_scoped3A_40, %dma_wait3A_69] : memref<8x128xi32, #tpu.memory_space<vmem>> -> memref<1x128xi32, #tpu.memory_space<vmem>>
      %dma_wait3A_71 = tpu.memref_squeeze %dma_wait3A_70 : memref<1x128xi32, #tpu.memory_space<vmem>> -> memref<128xi32, #tpu.memory_space<vmem>>
      %dma_wait3A_72 = arith.constant 0 : i32
      %dma_wait3A_73 = tpu.memref_slice %arg6[%dma_wait3A_72] : memref<1000000xi32, #tpu.memory_space<vmem_shared>> -> memref<1000000xi32, #tpu.memory_space<vmem_shared>>
      tpu.wait_indirect_dma semaphore(%run_scoped3A_59 : memref<!tpu.dma_semaphore, #tpu.memory_space<semaphore_mem>>) src(%dma_wait3A_68 : memref<128xi32, #tpu.memory_space<vmem>>) dst(%dma_wait3A_73 : memref<1000000xi32, #tpu.memory_space<vmem_shared>>)
      tpu.yield
    }) : () -> ()
    %run_scoped3A_41 = arith.constant 5 : i32
    %run_scoped3A_42 = arith.constant 5 : i32
    "tpu.region"() ({
      %run_scoped3A_59 = tpu.sem_alloc : memref<!tpu.dma_semaphore, #tpu.memory_space<semaphore_mem>>
      %dma_start3A = arith.constant 0 : i32
      %dma_start3A_60 = tpu.memref_slice %arg8[%run_scoped3A_41, %dma_start3A] : memref<8x128xi32, #tpu.memory_space<vmem>> -> memref<1x128xi32, #tpu.memory_space<vmem>>
      %dma_start3A_61 = tpu.memref_squeeze %dma_start3A_60 : memref<1x128xi32, #tpu.memory_space<vmem>> -> memref<128xi32, #tpu.memory_space<vmem>>
      %dma_start3A_62 = arith.constant 0 : i32
      %dma_start3A_63 = tpu.memref_slice %arg7[%run_scoped3A_42, %dma_start3A_62] : memref<8x128xi32, #tpu.memory_space<vmem>> -> memref<1x128xi32, #tpu.memory_space<vmem>>
      %dma_start3A_64 = tpu.memref_squeeze %dma_start3A_63 : memref<1x128xi32, #tpu.memory_space<vmem>> -> memref<128xi32, #tpu.memory_space<vmem>>
      %dma_start3A_65 = arith.constant 0 : i32
      %dma_start3A_66 = tpu.memref_slice %arg6[%dma_start3A_65] : memref<1000000xi32, #tpu.memory_space<vmem_shared>> -> memref<1000000xi32, #tpu.memory_space<vmem_shared>>
      tpu.enqueue_indirect_dma source(%dma_start3A_61 : memref<128xi32, #tpu.memory_space<vmem>>) target(%dma_start3A_66 : memref<1000000xi32, #tpu.memory_space<vmem_shared>>) offsets(%dma_start3A_64 : memref<128xi32, #tpu.memory_space<vmem>>) semaphore(%run_scoped3A_59 : memref<!tpu.dma_semaphore, #tpu.memory_space<semaphore_mem>>)
      %dma_wait3A = arith.constant 0 : i32
      %dma_wait3A_67 = tpu.memref_slice %arg8[%run_scoped3A_41, %dma_wait3A] : memref<8x128xi32, #tpu.memory_space<vmem>> -> memref<1x128xi32, #tpu.memory_space<vmem>>
      %dma_wait3A_68 = tpu.memref_squeeze %dma_wait3A_67 : memref<1x128xi32, #tpu.memory_space<vmem>> -> memref<128xi32, #tpu.memory_space<vmem>>
      %dma_wait3A_69 = arith.constant 0 : i32
      %dma_wait3A_70 = tpu.memref_slice %arg7[%run_scoped3A_42, %dma_wait3A_69] : memref<8x128xi32, #tpu.memory_space<vmem>> -> memref<1x128xi32, #tpu.memory_space<vmem>>
      %dma_wait3A_71 = tpu.memref_squeeze %dma_wait3A_70 : memref<1x128xi32, #tpu.memory_space<vmem>> -> memref<128xi32, #tpu.memory_space<vmem>>
      %dma_wait3A_72 = arith.constant 0 : i32
      %dma_wait3A_73 = tpu.memref_slice %arg6[%dma_wait3A_72] : memref<1000000xi32, #tpu.memory_space<vmem_shared>> -> memref<1000000xi32, #tpu.memory_space<vmem_shared>>
      tpu.wait_indirect_dma semaphore(%run_scoped3A_59 : memref<!tpu.dma_semaphore, #tpu.memory_space<semaphore_mem>>) src(%dma_wait3A_68 : memref<128xi32, #tpu.memory_space<vmem>>) dst(%dma_wait3A_73 : memref<1000000xi32, #tpu.memory_space<vmem_shared>>)
      tpu.yield
    }) : () -> ()
    %run_scoped3A_43 = arith.constant 6 : i32
    %run_scoped3A_44 = arith.constant 6 : i32
    "tpu.region"() ({
      %run_scoped3A_59 = tpu.sem_alloc : memref<!tpu.dma_semaphore, #tpu.memory_space<semaphore_mem>>
      %dma_start3A = arith.constant 0 : i32
      %dma_start3A_60 = tpu.memref_slice %arg8[%run_scoped3A_43, %dma_start3A] : memref<8x128xi32, #tpu.memory_space<vmem>> -> memref<1x128xi32, #tpu.memory_space<vmem>>
      %dma_start3A_61 = tpu.memref_squeeze %dma_start3A_60 : memref<1x128xi32, #tpu.memory_space<vmem>> -> memref<128xi32, #tpu.memory_space<vmem>>
      %dma_start3A_62 = arith.constant 0 : i32
      %dma_start3A_63 = tpu.memref_slice %arg7[%run_scoped3A_44, %dma_start3A_62] : memref<8x128xi32, #tpu.memory_space<vmem>> -> memref<1x128xi32, #tpu.memory_space<vmem>>
      %dma_start3A_64 = tpu.memref_squeeze %dma_start3A_63 : memref<1x128xi32, #tpu.memory_space<vmem>> -> memref<128xi32, #tpu.memory_space<vmem>>
      %dma_start3A_65 = arith.constant 0 : i32
      %dma_start3A_66 = tpu.memref_slice %arg6[%dma_start3A_65] : memref<1000000xi32, #tpu.memory_space<vmem_shared>> -> memref<1000000xi32, #tpu.memory_space<vmem_shared>>
      tpu.enqueue_indirect_dma source(%dma_start3A_61 : memref<128xi32, #tpu.memory_space<vmem>>) target(%dma_start3A_66 : memref<1000000xi32, #tpu.memory_space<vmem_shared>>) offsets(%dma_start3A_64 : memref<128xi32, #tpu.memory_space<vmem>>) semaphore(%run_scoped3A_59 : memref<!tpu.dma_semaphore, #tpu.memory_space<semaphore_mem>>)
      %dma_wait3A = arith.constant 0 : i32
      %dma_wait3A_67 = tpu.memref_slice %arg8[%run_scoped3A_43, %dma_wait3A] : memref<8x128xi32, #tpu.memory_space<vmem>> -> memref<1x128xi32, #tpu.memory_space<vmem>>
      %dma_wait3A_68 = tpu.memref_squeeze %dma_wait3A_67 : memref<1x128xi32, #tpu.memory_space<vmem>> -> memref<128xi32, #tpu.memory_space<vmem>>
      %dma_wait3A_69 = arith.constant 0 : i32
      %dma_wait3A_70 = tpu.memref_slice %arg7[%run_scoped3A_44, %dma_wait3A_69] : memref<8x128xi32, #tpu.memory_space<vmem>> -> memref<1x128xi32, #tpu.memory_space<vmem>>
      %dma_wait3A_71 = tpu.memref_squeeze %dma_wait3A_70 : memref<1x128xi32, #tpu.memory_space<vmem>> -> memref<128xi32, #tpu.memory_space<vmem>>
      %dma_wait3A_72 = arith.constant 0 : i32
      %dma_wait3A_73 = tpu.memref_slice %arg6[%dma_wait3A_72] : memref<1000000xi32, #tpu.memory_space<vmem_shared>> -> memref<1000000xi32, #tpu.memory_space<vmem_shared>>
      tpu.wait_indirect_dma semaphore(%run_scoped3A_59 : memref<!tpu.dma_semaphore, #tpu.memory_space<semaphore_mem>>) src(%dma_wait3A_68 : memref<128xi32, #tpu.memory_space<vmem>>) dst(%dma_wait3A_73 : memref<1000000xi32, #tpu.memory_space<vmem_shared>>)
      tpu.yield
    }) : () -> ()
    %run_scoped3A_45 = arith.constant 7 : i32
    %run_scoped3A_46 = arith.constant 7 : i32
    "tpu.region"() ({
      %run_scoped3A_59 = tpu.sem_alloc : memref<!tpu.dma_semaphore, #tpu.memory_space<semaphore_mem>>
      %dma_start3A = arith.constant 0 : i32
      %dma_start3A_60 = tpu.memref_slice %arg8[%run_scoped3A_45, %dma_start3A] : memref<8x128xi32, #tpu.memory_space<vmem>> -> memref<1x128xi32, #tpu.memory_space<vmem>>
      %dma_start3A_61 = tpu.memref_squeeze %dma_start3A_60 : memref<1x128xi32, #tpu.memory_space<vmem>> -> memref<128xi32, #tpu.memory_space<vmem>>
      %dma_start3A_62 = arith.constant 0 : i32
      %dma_start3A_63 = tpu.memref_slice %arg7[%run_scoped3A_46, %dma_start3A_62] : memref<8x128xi32, #tpu.memory_space<vmem>> -> memref<1x128xi32, #tpu.memory_space<vmem>>
      %dma_start3A_64 = tpu.memref_squeeze %dma_start3A_63 : memref<1x128xi32, #tpu.memory_space<vmem>> -> memref<128xi32, #tpu.memory_space<vmem>>
      %dma_start3A_65 = arith.constant 0 : i32
      %dma_start3A_66 = tpu.memref_slice %arg6[%dma_start3A_65] : memref<1000000xi32, #tpu.memory_space<vmem_shared>> -> memref<1000000xi32, #tpu.memory_space<vmem_shared>>
      tpu.enqueue_indirect_dma source(%dma_start3A_61 : memref<128xi32, #tpu.memory_space<vmem>>) target(%dma_start3A_66 : memref<1000000xi32, #tpu.memory_space<vmem_shared>>) offsets(%dma_start3A_64 : memref<128xi32, #tpu.memory_space<vmem>>) semaphore(%run_scoped3A_59 : memref<!tpu.dma_semaphore, #tpu.memory_space<semaphore_mem>>)
      %dma_wait3A = arith.constant 0 : i32
      %dma_wait3A_67 = tpu.memref_slice %arg8[%run_scoped3A_45, %dma_wait3A] : memref<8x128xi32, #tpu.memory_space<vmem>> -> memref<1x128xi32, #tpu.memory_space<vmem>>
      %dma_wait3A_68 = tpu.memref_squeeze %dma_wait3A_67 : memref<1x128xi32, #tpu.memory_space<vmem>> -> memref<128xi32, #tpu.memory_space<vmem>>
      %dma_wait3A_69 = arith.constant 0 : i32
      %dma_wait3A_70 = tpu.memref_slice %arg7[%run_scoped3A_46, %dma_wait3A_69] : memref<8x128xi32, #tpu.memory_space<vmem>> -> memref<1x128xi32, #tpu.memory_space<vmem>>
      %dma_wait3A_71 = tpu.memref_squeeze %dma_wait3A_70 : memref<1x128xi32, #tpu.memory_space<vmem>> -> memref<128xi32, #tpu.memory_space<vmem>>
      %dma_wait3A_72 = arith.constant 0 : i32
      %dma_wait3A_73 = tpu.memref_slice %arg6[%dma_wait3A_72] : memref<1000000xi32, #tpu.memory_space<vmem_shared>> -> memref<1000000xi32, #tpu.memory_space<vmem_shared>>
      tpu.wait_indirect_dma semaphore(%run_scoped3A_59 : memref<!tpu.dma_semaphore, #tpu.memory_space<semaphore_mem>>) src(%dma_wait3A_68 : memref<128xi32, #tpu.memory_space<vmem>>) dst(%dma_wait3A_73 : memref<1000000xi32, #tpu.memory_space<vmem_shared>>)
      tpu.yield
    }) : () -> ()
    %barrier3A_47 = arith.constant 0 : index
    tpu.barrier barrier_id(%barrier3A_47)
    %run_scoped3A_48 = arith.constant 1 : i32
    "tpu.region"() ({
      %run_scoped3A_59 = tpu.sem_alloc : memref<!tpu.dma_semaphore, #tpu.memory_space<semaphore_mem>>
      %dma_start3A = arith.constant 0 : i32
      %dma_start3A_60 = arith.constant 0 : i32
      %dma_start3A_61 = arith.constant 0 : i32
      %dma_start3A_62 = tpu.memref_slice %arg4[%run_scoped3A_48, %dma_start3A, %dma_start3A_60, %dma_start3A_61] : memref<2x32x4x128xi32, #tpu.memory_space<hbm>> -> memref<1x32x4x128xi32, #tpu.memory_space<hbm>>
      %dma_start3A_63 = tpu.memref_squeeze %dma_start3A_62 : memref<1x32x4x128xi32, #tpu.memory_space<hbm>> -> memref<32x4x128xi32, #tpu.memory_space<hbm>>
      %dma_start3A_64 = arith.constant 0 : i32
      %dma_start3A_65 = arith.constant 0 : i32
      %dma_start3A_66 = tpu.memref_slice %dma_start3A_63[%add3A, %dma_start3A_64, %dma_start3A_65] : memref<32x4x128xi32, #tpu.memory_space<hbm>> -> memref<1x4x128xi32, #tpu.memory_space<hbm>>
      %dma_start3A_67 = tpu.memref_squeeze %dma_start3A_66 : memref<1x4x128xi32, #tpu.memory_space<hbm>> -> memref<4x128xi32, #tpu.memory_space<hbm>>
      %dma_start3A_68 = arith.constant 0 : i32
      %dma_start3A_69 = arith.constant 0 : i32
      %dma_start3A_70 = arith.constant 0 : i32
      %dma_start3A_71 = tpu.memref_slice %arg4[%run_scoped3A_48, %dma_start3A_68, %dma_start3A_69, %dma_start3A_70] : memref<2x32x4x128xi32, #tpu.memory_space<hbm>> -> memref<1x32x4x128xi32, #tpu.memory_space<hbm>>
      %dma_start3A_72 = tpu.memref_squeeze %dma_start3A_71 : memref<1x32x4x128xi32, #tpu.memory_space<hbm>> -> memref<32x4x128xi32, #tpu.memory_space<hbm>>
      %dma_start3A_73 = arith.constant 0 : i32
      %dma_start3A_74 = arith.constant 0 : i32
      %dma_start3A_75 = tpu.memref_slice %dma_start3A_72[%add3A, %dma_start3A_73, %dma_start3A_74] : memref<32x4x128xi32, #tpu.memory_space<hbm>> -> memref<1x4x128xi32, #tpu.memory_space<hbm>>
      %dma_start3A_76 = tpu.memref_squeeze %dma_start3A_75 : memref<1x4x128xi32, #tpu.memory_space<hbm>> -> memref<4x128xi32, #tpu.memory_space<hbm>>
      tpu.enqueue_dma source(%dma_start3A_76 : memref<4x128xi32, #tpu.memory_space<hbm>>) target(%arg9 : memref<4x128xi32, #tpu.memory_space<vmem>>) target_semaphore(%run_scoped3A_59 : memref<!tpu.dma_semaphore, #tpu.memory_space<semaphore_mem>>)
      %dma_wait3A = arith.constant 0 : i32
      %dma_wait3A_77 = arith.constant 0 : i32
      %dma_wait3A_78 = arith.constant 0 : i32
      %dma_wait3A_79 = tpu.memref_slice %arg4[%run_scoped3A_48, %dma_wait3A, %dma_wait3A_77, %dma_wait3A_78] : memref<2x32x4x128xi32, #tpu.memory_space<hbm>> -> memref<1x32x4x128xi32, #tpu.memory_space<hbm>>
      %dma_wait3A_80 = tpu.memref_squeeze %dma_wait3A_79 : memref<1x32x4x128xi32, #tpu.memory_space<hbm>> -> memref<32x4x128xi32, #tpu.memory_space<hbm>>
      %dma_wait3A_81 = arith.constant 0 : i32
      %dma_wait3A_82 = arith.constant 0 : i32
      %dma_wait3A_83 = tpu.memref_slice %dma_wait3A_80[%add3A, %dma_wait3A_81, %dma_wait3A_82] : memref<32x4x128xi32, #tpu.memory_space<hbm>> -> memref<1x4x128xi32, #tpu.memory_space<hbm>>
      %dma_wait3A_84 = tpu.memref_squeeze %dma_wait3A_83 : memref<1x4x128xi32, #tpu.memory_space<hbm>> -> memref<4x128xi32, #tpu.memory_space<hbm>>
      %dma_wait3A_85 = arith.constant 0 : i32
      %dma_wait3A_86 = arith.constant 0 : i32
      %dma_wait3A_87 = arith.constant 0 : i32
      %dma_wait3A_88 = tpu.memref_slice %arg4[%run_scoped3A_48, %dma_wait3A_85, %dma_wait3A_86, %dma_wait3A_87] : memref<2x32x4x128xi32, #tpu.memory_space<hbm>> -> memref<1x32x4x128xi32, #tpu.memory_space<hbm>>
      %dma_wait3A_89 = tpu.memref_squeeze %dma_wait3A_88 : memref<1x32x4x128xi32, #tpu.memory_space<hbm>> -> memref<32x4x128xi32, #tpu.memory_space<hbm>>
      %dma_wait3A_90 = arith.constant 0 : i32
      %dma_wait3A_91 = arith.constant 0 : i32
      %dma_wait3A_92 = tpu.memref_slice %dma_wait3A_89[%add3A, %dma_wait3A_90, %dma_wait3A_91] : memref<32x4x128xi32, #tpu.memory_space<hbm>> -> memref<1x4x128xi32, #tpu.memory_space<hbm>>
      %dma_wait3A_93 = tpu.memref_squeeze %dma_wait3A_92 : memref<1x4x128xi32, #tpu.memory_space<hbm>> -> memref<4x128xi32, #tpu.memory_space<hbm>>
      tpu.wait_dma2 semaphore(%run_scoped3A_59 : memref<!tpu.dma_semaphore, #tpu.memory_space<semaphore_mem>>) src(%dma_wait3A_93 : memref<4x128xi32, #tpu.memory_space<hbm>>) dst(%arg9 : memref<4x128xi32, #tpu.memory_space<vmem>>)
      tpu.yield
    }) : () -> ()
    %run_scoped3A_49 = arith.constant 0 : i32
    %run_scoped3A_50 = arith.constant 0 : i32
    "tpu.region"() ({
      %run_scoped3A_59 = tpu.sem_alloc : memref<!tpu.dma_semaphore, #tpu.memory_space<semaphore_mem>>
      %dma_start3A = arith.constant 0 : i32
      %dma_start3A_60 = tpu.memref_slice %arg11[%run_scoped3A_50, %dma_start3A] : memref<4x128xi32, #tpu.memory_space<vmem>> -> memref<1x128xi32, #tpu.memory_space<vmem>>
      %dma_start3A_61 = tpu.memref_squeeze %dma_start3A_60 : memref<1x128xi32, #tpu.memory_space<vmem>> -> memref<128xi32, #tpu.memory_space<vmem>>
      %dma_start3A_62 = arith.constant 0 : i32
      %dma_start3A_63 = tpu.memref_slice %arg9[%run_scoped3A_49, %dma_start3A_62] : memref<4x128xi32, #tpu.memory_space<vmem>> -> memref<1x128xi32, #tpu.memory_space<vmem>>
      %dma_start3A_64 = tpu.memref_squeeze %dma_start3A_63 : memref<1x128xi32, #tpu.memory_space<vmem>> -> memref<128xi32, #tpu.memory_space<vmem>>
      %dma_start3A_65 = arith.constant 0 : i32
      %dma_start3A_66 = tpu.memref_slice %arg6[%dma_start3A_65] : memref<1000000xi32, #tpu.memory_space<vmem_shared>> -> memref<1000000xi32, #tpu.memory_space<vmem_shared>>
      tpu.enqueue_indirect_dma source(%dma_start3A_66 : memref<1000000xi32, #tpu.memory_space<vmem_shared>>) target(%dma_start3A_61 : memref<128xi32, #tpu.memory_space<vmem>>) offsets(%dma_start3A_64 : memref<128xi32, #tpu.memory_space<vmem>>) semaphore(%run_scoped3A_59 : memref<!tpu.dma_semaphore, #tpu.memory_space<semaphore_mem>>)
      %dma_wait3A = arith.constant 0 : i32
      %dma_wait3A_67 = tpu.memref_slice %arg11[%run_scoped3A_50, %dma_wait3A] : memref<4x128xi32, #tpu.memory_space<vmem>> -> memref<1x128xi32, #tpu.memory_space<vmem>>
      %dma_wait3A_68 = tpu.memref_squeeze %dma_wait3A_67 : memref<1x128xi32, #tpu.memory_space<vmem>> -> memref<128xi32, #tpu.memory_space<vmem>>
      %dma_wait3A_69 = arith.constant 0 : i32
      %dma_wait3A_70 = tpu.memref_slice %arg9[%run_scoped3A_49, %dma_wait3A_69] : memref<4x128xi32, #tpu.memory_space<vmem>> -> memref<1x128xi32, #tpu.memory_space<vmem>>
      %dma_wait3A_71 = tpu.memref_squeeze %dma_wait3A_70 : memref<1x128xi32, #tpu.memory_space<vmem>> -> memref<128xi32, #tpu.memory_space<vmem>>
      %dma_wait3A_72 = arith.constant 0 : i32
      %dma_wait3A_73 = tpu.memref_slice %arg6[%dma_wait3A_72] : memref<1000000xi32, #tpu.memory_space<vmem_shared>> -> memref<1000000xi32, #tpu.memory_space<vmem_shared>>
      tpu.wait_indirect_dma semaphore(%run_scoped3A_59 : memref<!tpu.dma_semaphore, #tpu.memory_space<semaphore_mem>>) src(%dma_wait3A_73 : memref<1000000xi32, #tpu.memory_space<vmem_shared>>) dst(%dma_wait3A_68 : memref<128xi32, #tpu.memory_space<vmem>>)
      tpu.yield
    }) : () -> ()
    %run_scoped3A_51 = arith.constant 1 : i32
    %run_scoped3A_52 = arith.constant 1 : i32
    "tpu.region"() ({
      %run_scoped3A_59 = tpu.sem_alloc : memref<!tpu.dma_semaphore, #tpu.memory_space<semaphore_mem>>
      %dma_start3A = arith.constant 0 : i32
      %dma_start3A_60 = tpu.memref_slice %arg11[%run_scoped3A_52, %dma_start3A] : memref<4x128xi32, #tpu.memory_space<vmem>> -> memref<1x128xi32, #tpu.memory_space<vmem>>
      %dma_start3A_61 = tpu.memref_squeeze %dma_start3A_60 : memref<1x128xi32, #tpu.memory_space<vmem>> -> memref<128xi32, #tpu.memory_space<vmem>>
      %dma_start3A_62 = arith.constant 0 : i32
      %dma_start3A_63 = tpu.memref_slice %arg9[%run_scoped3A_51, %dma_start3A_62] : memref<4x128xi32, #tpu.memory_space<vmem>> -> memref<1x128xi32, #tpu.memory_space<vmem>>
      %dma_start3A_64 = tpu.memref_squeeze %dma_start3A_63 : memref<1x128xi32, #tpu.memory_space<vmem>> -> memref<128xi32, #tpu.memory_space<vmem>>
      %dma_start3A_65 = arith.constant 0 : i32
      %dma_start3A_66 = tpu.memref_slice %arg6[%dma_start3A_65] : memref<1000000xi32, #tpu.memory_space<vmem_shared>> -> memref<1000000xi32, #tpu.memory_space<vmem_shared>>
      tpu.enqueue_indirect_dma source(%dma_start3A_66 : memref<1000000xi32, #tpu.memory_space<vmem_shared>>) target(%dma_start3A_61 : memref<128xi32, #tpu.memory_space<vmem>>) offsets(%dma_start3A_64 : memref<128xi32, #tpu.memory_space<vmem>>) semaphore(%run_scoped3A_59 : memref<!tpu.dma_semaphore, #tpu.memory_space<semaphore_mem>>)
      %dma_wait3A = arith.constant 0 : i32
      %dma_wait3A_67 = tpu.memref_slice %arg11[%run_scoped3A_52, %dma_wait3A] : memref<4x128xi32, #tpu.memory_space<vmem>> -> memref<1x128xi32, #tpu.memory_space<vmem>>
      %dma_wait3A_68 = tpu.memref_squeeze %dma_wait3A_67 : memref<1x128xi32, #tpu.memory_space<vmem>> -> memref<128xi32, #tpu.memory_space<vmem>>
      %dma_wait3A_69 = arith.constant 0 : i32
      %dma_wait3A_70 = tpu.memref_slice %arg9[%run_scoped3A_51, %dma_wait3A_69] : memref<4x128xi32, #tpu.memory_space<vmem>> -> memref<1x128xi32, #tpu.memory_space<vmem>>
      %dma_wait3A_71 = tpu.memref_squeeze %dma_wait3A_70 : memref<1x128xi32, #tpu.memory_space<vmem>> -> memref<128xi32, #tpu.memory_space<vmem>>
      %dma_wait3A_72 = arith.constant 0 : i32
      %dma_wait3A_73 = tpu.memref_slice %arg6[%dma_wait3A_72] : memref<1000000xi32, #tpu.memory_space<vmem_shared>> -> memref<1000000xi32, #tpu.memory_space<vmem_shared>>
      tpu.wait_indirect_dma semaphore(%run_scoped3A_59 : memref<!tpu.dma_semaphore, #tpu.memory_space<semaphore_mem>>) src(%dma_wait3A_73 : memref<1000000xi32, #tpu.memory_space<vmem_shared>>) dst(%dma_wait3A_68 : memref<128xi32, #tpu.memory_space<vmem>>)
      tpu.yield
    }) : () -> ()
    %run_scoped3A_53 = arith.constant 2 : i32
    %run_scoped3A_54 = arith.constant 2 : i32
    "tpu.region"() ({
      %run_scoped3A_59 = tpu.sem_alloc : memref<!tpu.dma_semaphore, #tpu.memory_space<semaphore_mem>>
      %dma_start3A = arith.constant 0 : i32
      %dma_start3A_60 = tpu.memref_slice %arg11[%run_scoped3A_54, %dma_start3A] : memref<4x128xi32, #tpu.memory_space<vmem>> -> memref<1x128xi32, #tpu.memory_space<vmem>>
      %dma_start3A_61 = tpu.memref_squeeze %dma_start3A_60 : memref<1x128xi32, #tpu.memory_space<vmem>> -> memref<128xi32, #tpu.memory_space<vmem>>
      %dma_start3A_62 = arith.constant 0 : i32
      %dma_start3A_63 = tpu.memref_slice %arg9[%run_scoped3A_53, %dma_start3A_62] : memref<4x128xi32, #tpu.memory_space<vmem>> -> memref<1x128xi32, #tpu.memory_space<vmem>>
      %dma_start3A_64 = tpu.memref_squeeze %dma_start3A_63 : memref<1x128xi32, #tpu.memory_space<vmem>> -> memref<128xi32, #tpu.memory_space<vmem>>
      %dma_start3A_65 = arith.constant 0 : i32
      %dma_start3A_66 = tpu.memref_slice %arg6[%dma_start3A_65] : memref<1000000xi32, #tpu.memory_space<vmem_shared>> -> memref<1000000xi32, #tpu.memory_space<vmem_shared>>
      tpu.enqueue_indirect_dma source(%dma_start3A_66 : memref<1000000xi32, #tpu.memory_space<vmem_shared>>) target(%dma_start3A_61 : memref<128xi32, #tpu.memory_space<vmem>>) offsets(%dma_start3A_64 : memref<128xi32, #tpu.memory_space<vmem>>) semaphore(%run_scoped3A_59 : memref<!tpu.dma_semaphore, #tpu.memory_space<semaphore_mem>>)
      %dma_wait3A = arith.constant 0 : i32
      %dma_wait3A_67 = tpu.memref_slice %arg11[%run_scoped3A_54, %dma_wait3A] : memref<4x128xi32, #tpu.memory_space<vmem>> -> memref<1x128xi32, #tpu.memory_space<vmem>>
      %dma_wait3A_68 = tpu.memref_squeeze %dma_wait3A_67 : memref<1x128xi32, #tpu.memory_space<vmem>> -> memref<128xi32, #tpu.memory_space<vmem>>
      %dma_wait3A_69 = arith.constant 0 : i32
      %dma_wait3A_70 = tpu.memref_slice %arg9[%run_scoped3A_53, %dma_wait3A_69] : memref<4x128xi32, #tpu.memory_space<vmem>> -> memref<1x128xi32, #tpu.memory_space<vmem>>
      %dma_wait3A_71 = tpu.memref_squeeze %dma_wait3A_70 : memref<1x128xi32, #tpu.memory_space<vmem>> -> memref<128xi32, #tpu.memory_space<vmem>>
      %dma_wait3A_72 = arith.constant 0 : i32
      %dma_wait3A_73 = tpu.memref_slice %arg6[%dma_wait3A_72] : memref<1000000xi32, #tpu.memory_space<vmem_shared>> -> memref<1000000xi32, #tpu.memory_space<vmem_shared>>
      tpu.wait_indirect_dma semaphore(%run_scoped3A_59 : memref<!tpu.dma_semaphore, #tpu.memory_space<semaphore_mem>>) src(%dma_wait3A_73 : memref<1000000xi32, #tpu.memory_space<vmem_shared>>) dst(%dma_wait3A_68 : memref<128xi32, #tpu.memory_space<vmem>>)
      tpu.yield
    }) : () -> ()
    %run_scoped3A_55 = arith.constant 3 : i32
    %run_scoped3A_56 = arith.constant 3 : i32
    "tpu.region"() ({
      %run_scoped3A_59 = tpu.sem_alloc : memref<!tpu.dma_semaphore, #tpu.memory_space<semaphore_mem>>
      %dma_start3A = arith.constant 0 : i32
      %dma_start3A_60 = tpu.memref_slice %arg11[%run_scoped3A_56, %dma_start3A] : memref<4x128xi32, #tpu.memory_space<vmem>> -> memref<1x128xi32, #tpu.memory_space<vmem>>
      %dma_start3A_61 = tpu.memref_squeeze %dma_start3A_60 : memref<1x128xi32, #tpu.memory_space<vmem>> -> memref<128xi32, #tpu.memory_space<vmem>>
      %dma_start3A_62 = arith.constant 0 : i32
      %dma_start3A_63 = tpu.memref_slice %arg9[%run_scoped3A_55, %dma_start3A_62] : memref<4x128xi32, #tpu.memory_space<vmem>> -> memref<1x128xi32, #tpu.memory_space<vmem>>
      %dma_start3A_64 = tpu.memref_squeeze %dma_start3A_63 : memref<1x128xi32, #tpu.memory_space<vmem>> -> memref<128xi32, #tpu.memory_space<vmem>>
      %dma_start3A_65 = arith.constant 0 : i32
      %dma_start3A_66 = tpu.memref_slice %arg6[%dma_start3A_65] : memref<1000000xi32, #tpu.memory_space<vmem_shared>> -> memref<1000000xi32, #tpu.memory_space<vmem_shared>>
      tpu.enqueue_indirect_dma source(%dma_start3A_66 : memref<1000000xi32, #tpu.memory_space<vmem_shared>>) target(%dma_start3A_61 : memref<128xi32, #tpu.memory_space<vmem>>) offsets(%dma_start3A_64 : memref<128xi32, #tpu.memory_space<vmem>>) semaphore(%run_scoped3A_59 : memref<!tpu.dma_semaphore, #tpu.memory_space<semaphore_mem>>)
      %dma_wait3A = arith.constant 0 : i32
      %dma_wait3A_67 = tpu.memref_slice %arg11[%run_scoped3A_56, %dma_wait3A] : memref<4x128xi32, #tpu.memory_space<vmem>> -> memref<1x128xi32, #tpu.memory_space<vmem>>
      %dma_wait3A_68 = tpu.memref_squeeze %dma_wait3A_67 : memref<1x128xi32, #tpu.memory_space<vmem>> -> memref<128xi32, #tpu.memory_space<vmem>>
      %dma_wait3A_69 = arith.constant 0 : i32
      %dma_wait3A_70 = tpu.memref_slice %arg9[%run_scoped3A_55, %dma_wait3A_69] : memref<4x128xi32, #tpu.memory_space<vmem>> -> memref<1x128xi32, #tpu.memory_space<vmem>>
      %dma_wait3A_71 = tpu.memref_squeeze %dma_wait3A_70 : memref<1x128xi32, #tpu.memory_space<vmem>> -> memref<128xi32, #tpu.memory_space<vmem>>
      %dma_wait3A_72 = arith.constant 0 : i32
      %dma_wait3A_73 = tpu.memref_slice %arg6[%dma_wait3A_72] : memref<1000000xi32, #tpu.memory_space<vmem_shared>> -> memref<1000000xi32, #tpu.memory_space<vmem_shared>>
      tpu.wait_indirect_dma semaphore(%run_scoped3A_59 : memref<!tpu.dma_semaphore, #tpu.memory_space<semaphore_mem>>) src(%dma_wait3A_73 : memref<1000000xi32, #tpu.memory_space<vmem_shared>>) dst(%dma_wait3A_68 : memref<128xi32, #tpu.memory_space<vmem>>)
      tpu.yield
    }) : () -> ()
    %barrier3A_57 = arith.constant 0 : index
    tpu.barrier barrier_id(%barrier3A_57)
    %run_scoped3A_58 = arith.constant 1 : i32
    "tpu.region"() ({
      %run_scoped3A_59 = tpu.sem_alloc : memref<!tpu.dma_semaphore, #tpu.memory_space<semaphore_mem>>
      %dma_start3A = arith.constant 0 : i32
      %dma_start3A_60 = arith.constant 0 : i32
      %dma_start3A_61 = arith.constant 0 : i32
      %dma_start3A_62 = tpu.memref_slice %arg5[%run_scoped3A_58, %dma_start3A, %dma_start3A_60, %dma_start3A_61] : memref<2x32x4x128xi32, #tpu.memory_space<hbm>> -> memref<1x32x4x128xi32, #tpu.memory_space<hbm>>
      %dma_start3A_63 = tpu.memref_squeeze %dma_start3A_62 : memref<1x32x4x128xi32, #tpu.memory_space<hbm>> -> memref<32x4x128xi32, #tpu.memory_space<hbm>>
      %dma_start3A_64 = arith.constant 0 : i32
      %dma_start3A_65 = arith.constant 0 : i32
      %dma_start3A_66 = tpu.memref_slice %dma_start3A_63[%add3A, %dma_start3A_64, %dma_start3A_65] : memref<32x4x128xi32, #tpu.memory_space<hbm>> -> memref<1x4x128xi32, #tpu.memory_space<hbm>>
      %dma_start3A_67 = tpu.memref_squeeze %dma_start3A_66 : memref<1x4x128xi32, #tpu.memory_space<hbm>> -> memref<4x128xi32, #tpu.memory_space<hbm>>
      %dma_start3A_68 = arith.constant 0 : i32
      %dma_start3A_69 = arith.constant 0 : i32
      %dma_start3A_70 = arith.constant 0 : i32
      %dma_start3A_71 = tpu.memref_slice %arg5[%run_scoped3A_58, %dma_start3A_68, %dma_start3A_69, %dma_start3A_70] : memref<2x32x4x128xi32, #tpu.memory_space<hbm>> -> memref<1x32x4x128xi32, #tpu.memory_space<hbm>>
      %dma_start3A_72 = tpu.memref_squeeze %dma_start3A_71 : memref<1x32x4x128xi32, #tpu.memory_space<hbm>> -> memref<32x4x128xi32, #tpu.memory_space<hbm>>
      %dma_start3A_73 = arith.constant 0 : i32
      %dma_start3A_74 = arith.constant 0 : i32
      %dma_start3A_75 = tpu.memref_slice %dma_start3A_72[%add3A, %dma_start3A_73, %dma_start3A_74] : memref<32x4x128xi32, #tpu.memory_space<hbm>> -> memref<1x4x128xi32, #tpu.memory_space<hbm>>
      %dma_start3A_76 = tpu.memref_squeeze %dma_start3A_75 : memref<1x4x128xi32, #tpu.memory_space<hbm>> -> memref<4x128xi32, #tpu.memory_space<hbm>>
      tpu.enqueue_dma source(%arg11 : memref<4x128xi32, #tpu.memory_space<vmem>>) target(%dma_start3A_76 : memref<4x128xi32, #tpu.memory_space<hbm>>) target_semaphore(%run_scoped3A_59 : memref<!tpu.dma_semaphore, #tpu.memory_space<semaphore_mem>>)
      %dma_wait3A = arith.constant 0 : i32
      %dma_wait3A_77 = arith.constant 0 : i32
      %dma_wait3A_78 = arith.constant 0 : i32
      %dma_wait3A_79 = tpu.memref_slice %arg5[%run_scoped3A_58, %dma_wait3A, %dma_wait3A_77, %dma_wait3A_78] : memref<2x32x4x128xi32, #tpu.memory_space<hbm>> -> memref<1x32x4x128xi32, #tpu.memory_space<hbm>>
      %dma_wait3A_80 = tpu.memref_squeeze %dma_wait3A_79 : memref<1x32x4x128xi32, #tpu.memory_space<hbm>> -> memref<32x4x128xi32, #tpu.memory_space<hbm>>
      %dma_wait3A_81 = arith.constant 0 : i32
      %dma_wait3A_82 = arith.constant 0 : i32
      %dma_wait3A_83 = tpu.memref_slice %dma_wait3A_80[%add3A, %dma_wait3A_81, %dma_wait3A_82] : memref<32x4x128xi32, #tpu.memory_space<hbm>> -> memref<1x4x128xi32, #tpu.memory_space<hbm>>
      %dma_wait3A_84 = tpu.memref_squeeze %dma_wait3A_83 : memref<1x4x128xi32, #tpu.memory_space<hbm>> -> memref<4x128xi32, #tpu.memory_space<hbm>>
      %dma_wait3A_85 = arith.constant 0 : i32
      %dma_wait3A_86 = arith.constant 0 : i32
      %dma_wait3A_87 = arith.constant 0 : i32
      %dma_wait3A_88 = tpu.memref_slice %arg5[%run_scoped3A_58, %dma_wait3A_85, %dma_wait3A_86, %dma_wait3A_87] : memref<2x32x4x128xi32, #tpu.memory_space<hbm>> -> memref<1x32x4x128xi32, #tpu.memory_space<hbm>>
      %dma_wait3A_89 = tpu.memref_squeeze %dma_wait3A_88 : memref<1x32x4x128xi32, #tpu.memory_space<hbm>> -> memref<32x4x128xi32, #tpu.memory_space<hbm>>
      %dma_wait3A_90 = arith.constant 0 : i32
      %dma_wait3A_91 = arith.constant 0 : i32
      %dma_wait3A_92 = tpu.memref_slice %dma_wait3A_89[%add3A, %dma_wait3A_90, %dma_wait3A_91] : memref<32x4x128xi32, #tpu.memory_space<hbm>> -> memref<1x4x128xi32, #tpu.memory_space<hbm>>
      %dma_wait3A_93 = tpu.memref_squeeze %dma_wait3A_92 : memref<1x4x128xi32, #tpu.memory_space<hbm>> -> memref<4x128xi32, #tpu.memory_space<hbm>>
      tpu.wait_dma2 semaphore(%run_scoped3A_59 : memref<!tpu.dma_semaphore, #tpu.memory_space<semaphore_mem>>) src(%arg11 : memref<4x128xi32, #tpu.memory_space<vmem>>) dst(%dma_wait3A_93 : memref<4x128xi32, #tpu.memory_space<hbm>>)
      tpu.yield
    }) : () -> ()
    return
  }
}

module attributes {stable_mosaic.version = 14 : i64} {
  func.func @_dense_body(%arg0: i32, %arg1: memref<2048x384xf32, #tpu.memory_space<vmem>>, %arg2: memref<2048x384xf32, #tpu.memory_space<vmem>>, %arg3: memref<384x128xf32, #tpu.memory_space<vmem>>, %arg4: memref<128x64xf32, #tpu.memory_space<vmem>>, %arg5: memref<1x128xf32, #tpu.memory_space<vmem>>, %arg6: memref<64x128xf32, #tpu.memory_space<vmem>>, %arg7: memref<2x2048x128xf32, #tpu.memory_space<vmem>>) attributes {dimension_semantics = [#tpu.dimension_semantics<arbitrary>], iteration_bounds = array<i64: 8>, scalar_prefetch = 0 : i64, scratch_operands = 0 : i64, tpu.core_type = #tpu.core_type<tc>, window_params = [{transform_indices = @transform_0, window_bounds = array<i64: 2048, 384>}, {transform_indices = @transform_1, window_bounds = array<i64: 2048, 384>}, {pipeline_mode = #tpu.pipeline_mode<synchronous>, transform_indices = @transform_2, window_bounds = array<i64: 384, 128>}, {pipeline_mode = #tpu.pipeline_mode<synchronous>, transform_indices = @transform_3, window_bounds = array<i64: 128, 64>}, {pipeline_mode = #tpu.pipeline_mode<synchronous>, transform_indices = @transform_4, window_bounds = array<i64: 1, 128>}, {pipeline_mode = #tpu.pipeline_mode<synchronous>, transform_indices = @transform_5, window_bounds = array<i64: 64, 128>}, {transform_indices = @transform_6, window_bounds = array<i64: 2, 2048, 128>}]} {
    %get3A = arith.constant 0 : index
    %get3A_0 = arith.constant 0 : index
    %get3A_1 = vector.load %arg3[%get3A, %get3A_0] : memref<384x128xf32, #tpu.memory_space<vmem>>, vector<384x128xf32>
    %get3A_2 = arith.constant 0 : index
    %get3A_3 = arith.constant 0 : index
    %get3A_4 = vector.load %arg4[%get3A_2, %get3A_3] : memref<128x64xf32, #tpu.memory_space<vmem>>, vector<128x64xf32>
    %get3A_5 = arith.constant 0 : index
    %get3A_6 = arith.constant 0 : index
    %get3A_7 = vector.load %arg6[%get3A_5, %get3A_6] : memref<64x128xf32, #tpu.memory_space<vmem>>, vector<64x128xf32>
    %get3A_8 = arith.constant 0 : index
    %get3A_9 = arith.constant 0 : index
    %get3A_10 = vector.load %arg5[%get3A_8, %get3A_9] : memref<1x128xf32, #tpu.memory_space<vmem>>, vector<1x128xf32>
    %get3A_11 = arith.constant 0 : index
    %get3A_12 = arith.constant 0 : index
    %get3A_13 = vector.load %arg1[%get3A_11, %get3A_12] : memref<2048x384xf32, #tpu.memory_space<vmem>>, vector<2048x384xf32>
    %dot_general3A = arith.constant dense<0.000000e+00> : vector<2048x128xf32>
    %dot_general3A_14 = tpu.matmul %get3A_13, %get3A_1, %dot_general3A {dimension_numbers = #tpu.dot_dimension_numbers<[1], [0], [0], [1], [0, 0, 1, 1], [], []>, transpose_lhs_hint = false} : vector<2048x384xf32>, vector<384x128xf32>, vector<2048x128xf32> -> vector<2048x128xf32>
    %add3A = vector.broadcast %get3A_10 : vector<1x128xf32> to vector<2048x128xf32>
    %add3A_15 = arith.addf %dot_general3A_14, %add3A : vector<2048x128xf32>
    %dot_general3A_16 = arith.constant dense<0.000000e+00> : vector<2048x64xf32>
    %dot_general3A_17 = tpu.matmul %add3A_15, %get3A_4, %dot_general3A_16 {dimension_numbers = #tpu.dot_dimension_numbers<[1], [0], [0], [1], [0, 0, 1, 1], [], []>, transpose_lhs_hint = false} : vector<2048x128xf32>, vector<128x64xf32>, vector<2048x64xf32> -> vector<2048x64xf32>
    %reduce_max3A = arith.constant dense<0xFF800000> : vector<2048xf32>
    %reduce_max3A_18 = vector.multi_reduction <maximumf>, %dot_general3A_17, %reduce_max3A [1] : vector<2048x64xf32> to vector<2048xf32>
    %broadcast_in_dim3A = vector.shape_cast %reduce_max3A_18 : vector<2048xf32> to vector<2048x1xf32>
    %sub3A = vector.broadcast %broadcast_in_dim3A : vector<2048x1xf32> to vector<2048x64xf32>
    %sub3A_19 = arith.subf %dot_general3A_17, %sub3A : vector<2048x64xf32>
    %exp3A = math.exp %sub3A_19 : vector<2048x64xf32>
    %reduce_sum3A = arith.constant dense<0.000000e+00> : vector<2048xf32>
    %reduce_sum3A_20 = vector.multi_reduction <add>, %exp3A, %reduce_sum3A [1] : vector<2048x64xf32> to vector<2048xf32>
    %broadcast_in_dim3A_21 = vector.shape_cast %reduce_sum3A_20 : vector<2048xf32> to vector<2048x1xf32>
    %div3A = vector.broadcast %broadcast_in_dim3A_21 : vector<2048x1xf32> to vector<2048x64xf32>
    %div3A_22 = arith.divf %exp3A, %div3A : vector<2048x64xf32>
    %dot_general3A_23 = arith.constant dense<0.000000e+00> : vector<2048x128xf32>
    %dot_general3A_24 = tpu.matmul %div3A_22, %get3A_7, %dot_general3A_23 {dimension_numbers = #tpu.dot_dimension_numbers<[1], [0], [0], [1], [0, 0, 1, 1], [], []>, transpose_lhs_hint = false} : vector<2048x64xf32>, vector<64x128xf32>, vector<2048x128xf32> -> vector<2048x128xf32>
    %logistic3A = arith.negf %dot_general3A_24 : vector<2048x128xf32>
    %logistic3A_25 = math.exp %logistic3A : vector<2048x128xf32>
    %logistic3A_26 = arith.constant 1.000000e+00 : f32
    %logistic3A_27 = vector.broadcast %logistic3A_26 : f32 to vector<2048x128xf32>
    %logistic3A_28 = arith.addf %logistic3A_27, %logistic3A_25 : vector<2048x128xf32>
    %logistic3A_29 = arith.divf %logistic3A_27, %logistic3A_28 : vector<2048x128xf32>
    %swap3A = arith.constant 0 : index
    %swap3A_30 = arith.constant 0 : index
    %swap3A_31 = arith.constant 0 : index
    %swap3A_32 = vector.load %arg7[%swap3A, %swap3A_30, %swap3A_31] : memref<2x2048x128xf32, #tpu.memory_space<vmem>>, vector<1x2048x128xf32>
    %swap3A_33 = vector.shape_cast %swap3A_32 : vector<1x2048x128xf32> to vector<2048x128xf32>
    %swap3A_34 = vector.shape_cast %logistic3A_29 : vector<2048x128xf32> to vector<1x2048x128xf32>
    tpu.vector_store %arg7[%swap3A, %swap3A_30, %swap3A_31], %swap3A_34 {strides = array<i32>} : memref<2x2048x128xf32, #tpu.memory_space<vmem>>, vector<1x2048x128xf32>,
    %get3A_35 = arith.constant 0 : index
    %get3A_36 = arith.constant 0 : index
    %get3A_37 = vector.load %arg2[%get3A_35, %get3A_36] : memref<2048x384xf32, #tpu.memory_space<vmem>>, vector<2048x384xf32>
    %dot_general3A_38 = arith.constant dense<0.000000e+00> : vector<2048x128xf32>
    %dot_general3A_39 = tpu.matmul %get3A_37, %get3A_1, %dot_general3A_38 {dimension_numbers = #tpu.dot_dimension_numbers<[1], [0], [0], [1], [0, 0, 1, 1], [], []>, transpose_lhs_hint = false} : vector<2048x384xf32>, vector<384x128xf32>, vector<2048x128xf32> -> vector<2048x128xf32>
    %add3A_40 = vector.broadcast %get3A_10 : vector<1x128xf32> to vector<2048x128xf32>
    %add3A_41 = arith.addf %dot_general3A_39, %add3A_40 : vector<2048x128xf32>
    %dot_general3A_42 = arith.constant dense<0.000000e+00> : vector<2048x64xf32>
    %dot_general3A_43 = tpu.matmul %add3A_41, %get3A_4, %dot_general3A_42 {dimension_numbers = #tpu.dot_dimension_numbers<[1], [0], [0], [1], [0, 0, 1, 1], [], []>, transpose_lhs_hint = false} : vector<2048x128xf32>, vector<128x64xf32>, vector<2048x64xf32> -> vector<2048x64xf32>
    %reduce_max3A_44 = arith.constant dense<0xFF800000> : vector<2048xf32>
    %reduce_max3A_45 = vector.multi_reduction <maximumf>, %dot_general3A_43, %reduce_max3A_44 [1] : vector<2048x64xf32> to vector<2048xf32>
    %broadcast_in_dim3A_46 = vector.shape_cast %reduce_max3A_45 : vector<2048xf32> to vector<2048x1xf32>
    %sub3A_47 = vector.broadcast %broadcast_in_dim3A_46 : vector<2048x1xf32> to vector<2048x64xf32>
    %sub3A_48 = arith.subf %dot_general3A_43, %sub3A_47 : vector<2048x64xf32>
    %exp3A_49 = math.exp %sub3A_48 : vector<2048x64xf32>
    %reduce_sum3A_50 = arith.constant dense<0.000000e+00> : vector<2048xf32>
    %reduce_sum3A_51 = vector.multi_reduction <add>, %exp3A_49, %reduce_sum3A_50 [1] : vector<2048x64xf32> to vector<2048xf32>
    %broadcast_in_dim3A_52 = vector.shape_cast %reduce_sum3A_51 : vector<2048xf32> to vector<2048x1xf32>
    %div3A_53 = vector.broadcast %broadcast_in_dim3A_52 : vector<2048x1xf32> to vector<2048x64xf32>
    %div3A_54 = arith.divf %exp3A_49, %div3A_53 : vector<2048x64xf32>
    %dot_general3A_55 = arith.constant dense<0.000000e+00> : vector<2048x128xf32>
    %dot_general3A_56 = tpu.matmul %div3A_54, %get3A_7, %dot_general3A_55 {dimension_numbers = #tpu.dot_dimension_numbers<[1], [0], [0], [1], [0, 0, 1, 1], [], []>, transpose_lhs_hint = false} : vector<2048x64xf32>, vector<64x128xf32>, vector<2048x128xf32> -> vector<2048x128xf32>
    %logistic3A_57 = arith.negf %dot_general3A_56 : vector<2048x128xf32>
    %logistic3A_58 = math.exp %logistic3A_57 : vector<2048x128xf32>
    %logistic3A_59 = arith.constant 1.000000e+00 : f32
    %logistic3A_60 = vector.broadcast %logistic3A_59 : f32 to vector<2048x128xf32>
    %logistic3A_61 = arith.addf %logistic3A_60, %logistic3A_58 : vector<2048x128xf32>
    %logistic3A_62 = arith.divf %logistic3A_60, %logistic3A_61 : vector<2048x128xf32>
    %swap3A_63 = arith.constant 1 : index
    %swap3A_64 = arith.constant 0 : index
    %swap3A_65 = arith.constant 0 : index
    %swap3A_66 = vector.load %arg7[%swap3A_63, %swap3A_64, %swap3A_65] : memref<2x2048x128xf32, #tpu.memory_space<vmem>>, vector<1x2048x128xf32>
    %swap3A_67 = vector.shape_cast %swap3A_66 : vector<1x2048x128xf32> to vector<2048x128xf32>
    %swap3A_68 = vector.shape_cast %logistic3A_62 : vector<2048x128xf32> to vector<1x2048x128xf32>
    tpu.vector_store %arg7[%swap3A_63, %swap3A_64, %swap3A_65], %swap3A_68 {strides = array<i32>} : memref<2x2048x128xf32, #tpu.memory_space<vmem>>, vector<1x2048x128xf32>,
    return
  }
  func.func @transform_0(%arg0: i32) -> (i32, i32) {
    %c0_i32 = arith.constant 0 : i32
    %c0_i32_0 = arith.constant 0 : i32
    return %arg0, %c0_i32 : i32, i32
  }
  func.func @transform_1(%arg0: i32) -> (i32, i32) {
    %c0_i32 = arith.constant 0 : i32
    %c0_i32_0 = arith.constant 0 : i32
    return %arg0, %c0_i32 : i32, i32
  }
  func.func @transform_2(%arg0: i32) -> (i32, i32) {
    %c0_i32 = arith.constant 0 : i32
    %c0_i32_0 = arith.constant 0 : i32
    %c0_i32_1 = arith.constant 0 : i32
    return %c0_i32, %c0_i32_0 : i32, i32
  }
  func.func @transform_3(%arg0: i32) -> (i32, i32) {
    %c0_i32 = arith.constant 0 : i32
    %c0_i32_0 = arith.constant 0 : i32
    %c0_i32_1 = arith.constant 0 : i32
    return %c0_i32, %c0_i32_0 : i32, i32
  }
  func.func @transform_4(%arg0: i32) -> (i32, i32) {
    %c0_i32 = arith.constant 0 : i32
    %c0_i32_0 = arith.constant 0 : i32
    %c0_i32_1 = arith.constant 0 : i32
    return %c0_i32, %c0_i32_0 : i32, i32
  }
  func.func @transform_5(%arg0: i32) -> (i32, i32) {
    %c0_i32 = arith.constant 0 : i32
    %c0_i32_0 = arith.constant 0 : i32
    %c0_i32_1 = arith.constant 0 : i32
    return %c0_i32, %c0_i32_0 : i32, i32
  }
  func.func @transform_6(%arg0: i32) -> (i32, i32, i32) {
    %c0_i32 = arith.constant 0 : i32
    %c0_i32_0 = arith.constant 0 : i32
    %c0_i32_1 = arith.constant 0 : i32
    return %c0_i32, %arg0, %c0_i32_0 : i32, i32, i32
  }
}

</mosaic_0001>

<sc_bundles>
// kernel: kernel.5.cloned.1.call-start
scs
__scs_entry_jumppad:
0x0: {  	(pc) =	sbr.rel $0x88, $3  }
0x1: {  	(tag) =	ssettag $0x0;
	lr =	simm.s32 $0x1  }
0x2: {  	[smem:$0x3F9A] =	sst lr;
	_ =	strace $0xD0000000  }
0x3: {  	_ = 	snop  }
0x4: {  	_ = 	snop  }
0x5: {  	_ = 	snop  }
0x6: {  	_ = 	snop  }
0x7: {  	_ = 	snop  }
__scs_overlays_trampoline_lowered:
0x8: {  	[smem:$0x3FA9] =	sst s0  }
0x9: {  	[smem:$0x3FAA] =	sst s1  }
0xa: {  	[smem:$0x3FAB] =	sst s2  }
0xb: {  	[smem:$0x3FAC] =	sst s3  }
0xc: {  	[smem:$0x3FAD] =	sst s4  }
0xd: {  	[smem:$0x3FAE] =	sst s5  }
0xe: {  	[smem:$0x3FAF] =	sst s6  }
0xf: {  	[smem:$0x3FB0] =	sst s7  }
0x10: {  	[smem:$0x3FB1] =	sst s8  }
0x11: {  	[smem:$0x3FB2] =	sst s9;
	s0 =	simm.s32 @!p0 $0x0  }
0x12: {  	s1 =	sld [smem:$0x3F98];
	s0 =	simm.s32 @p0 $0x1  }
0x13: {  	[smem:$0x3FB3] =	sst s0;
	s0 =	simm.s32 @!p1 $0x0  }
0x14: {  	s2 =	sld [smem:$0x3F97];
	s0 =	simm.s32 @p1 $0x1  }
0x15: {  	[smem:$0x3FB4] =	sst s0;
	s0 =	simm.s32 @!p2 $0x0  }
0x16: {  	s3 =	sld [smem:$0x3FDB];
	s0 =	simm.s32 @p2 $0x1  }
0x17: {  	s4 =	simm.s32 $0x1BF5;
	[smem:$0x3FB6] =	sst s0  }
0x18: {  	s0 =	sld [smem:$0x3F99];
	_ =	swait.ge [sflag:s4], $0x0  }
0x19: {  	s7 =	sld [smem:$0x3F9A]  }
0x1a: {  	s8 =	sadd.s32 $0xFFFFE003, lr  }
0x1b: {  	s9 =	sadd.s32 $0xFFFFFEF7, lr;
	s5 =	simm.s32 $0xFFFFFFFF;
	p2 =	slt.u32 s8, $0xFFFFF086  }
0x1c: {  	p1 =	slt.u32 s9, $0xF7A;
	s5 =	simm.s32 @!p2 $0x0  }
0x1d: {  	s5 =	simm.s32 @p1 $0x1;
	p0 =	seq.s32 s7, s2  }
0x1e: {  	s7 =	smul.u32 @!p0 $0xF7A, s2;
	p2 =	seq.s32 @!p0 s5, $0x0  }
0x1f: {  	s9 =	smul.u32 $0xF7A, s1;
	s8 =	simm.s32 @!p0 $0x1BF5;
	p2 =	por !p2, p0  }
0x20: {  	[sflag:s8] =	ssyncset.s32 @!p0 $0xFFFFF086;
	s6 =	sadd.s32 @!p0 s3, s7;
	s7 =	simm.s32 @!p0 $0x108  }
0x21: {  	s3 =	sadd.s32 s3, s9;
	s6 =	sadd.s32 @!p0 $0x88, s6;
	s7 =	simm.s32 @p2 $0x1082  }
0x22: {  	[simem:s7], [sflag:s8] =	dma.local @!p0 [hbm:s6], $0xF7A  }
0x23: {  	s9 =	sor.u32 $0xD0000000, s2;
	s6 =	simm.s32 $0x108;
	_ =	swait.ge @!p0 [sflag:s8], $0x0  }
0x24: {  	s3 =	sadd.s32 $0x88, s3;
	s6 =	simm.s32 @!p1 $0x1082;
	[sflag:s4] =	ssyncset.s32 $0xFFFFF086  }
0x25: {  	[simem:s6], [sflag:s4] =	dma.local [hbm:s3], $0xF7A  }
0x26: {  	[smem:$0x3F9A] =	sst s1;
	(tag) =	ssettag s2;
	_ =	strace s9  }
0x27: {  	s1 =	sld [smem:$0x3FAA]  }
0x28: {  	s2 =	sld [smem:$0x3FAB]  }
0x29: {  	s4 =	sld [smem:$0x3FAD]  }
0x2a: {  	p0 =	seq.s32 s5, $0x0;
	s5 =	sld [smem:$0x3FAE]  }
0x2b: {  	s6 =	sld [smem:$0x3FAF]  }
0x2c: {  	s7 =	sld [smem:$0x3FB0]  }
0x2d: {  	s3 =	simm.s32 $0x108;
	s8 =	sld [smem:$0x3FB1]  }
0x2e: {  	s3 =	simm.s32 @!p0 $0x1082;
	s9 =	sld [smem:$0x3FB2]  }
0x2f: {  	lr =	sadd.s32 s0, s3;
	s0 =	sld [smem:$0x3FA9]  }
0x30: {  	s3 =	sld [smem:$0x3FAC]  }
0x31: {  	[smem:$0x3FB5] =	sst s10  }
0x32: {  	s10 =	sld [smem:$0x3FB3];
	_ =	sdelay $0x3  }
0x33: {  	p0 =	seq.s32 s10, $0x1;
	s10 =	sld [smem:$0x3FB5];
	_ =	sdelay $0x3  }
0x34: {  	[smem:$0x3FB5] =	sst s10  }
0x35: {  	s10 =	sld [smem:$0x3FB4];
	_ =	sdelay $0x3  }
0x36: {  	p1 =	seq.s32 s10, $0x1;
	s10 =	sld [smem:$0x3FB5];
	_ =	sdelay $0x3  }
0x37: {  	[smem:$0x3FB5] =	sst s10  }
0x38: {  	s10 =	sld [smem:$0x3FB6]  }
0x39: {  	_ = 	snop;
	(pc) =	sbr.ind lr, $3  }
0x3a: {  	_ = 	snop  }
0x3b: {  	_ = 	snop  }
0x3c: {  	p2 =	seq.s32 s10, $0x1;
	s10 =	sld [smem:$0x3FB5]  }
0x3d: {  	_ =	shalt  }
0x3e: {  	_ =	shalt  }
0x3f: {  	_ =	shalt  }
0x40: {  	_ =	shalt  }
0x41: {  	_ =	shalt  }
0x42: {  	_ =	shalt  }
0x43: {  	_ =	shalt  }
0x44: {  	_ =	shalt  }
0x45: {  	_ =	shalt  }
0x46: {  	_ =	shalt  }
0x47: {  	_ =	shalt  }
0x48: {  	_ =	shalt  }
0x49: {  	_ =	shalt  }
0x4a: {  	_ =	shalt  }
0x4b: {  	_ =	shalt  }
0x4c: {  	_ =	shalt  }
0x4d: {  	_ =	shalt  }
0x4e: {  	_ =	shalt  }
0x4f: {  	_ =	shalt  }
0x50: {  	_ =	shalt  }
0x51: {  	_ =	shalt  }
0x52: {  	_ =	shalt  }
0x53: {  	_ =	shalt  }
0x54: {  	_ =	shalt  }
0x55: {  	_ =	shalt  }
0x56: {  	_ =	shalt  }
0x57: {  	_ =	shalt  }
0x58: {  	_ =	shalt  }
0x59: {  	_ =	shalt  }
0x5a: {  	_ =	shalt  }
0x5b: {  	_ =	shalt  }
0x5c: {  	_ =	shalt  }
0x5d: {  	_ =	shalt  }
0x5e: {  	_ =	shalt  }
0x5f: {  	_ =	shalt  }
0x60: {  	_ =	shalt  }
0x61: {  	_ =	shalt  }
0x62: {  	_ =	shalt  }
0x63: {  	_ =	shalt  }
0x64: {  	_ =	shalt  }
0x65: {  	_ =	shalt  }
0x66: {  	_ =	shalt  }
0x67: {  	_ =	shalt  }
0x68: {  	_ =	shalt  }
0x69: {  	_ =	shalt  }
0x6a: {  	_ =	shalt  }
0x6b: {  	_ =	shalt  }
0x6c: {  	_ =	shalt  }
0x6d: {  	_ =	shalt  }
0x6e: {  	_ =	shalt  }
0x6f: {  	_ =	shalt  }
0x70: {  	_ =	shalt  }
0x71: {  	_ =	shalt  }
0x72: {  	_ =	shalt  }
0x73: {  	_ =	shalt  }
0x74: {  	_ =	shalt  }
0x75: {  	_ =	shalt  }
0x76: {  	_ =	shalt  }
0x77: {  	_ =	shalt  }
0x78: {  	_ =	shalt  }
0x79: {  	_ =	shalt  }
0x7a: {  	_ =	shalt  }
0x7b: {  	_ =	shalt  }
0x7c: {  	_ =	shalt  }
0x7d: {  	_ =	shalt  }
0x7e: {  	_ =	shalt  }
0x7f: {  	_ =	shalt  }
0x80: {  	_ =	shalt  }
0x81: {  	_ =	shalt  }
0x82: {  	_ =	shalt  }
0x83: {  	_ =	shalt  }
0x84: {  	_ =	shalt  }
0x85: {  	_ =	shalt  }
0x86: {  	_ =	shalt  }
0x87: {  	_ =	shalt  }
.Lfunc_end0:
.L_simem_size_0:
called_computation_lowered:
.L_overlay_start_0:
0x88: {  	s2 =	sld [smem:$0x3FD9]  }
0x89: {  	s3 =	sld [smem:$0x3FFE];
	_ =	sdelay $0x1  }
0x8a: {  	s1 =	srdreg.scid  }
0x8b: {  	s0 =	sand.u32 $0x1, s1  }
0x8c: {  	s17 =	sshll.u32 s0, $0xA;
	s2 =	sadd.s32 s3, s2  }
0x8d: {  	s2 =	sadd.s32 s2, s17  }
0x8e: {  	[smem:$0x3FC1] =	sst s2  }
0x8f: {  	_ = 	snop  }
0x90: {  	s2 =	sld [smem:$0x3FD0];
	(tm) =	ssettm $0x1  }
0x91: {  	s18 =	sld [smem:$0x3FFB];
	_ =	sdelay $0x3  }
0x92: {  	_ =	strace s18  }
0x93: {  	s3 =	sld [smem:$0x3FFC];
	_ =	sdelay $0x3  }
0x94: {  	_ =	strace s3  }
0x95: {  	s3 =	sld [smem:$0x3FFD];
	_ =	sdelay $0x3  }
0x96: {  	_ =	strace s3  }
0x97: {  	_ =	strace $0x8FFFFFFF  }
0x98: {  	s19 =	sld [smem:$0x3FDB];
	_ =	sdelay $0x1  }
0x99: {  	s4 =	simm.s32 $_scs_section_size  }
0x9a: {  	s5 =	simm.s32 $_size__tile_overlayer_lowered;
	s6 =	simm.s32 $_tile_overlayer_lowered  }
0x9b: {  	s22 =	simm.s32 $0x1BFF;
	s21 =	sshll.u32 s6, $0x1;
	s3 =	sadd.s32 s4, s19  }
0x9c: {  	s7 =	simm.s32 $0x0;
	s20 =	sshll.u32 s5, $0x1;
	s5 =	sadd.s32 s21, s3  }
0x9d: {  	[timem:s7], [sflag:s22] =	dma.local [hbm:s5], s20  }
0x9e: {  	_ =	swait.ge [sflag:s22], s20  }
0x9f: {  	s4 =	ssub.s32 $0x0, s20;
	[sflag:s22] =	ssyncset.done $0x0  }
0xa0: {  	[sflag:s22] =	ssyncadd.s32 s4;
	_ =	sdelay $0x1  }
0xa1: {  	s23 =	simm.s32 $0x1B8B  }
0xa2: {  	_ =	swait.ge [sflag:s23], $0x1  }
0xa3: {  	[sflag:s23] =	ssyncset.done $0x0  }
0xa4: {  	s25 =	simm.s32 $0x1B8E;
	s24 =	sld [smem:$0x3FFE];
	[sflag:s23] =	ssyncadd.s32 $0xFFFFFFFF  }
0xa5: {  	s26 =	simm.s32 $execute0_lowered;
	[smem:$0x3FD2] =	sst s25  }
0xa6: {  	s5 =	sshll.u32 s26, $0x1;
	_ =	strace $0x80000046;
	[dreg:$0x1] =	wrdreg $0xFFFFFFFF  }
0xa7: {  	s28 =	simm.s32 $_size_execute0_lowered;
	s3 =	sadd.s32 s3, s5;
	[dreg:$0x0] =	wrdreg $0x0  }
0xa8: {  	s5 =	sshll.u32 s28, $0x1;
	[dreg:$0x2] =	wrdreg s3  }
0xa9: {  	[dreg:$0x3] =	wrdreg s5  }
0xaa: {  	[dreg:$0x4] =	wrdreg $0xC0  }
0xab: {  	_ =	task [dreg:s7], $0x5FFFF  }
0xac: {  	[dreg:$0x1] =	wrdreg $0xFFFFFFFF  }
0xad: {  	[dreg:$0x0] =	wrdreg $0x60  }
0xae: {  	[dreg:$0x2] =	wrdreg s2  }
0xaf: {  	[dreg:$0x3] =	wrdreg s24  }
0xb0: {  	[dreg:$0x4] =	wrdreg $0x0  }
0xb1: {  	[dreg:$0x5] =	wrdreg $0x9  }
0xb2: {  	_ =	task.clear_ibuf [dreg:s7], $0x6FFFF;
	_ =	strace $0x90000046  }
0xb3: {  	s29 =	simm.s32 $0x9;
	_ =	strace $0x80000048  }
0xb4: {  	_ =	swait.ge [sflag:s29], $0x1  }
0xb5: {  	[sflag:s29] =	ssyncadd.s32 $0xFFFFFFFF  }
0xb6: {  	_ =	strace $0x90000048  }
0xb7: {  	_ =	sfence  }
0xb8: {  	s30 =	sld [smem:$0x0];
	_ =	sdelay $0x2  }
0xb9: {  	s31 =	sshll.u32 s1, $0xD;
	s1 =	sshrl.u32 s1, $0x2  }
0xba: {  	s3 =	sand.u32 $0x4000, s31;
	s1 =	sadd.s32 s1, s30  }
0xbb: {  	s0 =	sor.u32 s3, s0;
	s1 =	sshll.u32 s1, $0x11  }
0xbc: {  	s0 =	sor.u32 s1, s0  }
0xbd: {  	s0 =	sadd.s32 $0x8F2B, s0  }
0xbe: {  	[sflag:s0] =	ssyncadd.remote.s32 $0x1  }
0xbf: {  	_ =	sfence.sel $0xFFFF  }
0xc0: {  	[dreg:$0x0] =	wrdreg $0xFFFFFFFF;
	(pc) =	sbr.abs _section_cstart, $3  }
0xc1: {  	[dreg:$0x1] =	wrdreg $0xFFFFFFFF  }
0xc2: {  	_ =	task.clear_ibuf [dreg:s7], $0x2FFFF;
	_ =	strace $0x9FFFFFFF  }
0xc3: {  	(tm) =	ssettm $0x7FFFFFFF  }
tec
execute0_lowered:
.L_overlay_start_1:
0x0: {  	(tag) =	ssettag $0x1  }
0x1: {  	s0 =	rddreg [dreg:$0x0]  }
0x2: {  	s1 =	rddreg [dreg:$0x1]  }
0x3: {  	s3 =	rddreg [dreg:$0x2];
	s4 =	srdreg.scid;
	s2 =	simm.s32 $0x0  }
0x4: {  	s7 =	stileid.u32;
	s24 =	simm.s32 $0xF428;
	s29 =	simm.s32 $0xF828  }
0x5: {  	s25 =	simm.s32 $0xF4A8;
	s28 =	simm.s32 $0xF8A8;
	s20 =	simm.s32 $0xF528  }
0x6: {  	s22 =	simm.s32 $0xF928;
	s16 =	simm.s32 $0xF5A8;
	s18 =	simm.s32 $0xF9A8  }
0x7: {  	s17 =	simm.s32 $0xFA28;
	s23 =	simm.s32 $0xFF28;
	s26 =	simm.s32 $0xFFA8  }
0x8: {  	s21 =	simm.s32 $0xFAA8;
	s19 =	simm.s32 $0xF728;
	s30 =	simm.s32 $0xFBA8  }
0x9: {  	s31 =	simm.s32 $0xFE28;
	p0 =	por $0x0, $0x0;
	s4 =	sand.u32 $0x1, s4  }
0xa: {  	[smem:$0x7FF] =	sst s2;
	s6 =	sshll.u32 s7, $0x6;
	s7 =	sshll.u32 s7, $0x7  }
0xb: {  	s14 =	sadd.s32 $0x2800, s1;
	s15 =	sadd.s32 $0x1800, s1;
	s5 =	sshll.u32 s4, $0xA  }
0xc: {  	_ =	strace $0x80000047;
	s10 =	sadd.s32 s7, s1;
	s9 =	sadd.s32 s0, s7  }
0xd: {  	s4 =	ssub.s32 $0x2, s4;
	s0 =	sadd.s32 $0x800, s0;
	[dreg:$0x9] =	wrdreg s23  }
0xe: {  	[dreg:$0xa] =	wrdreg s26;
	s26 =	simm.s32 $0xFB28;
	s23 =	simm.s32 $0xF7A8  }
0xf: {  	s6 =	sor.u32 s6, s5;
	[dreg:$0x4] =	wrdreg s9;
	s5 =	sadd.s32 $0x2000, s10  }
0x10: {  	s11 =	sshrl.u32 s4, $0x1;
	s0 =	sadd.s32 s7, s0;
	s9 =	simm.s32 $0xFD28  }
0x11: {  	s8 =	sadd.s32 s6, s1;
	[dreg:$0x5] =	wrdreg s5;
	s4 =	ssub.s32 s4, s11  }
0x12: {  	s1 =	sadd.s32 $0x3800, s1;
	s5 =	simm.s32 $0x80;
	s11 =	simm.s32 $0xF628  }
0x13: {  	[dreg:$0xb] =	wrdreg s0;
	s12 =	sadd.s32 $0x1000, s8;
	s13 =	sadd.s32 $0x3000, s8  }
0x14: {  	s10 =	smax.u32 s4, $0x1;
	s4 =	simm.s32 $0x1;
	[dreg:$0x6] =	wrdreg s12  }
0x15: {  	[dreg:$0x7] =	wrdreg s13;
	s12 =	simm.s32 $0xFEA8;
	p1 =	sne.s32 s10, $0x1  }
0x16: {  	[dreg:$0x8] =	wrdreg s12;
	s12 =	sadd.s32 s7, s14;
	s14 =	sadd.s32 s6, s15  }
.Ltmp0:
0x17: {  	s6 =	sadd.s32 s6, s1;
	s1 =	rddreg [dreg:$0x4];
	(pc) =	sbr.rel @!p1 .LBB2_3-.Ltmp0, $4  }
0x18: {  	s8 =	simm.s32 $0xFDA8;
	s13 =	simm.s32 $0xF6A8;
	[dreg:$0xc] =	wrdreg s12  }
0x19: {  	s0 =	sadd.s32 $0xFFFFFFFF, s10;
	s15 =	simm.s32 $0x100A8;
	[dreg:$0xd] =	wrdreg s14  }
0x1a: {  	s10 =	simm.s32 $0x101A8;
	s7 =	simm.s32 $0x10028;
	[dreg:$0xe] =	wrdreg s15  }
0x1b: {  	s12 =	simm.s32 $0xFC28;
	s14 =	simm.s32 $0xFCA8;
	s15 =	simm.s32 $0x10128  }
0x1c: {  	[tilespmem:s24], [sflag:$0x1] =	stream.linear.gather [hbm4b:s1+s2], $0x400, $0x38;
	[tilespmem:$0x10228] =	vst v63  }
0x1d: {  	_ =	swait.ge [sflag:s4], $0x400  }
0x1e: {  	[sflag:s4] =	ssyncset.done $0x0  }
0x1f: {  	s1 =	rddreg [dreg:$0x5];
	[sflag:s4] =	ssyncadd.s32 $0xFFFFFC00  }
0x20: {  	[tilespmem:s29], [sflag:$0x1] =	stream.linear.gather [hbm4b:s1+s2], $0x400, $0x38;
	[tilespmem:$0x10228] =	vst v63  }
0x21: {  	_ =	swait.ge [sflag:s4], $0x400  }
0x22: {  	[sflag:s4] =	ssyncset.done $0x0  }
0x23: {  	[sflag:s4] =	ssyncadd.s32 $0xFFFFFC00  }
0x24: {  	[spmem:s3] =	stream.indirect.scatter [tilespmem:s29], [sflag:$0x1], $0x1, s24, s5, $0xb8;
	[tilespmem:$0x10228] =	vst v63  }
0x25: {  	_ =	swait.ge [sflag:s4], $0x80  }
0x26: {  	[sflag:s4] =	ssyncset.done $0x0  }
0x27: {  	[sflag:s4] =	ssyncadd.s32 $0xFFFFFF80  }
0x28: {  	[spmem:s3] =	stream.indirect.scatter [tilespmem:s28], [sflag:$0x1], $0x1, s25, s5, $0xb8;
	[tilespmem:$0x10228] =	vst v63  }
0x29: {  	_ =	swait.ge [sflag:s4], $0x80  }
0x2a: {  	[sflag:s4] =	ssyncset.done $0x0  }
0x2b: {  	[sflag:s4] =	ssyncadd.s32 $0xFFFFFF80  }
0x2c: {  	[spmem:s3] =	stream.indirect.scatter [tilespmem:s22], [sflag:$0x1], $0x1, s20, s5, $0xb8;
	[tilespmem:$0x10228] =	vst v63  }
0x2d: {  	_ =	swait.ge [sflag:s4], $0x80  }
0x2e: {  	[sflag:s4] =	ssyncset.done $0x0  }
0x2f: {  	[sflag:s4] =	ssyncadd.s32 $0xFFFFFF80  }
0x30: {  	[spmem:s3] =	stream.indirect.scatter [tilespmem:s18], [sflag:$0x1], $0x1, s16, s5, $0xb8;
	[tilespmem:$0x10228] =	vst v63  }
0x31: {  	_ =	swait.ge [sflag:s4], $0x80  }
0x32: {  	[sflag:s4] =	ssyncset.done $0x0  }
0x33: {  	[sflag:s4] =	ssyncadd.s32 $0xFFFFFF80  }
0x34: {  	[spmem:s3] =	stream.indirect.scatter [tilespmem:s17], [sflag:$0x1], $0x1, s11, s5, $0xb8;
	[tilespmem:$0x10228] =	vst v63  }
0x35: {  	_ =	swait.ge [sflag:s4], $0x80  }
0x36: {  	[sflag:s4] =	ssyncset.done $0x0  }
0x37: {  	[sflag:s4] =	ssyncadd.s32 $0xFFFFFF80  }
0x38: {  	[spmem:s3] =	stream.indirect.scatter [tilespmem:s21], [sflag:$0x1], $0x1, s13, s5, $0xb8;
	[tilespmem:$0x10228] =	vst v63  }
0x39: {  	_ =	swait.ge [sflag:s4], $0x80  }
0x3a: {  	[sflag:s4] =	ssyncset.done $0x0  }
0x3b: {  	[sflag:s4] =	ssyncadd.s32 $0xFFFFFF80  }
0x3c: {  	[spmem:s3] =	stream.indirect.scatter [tilespmem:s26], [sflag:$0x1], $0x1, s19, s5, $0xb8;
	[tilespmem:$0x10228] =	vst v63  }
0x3d: {  	_ =	swait.ge [sflag:s4], $0x80  }
0x3e: {  	[sflag:s4] =	ssyncset.done $0x0  }
0x3f: {  	[sflag:s4] =	ssyncadd.s32 $0xFFFFFF80  }
0x40: {  	[spmem:s3] =	stream.indirect.scatter [tilespmem:s30], [sflag:$0x1], $0x1, s23, s5, $0xb8;
	[tilespmem:$0x10228] =	vst v63  }
0x41: {  	_ =	swait.ge [sflag:s4], $0x80  }
0x42: {  	[sflag:s4] =	ssyncset.done $0x0  }
0x43: {  	[sflag:s4] =	ssyncadd.s32 $0xFFFFFF80  }
0x44: {  	[bflag:$0x0] =	sbarrier.arrive $0xFFFF  }
0x45: {  	s1 =	rddreg [dreg:$0x6]  }
0x46: {  	[tilespmem:s12], [sflag:$0x1] =	stream.linear.gather [hbm4b:s1+s2], $0x200, $0x38;
	[tilespmem:$0x10228] =	vst v63  }
0x47: {  	_ =	swait.ge [sflag:s4], $0x200  }
0x48: {  	[sflag:s4] =	ssyncset.done $0x0  }
0x49: {  	[sflag:s4] =	ssyncadd.s32 $0xFFFFFE00  }
0x4a: {  	[tilespmem:s31], [sflag:$0x1] =	stream.indirect.gather [spmem:s3], $0x1, s12, s5, $0xb8;
	[tilespmem:$0x10228] =	vst v63  }
0x4b: {  	_ =	swait.ge [sflag:s4], $0x80  }
0x4c: {  	[sflag:s4] =	ssyncset.done $0x0  }
0x4d: {  	s1 =	rddreg [dreg:$0x8];
	[sflag:s4] =	ssyncadd.s32 $0xFFFFFF80  }
0x4e: {  	[tilespmem:s1], [sflag:$0x1] =	stream.indirect.gather [spmem:s3], $0x1, s14, s5, $0xb8;
	[tilespmem:$0x10228] =	vst v63  }
0x4f: {  	_ =	swait.ge [sflag:s4], $0x80  }
0x50: {  	[sflag:s4] =	ssyncset.done $0x0  }
0x51: {  	s1 =	rddreg [dreg:$0x9];
	[sflag:s4] =	ssyncadd.s32 $0xFFFFFF80  }
0x52: {  	[tilespmem:s1], [sflag:$0x1] =	stream.indirect.gather [spmem:s3], $0x1, s9, s5, $0xb8;
	[tilespmem:$0x10228] =	vst v63  }
0x53: {  	_ =	swait.ge [sflag:s4], $0x80  }
0x54: {  	[sflag:s4] =	ssyncset.done $0x0  }
0x55: {  	s1 =	rddreg [dreg:$0xa];
	[sflag:s4] =	ssyncadd.s32 $0xFFFFFF80  }
0x56: {  	[tilespmem:s1], [sflag:$0x1] =	stream.indirect.gather [spmem:s3], $0x1, s8, s5, $0xb8;
	[tilespmem:$0x10228] =	vst v63  }
0x57: {  	_ =	swait.ge [sflag:s4], $0x80  }
0x58: {  	[sflag:s4] =	ssyncset.done $0x0  }
0x59: {  	[sflag:s4] =	ssyncadd.s32 $0xFFFFFF80  }
0x5a: {  	[bflag:$0x0] =	sbarrier.arrive $0xFFFF  }
0x5b: {  	s1 =	rddreg [dreg:$0x7]  }
0x5c: {  	[hbm4b:s1+s2] =	stream.linear.scatter [tilespmem:s31], [sflag:$0x1], $0x200, $0x38;
	[tilespmem:$0x10228] =	vst v63  }
0x5d: {  	_ =	swait.ge [sflag:s4], $0x200  }
0x5e: {  	[sflag:s4] =	ssyncset.done $0x0  }
0x5f: {  	s1 =	rddreg [dreg:$0xb];
	[sflag:s4] =	ssyncadd.s32 $0xFFFFFE00  }
0x60: {  	[tilespmem:s24], [sflag:$0x1] =	stream.linear.gather [hbm4b:s1+s2], $0x400, $0x38;
	[tilespmem:$0x10228] =	vst v63  }
0x61: {  	_ =	swait.ge [sflag:s4], $0x400  }
0x62: {  	[sflag:s4] =	ssyncset.done $0x0  }
0x63: {  	s1 =	rddreg [dreg:$0xc];
	[sflag:s4] =	ssyncadd.s32 $0xFFFFFC00  }
0x64: {  	[tilespmem:s29], [sflag:$0x1] =	stream.linear.gather [hbm4b:s1+s2], $0x400, $0x38;
	[tilespmem:$0x10228] =	vst v63  }
0x65: {  	_ =	swait.ge [sflag:s4], $0x400  }
0x66: {  	[sflag:s4] =	ssyncset.done $0x0  }
0x67: {  	[sflag:s4] =	ssyncadd.s32 $0xFFFFFC00  }
0x68: {  	[spmem:s3] =	stream.indirect.scatter [tilespmem:s29], [sflag:$0x1], $0x1, s24, s5, $0xb8;
	[tilespmem:$0x10228] =	vst v63  }
0x69: {  	_ =	swait.ge [sflag:s4], $0x80  }
0x6a: {  	[sflag:s4] =	ssyncset.done $0x0  }
0x6b: {  	[sflag:s4] =	ssyncadd.s32 $0xFFFFFF80  }
0x6c: {  	[spmem:s3] =	stream.indirect.scatter [tilespmem:s28], [sflag:$0x1], $0x1, s25, s5, $0xb8;
	[tilespmem:$0x10228] =	vst v63  }
0x6d: {  	_ =	swait.ge [sflag:s4], $0x80  }
0x6e: {  	[sflag:s4] =	ssyncset.done $0x0  }
0x6f: {  	[sflag:s4] =	ssyncadd.s32 $0xFFFFFF80  }
0x70: {  	[spmem:s3] =	stream.indirect.scatter [tilespmem:s22], [sflag:$0x1], $0x1, s20, s5, $0xb8;
	[tilespmem:$0x10228] =	vst v63  }
0x71: {  	_ =	swait.ge [sflag:s4], $0x80  }
0x72: {  	[sflag:s4] =	ssyncset.done $0x0  }
0x73: {  	[sflag:s4] =	ssyncadd.s32 $0xFFFFFF80  }
0x74: {  	[spmem:s3] =	stream.indirect.scatter [tilespmem:s18], [sflag:$0x1], $0x1, s16, s5, $0xb8;
	[tilespmem:$0x10228] =	vst v63  }
0x75: {  	_ =	swait.ge [sflag:s4], $0x80  }
0x76: {  	[sflag:s4] =	ssyncset.done $0x0  }
0x77: {  	[sflag:s4] =	ssyncadd.s32 $0xFFFFFF80  }
0x78: {  	[spmem:s3] =	stream.indirect.scatter [tilespmem:s17], [sflag:$0x1], $0x1, s11, s5, $0xb8;
	[tilespmem:$0x10228] =	vst v63  }
0x79: {  	_ =	swait.ge [sflag:s4], $0x80  }
0x7a: {  	[sflag:s4] =	ssyncset.done $0x0  }
0x7b: {  	[sflag:s4] =	ssyncadd.s32 $0xFFFFFF80  }
0x7c: {  	[spmem:s3] =	stream.indirect.scatter [tilespmem:s21], [sflag:$0x1], $0x1, s13, s5, $0xb8;
	[tilespmem:$0x10228] =	vst v63  }
0x7d: {  	_ =	swait.ge [sflag:s4], $0x80  }
0x7e: {  	[sflag:s4] =	ssyncset.done $0x0  }
0x7f: {  	[sflag:s4] =	ssyncadd.s32 $0xFFFFFF80  }
0x80: {  	[spmem:s3] =	stream.indirect.scatter [tilespmem:s26], [sflag:$0x1], $0x1, s19, s5, $0xb8;
	[tilespmem:$0x10228] =	vst v63  }
0x81: {  	_ =	swait.ge [sflag:s4], $0x80  }
0x82: {  	[sflag:s4] =	ssyncset.done $0x0  }
0x83: {  	[sflag:s4] =	ssyncadd.s32 $0xFFFFFF80  }
0x84: {  	[spmem:s3] =	stream.indirect.scatter [tilespmem:s30], [sflag:$0x1], $0x1, s23, s5, $0xb8;
	[tilespmem:$0x10228] =	vst v63  }
0x85: {  	_ =	swait.ge [sflag:s4], $0x80  }
0x86: {  	[sflag:s4] =	ssyncset.done $0x0  }
0x87: {  	[sflag:s4] =	ssyncadd.s32 $0xFFFFFF80  }
0x88: {  	[bflag:$0x0] =	sbarrier.arrive $0xFFFF  }
0x89: {  	s1 =	rddreg [dreg:$0xd]  }
0x8a: {  	[tilespmem:s12], [sflag:$0x1] =	stream.linear.gather [hbm4b:s1+s2], $0x200, $0x38;
	[tilespmem:$0x10228] =	vst v63  }
0x8b: {  	_ =	swait.ge [sflag:s4], $0x200  }
0x8c: {  	[sflag:s4] =	ssyncset.done $0x0  }
0x8d: {  	[sflag:s4] =	ssyncadd.s32 $0xFFFFFE00  }
0x8e: {  	[tilespmem:s7], [sflag:$0x1] =	stream.indirect.gather [spmem:s3], $0x1, s12, s5, $0xb8;
	[tilespmem:$0x10228] =	vst v63  }
0x8f: {  	_ =	swait.ge [sflag:s4], $0x80  }
0x90: {  	[sflag:s4] =	ssyncset.done $0x0  }
0x91: {  	s1 =	rddreg [dreg:$0xe];
	[sflag:s4] =	ssyncadd.s32 $0xFFFFFF80  }
0x92: {  	[tilespmem:s1], [sflag:$0x1] =	stream.indirect.gather [spmem:s3], $0x1, s14, s5, $0xb8;
	[tilespmem:$0x10228] =	vst v63  }
0x93: {  	_ =	swait.ge [sflag:s4], $0x80  }
0x94: {  	[sflag:s4] =	ssyncset.done $0x0  }
0x95: {  	[sflag:s4] =	ssyncadd.s32 $0xFFFFFF80  }
0x96: {  	[tilespmem:s15], [sflag:$0x1] =	stream.indirect.gather [spmem:s3], $0x1, s9, s5, $0xb8;
	[tilespmem:$0x10228] =	vst v63  }
0x97: {  	_ =	swait.ge [sflag:s4], $0x80  }
0x98: {  	[sflag:s4] =	ssyncset.done $0x0  }
0x99: {  	[sflag:s4] =	ssyncadd.s32 $0xFFFFFF80  }
0x9a: {  	[tilespmem:s10], [sflag:$0x1] =	stream.indirect.gather [spmem:s3], $0x1, s8, s5, $0xb8;
	[tilespmem:$0x10228] =	vst v63  }
0x9b: {  	_ =	swait.ge [sflag:s4], $0x80  }
0x9c: {  	p1 =	sne.s32 s0, $0x1;
	[sflag:s4] =	ssyncset.done $0x0  }
.Ltmp1:
0x9d: {  	[sflag:s4] =	ssyncadd.s32 $0xFFFFFF80;
	(pc) =	sbr.rel @!p1 .LBB2_3-.Ltmp1, $4  }
0x9e: {  	[bflag:$0x0] =	sbarrier.arrive $0xFFFF  }
0x9f: {  	[hbm4b:s6+s2] =	stream.linear.scatter [tilespmem:s7], [sflag:$0x1], $0x200, $0x38;
	[tilespmem:$0x10228] =	vst v63  }
0xa0: {  	s0 =	sadd.s32 $0xFFFFFFFF, s0;
	_ =	swait.ge [sflag:s4], $0x200  }
0xa1: {  	p0 =	por $0x1, $0x1;
	s1 =	rddreg [dreg:$0x4];
	[sflag:s4] =	ssyncset.done $0x0  }
.LBB2_2:
0xa2: {  	[sflag:s4] =	ssyncadd.s32 $0xFFFFFE00  }
0xa3: {  	[tilespmem:s24], [sflag:$0x1] =	stream.linear.gather [hbm4b:s1+s2], $0x400, $0x38;
	[tilespmem:$0x10228] =	vst v63  }
0xa4: {  	_ =	swait.ge [sflag:s4], $0x400  }
0xa5: {  	[sflag:s4] =	ssyncset.done $0x0  }
0xa6: {  	s1 =	rddreg [dreg:$0x5];
	[sflag:s4] =	ssyncadd.s32 $0xFFFFFC00  }
0xa7: {  	[tilespmem:s29], [sflag:$0x1] =	stream.linear.gather [hbm4b:s1+s2], $0x400, $0x38;
	[tilespmem:$0x10228] =	vst v63  }
0xa8: {  	_ =	swait.ge [sflag:s4], $0x400  }
0xa9: {  	[sflag:s4] =	ssyncset.done $0x0  }
0xaa: {  	[sflag:s4] =	ssyncadd.s32 $0xFFFFFC00  }
0xab: {  	[spmem:s3] =	stream.indirect.scatter [tilespmem:s29], [sflag:$0x1], $0x1, s24, s5, $0xb8;
	[tilespmem:$0x10228] =	vst v63  }
0xac: {  	_ =	swait.ge [sflag:s4], $0x80  }
0xad: {  	[sflag:s4] =	ssyncset.done $0x0  }
0xae: {  	[sflag:s4] =	ssyncadd.s32 $0xFFFFFF80  }
0xaf: {  	[spmem:s3] =	stream.indirect.scatter [tilespmem:s28], [sflag:$0x1], $0x1, s25, s5, $0xb8;
	[tilespmem:$0x10228] =	vst v63  }
0xb0: {  	_ =	swait.ge [sflag:s4], $0x80  }
0xb1: {  	[sflag:s4] =	ssyncset.done $0x0  }
0xb2: {  	[sflag:s4] =	ssyncadd.s32 $0xFFFFFF80  }
0xb3: {  	[spmem:s3] =	stream.indirect.scatter [tilespmem:s22], [sflag:$0x1], $0x1, s20, s5, $0xb8;
	[tilespmem:$0x10228] =	vst v63  }
0xb4: {  	_ =	swait.ge [sflag:s4], $0x80  }
0xb5: {  	[sflag:s4] =	ssyncset.done $0x0  }
0xb6: {  	[sflag:s4] =	ssyncadd.s32 $0xFFFFFF80  }
0xb7: {  	[spmem:s3] =	stream.indirect.scatter [tilespmem:s18], [sflag:$0x1], $0x1, s16, s5, $0xb8;
	[tilespmem:$0x10228] =	vst v63  }
0xb8: {  	_ =	swait.ge [sflag:s4], $0x80  }
0xb9: {  	[sflag:s4] =	ssyncset.done $0x0  }
0xba: {  	[sflag:s4] =	ssyncadd.s32 $0xFFFFFF80  }
0xbb: {  	[spmem:s3] =	stream.indirect.scatter [tilespmem:s17], [sflag:$0x1], $0x1, s11, s5, $0xb8;
	[tilespmem:$0x10228] =	vst v63  }
0xbc: {  	_ =	swait.ge [sflag:s4], $0x80  }
0xbd: {  	[sflag:s4] =	ssyncset.done $0x0  }
0xbe: {  	[sflag:s4] =	ssyncadd.s32 $0xFFFFFF80  }
0xbf: {  	[spmem:s3] =	stream.indirect.scatter [tilespmem:s21], [sflag:$0x1], $0x1, s13, s5, $0xb8;
	[tilespmem:$0x10228] =	vst v63  }
0xc0: {  	_ =	swait.ge [sflag:s4], $0x80  }
0xc1: {  	[sflag:s4] =	ssyncset.done $0x0  }
0xc2: {  	[sflag:s4] =	ssyncadd.s32 $0xFFFFFF80  }
0xc3: {  	[spmem:s3] =	stream.indirect.scatter [tilespmem:s26], [sflag:$0x1], $0x1, s19, s5, $0xb8;
	[tilespmem:$0x10228] =	vst v63  }
0xc4: {  	_ =	swait.ge [sflag:s4], $0x80  }
0xc5: {  	[sflag:s4] =	ssyncset.done $0x0  }
0xc6: {  	[sflag:s4] =	ssyncadd.s32 $0xFFFFFF80  }
0xc7: {  	[spmem:s3] =	stream.indirect.scatter [tilespmem:s30], [sflag:$0x1], $0x1, s23, s5, $0xb8;
	[tilespmem:$0x10228] =	vst v63  }
0xc8: {  	_ =	swait.ge [sflag:s4], $0x80  }
0xc9: {  	[sflag:s4] =	ssyncset.done $0x0  }
0xca: {  	[sflag:s4] =	ssyncadd.s32 $0xFFFFFF80  }
0xcb: {  	[bflag:$0x0] =	sbarrier.arrive $0xFFFF  }
0xcc: {  	s1 =	rddreg [dreg:$0x6]  }
0xcd: {  	[tilespmem:s12], [sflag:$0x1] =	stream.linear.gather [hbm4b:s1+s2], $0x200, $0x38;
	[tilespmem:$0x10228] =	vst v63  }
0xce: {  	_ =	swait.ge [sflag:s4], $0x200  }
0xcf: {  	[sflag:s4] =	ssyncset.done $0x0  }
0xd0: {  	[sflag:s4] =	ssyncadd.s32 $0xFFFFFE00  }
0xd1: {  	[tilespmem:s31], [sflag:$0x1] =	stream.indirect.gather [spmem:s3], $0x1, s12, s5, $0xb8;
	[tilespmem:$0x10228] =	vst v63  }
0xd2: {  	_ =	swait.ge [sflag:s4], $0x80  }
0xd3: {  	[sflag:s4] =	ssyncset.done $0x0  }
0xd4: {  	s1 =	rddreg [dreg:$0x8];
	[sflag:s4] =	ssyncadd.s32 $0xFFFFFF80  }
0xd5: {  	[tilespmem:s1], [sflag:$0x1] =	stream.indirect.gather [spmem:s3], $0x1, s14, s5, $0xb8;
	[tilespmem:$0x10228] =	vst v63  }
0xd6: {  	_ =	swait.ge [sflag:s4], $0x80  }
0xd7: {  	[sflag:s4] =	ssyncset.done $0x0  }
0xd8: {  	s1 =	rddreg [dreg:$0x9];
	[sflag:s4] =	ssyncadd.s32 $0xFFFFFF80  }
0xd9: {  	[tilespmem:s1], [sflag:$0x1] =	stream.indirect.gather [spmem:s3], $0x1, s9, s5, $0xb8;
	[tilespmem:$0x10228] =	vst v63  }
0xda: {  	_ =	swait.ge [sflag:s4], $0x80  }
0xdb: {  	[sflag:s4] =	ssyncset.done $0x0  }
0xdc: {  	s1 =	rddreg [dreg:$0xa];
	[sflag:s4] =	ssyncadd.s32 $0xFFFFFF80  }
0xdd: {  	[tilespmem:s1], [sflag:$0x1] =	stream.indirect.gather [spmem:s3], $0x1, s8, s5, $0xb8;
	[tilespmem:$0x10228] =	vst v63  }
0xde: {  	_ =	swait.ge [sflag:s4], $0x80  }
0xdf: {  	[sflag:s4] =	ssyncset.done $0x0  }
0xe0: {  	[sflag:s4] =	ssyncadd.s32 $0xFFFFFF80  }
0xe1: {  	[bflag:$0x0] =	sbarrier.arrive $0xFFFF  }
0xe2: {  	s1 =	rddreg [dreg:$0x7]  }
0xe3: {  	[hbm4b:s1+s2] =	stream.linear.scatter [tilespmem:s31], [sflag:$0x1], $0x200, $0x38;
	[tilespmem:$0x10228] =	vst v63  }
0xe4: {  	_ =	swait.ge [sflag:s4], $0x200  }
0xe5: {  	[sflag:s4] =	ssyncset.done $0x0  }
0xe6: {  	s1 =	rddreg [dreg:$0xb];
	[sflag:s4] =	ssyncadd.s32 $0xFFFFFE00  }
0xe7: {  	[tilespmem:s24], [sflag:$0x1] =	stream.linear.gather [hbm4b:s1+s2], $0x400, $0x38;
	[tilespmem:$0x10228] =	vst v63  }
0xe8: {  	_ =	swait.ge [sflag:s4], $0x400  }
0xe9: {  	[sflag:s4] =	ssyncset.done $0x0  }
0xea: {  	s1 =	rddreg [dreg:$0xc];
	[sflag:s4] =	ssyncadd.s32 $0xFFFFFC00  }
0xeb: {  	[tilespmem:s29], [sflag:$0x1] =	stream.linear.gather [hbm4b:s1+s2], $0x400, $0x38;
	[tilespmem:$0x10228] =	vst v63  }
0xec: {  	_ =	swait.ge [sflag:s4], $0x400  }
0xed: {  	[sflag:s4] =	ssyncset.done $0x0  }
0xee: {  	[sflag:s4] =	ssyncadd.s32 $0xFFFFFC00  }
0xef: {  	[spmem:s3] =	stream.indirect.scatter [tilespmem:s29], [sflag:$0x1], $0x1, s24, s5, $0xb8;
	[tilespmem:$0x10228] =	vst v63  }
0xf0: {  	_ =	swait.ge [sflag:s4], $0x80  }
0xf1: {  	[sflag:s4] =	ssyncset.done $0x0  }
0xf2: {  	[sflag:s4] =	ssyncadd.s32 $0xFFFFFF80  }
0xf3: {  	[spmem:s3] =	stream.indirect.scatter [tilespmem:s28], [sflag:$0x1], $0x1, s25, s5, $0xb8;
	[tilespmem:$0x10228] =	vst v63  }
0xf4: {  	_ =	swait.ge [sflag:s4], $0x80  }
0xf5: {  	[sflag:s4] =	ssyncset.done $0x0  }
0xf6: {  	[sflag:s4] =	ssyncadd.s32 $0xFFFFFF80  }
0xf7: {  	[spmem:s3] =	stream.indirect.scatter [tilespmem:s22], [sflag:$0x1], $0x1, s20, s5, $0xb8;
	[tilespmem:$0x10228] =	vst v63  }
0xf8: {  	_ =	swait.ge [sflag:s4], $0x80  }
0xf9: {  	[sflag:s4] =	ssyncset.done $0x0  }
0xfa: {  	[sflag:s4] =	ssyncadd.s32 $0xFFFFFF80  }
0xfb: {  	[spmem:s3] =	stream.indirect.scatter [tilespmem:s18], [sflag:$0x1], $0x1, s16, s5, $0xb8;
	[tilespmem:$0x10228] =	vst v63  }
0xfc: {  	_ =	swait.ge [sflag:s4], $0x80  }
0xfd: {  	[sflag:s4] =	ssyncset.done $0x0  }
0xfe: {  	[sflag:s4] =	ssyncadd.s32 $0xFFFFFF80  }
0xff: {  	[spmem:s3] =	stream.indirect.scatter [tilespmem:s17], [sflag:$0x1], $0x1, s11, s5, $0xb8;
	[tilespmem:$0x10228] =	vst v63  }
0x100: {  	_ =	swait.ge [sflag:s4], $0x80  }
0x101: {  	[sflag:s4] =	ssyncset.done $0x0  }
0x102: {  	[sflag:s4] =	ssyncadd.s32 $0xFFFFFF80  }
0x103: {  	[spmem:s3] =	stream.indirect.scatter [tilespmem:s21], [sflag:$0x1], $0x1, s13, s5, $0xb8;
	[tilespmem:$0x10228] =	vst v63  }
0x104: {  	_ =	swait.ge [sflag:s4], $0x80  }
0x105: {  	[sflag:s4] =	ssyncset.done $0x0  }
0x106: {  	[sflag:s4] =	ssyncadd.s32 $0xFFFFFF80  }
0x107: {  	[spmem:s3] =	stream.indirect.scatter [tilespmem:s26], [sflag:$0x1], $0x1, s19, s5, $0xb8;
	[tilespmem:$0x10228] =	vst v63  }
0x108: {  	_ =	swait.ge [sflag:s4], $0x80  }
0x109: {  	[sflag:s4] =	ssyncset.done $0x0  }
0x10a: {  	[sflag:s4] =	ssyncadd.s32 $0xFFFFFF80  }
0x10b: {  	[spmem:s3] =	stream.indirect.scatter [tilespmem:s30], [sflag:$0x1], $0x1, s23, s5, $0xb8;
	[tilespmem:$0x10228] =	vst v63  }
0x10c: {  	_ =	swait.ge [sflag:s4], $0x80  }
0x10d: {  	[sflag:s4] =	ssyncset.done $0x0  }
0x10e: {  	[sflag:s4] =	ssyncadd.s32 $0xFFFFFF80  }
0x10f: {  	[bflag:$0x0] =	sbarrier.arrive $0xFFFF  }
0x110: {  	s1 =	rddreg [dreg:$0xd]  }
0x111: {  	[tilespmem:s12], [sflag:$0x1] =	stream.linear.gather [hbm4b:s1+s2], $0x200, $0x38;
	[tilespmem:$0x10228] =	vst v63  }
0x112: {  	_ =	swait.ge [sflag:s4], $0x200  }
0x113: {  	[sflag:s4] =	ssyncset.done $0x0  }
0x114: {  	[sflag:s4] =	ssyncadd.s32 $0xFFFFFE00  }
0x115: {  	[tilespmem:s7], [sflag:$0x1] =	stream.indirect.gather [spmem:s3], $0x1, s12, s5, $0xb8;
	[tilespmem:$0x10228] =	vst v63  }
0x116: {  	_ =	swait.ge [sflag:s4], $0x80  }
0x117: {  	[sflag:s4] =	ssyncset.done $0x0  }
0x118: {  	s1 =	rddreg [dreg:$0xe];
	[sflag:s4] =	ssyncadd.s32 $0xFFFFFF80  }
0x119: {  	[tilespmem:s1], [sflag:$0x1] =	stream.indirect.gather [spmem:s3], $0x1, s14, s5, $0xb8;
	[tilespmem:$0x10228] =	vst v63  }
0x11a: {  	_ =	swait.ge [sflag:s4], $0x80  }
0x11b: {  	[sflag:s4] =	ssyncset.done $0x0  }
0x11c: {  	[sflag:s4] =	ssyncadd.s32 $0xFFFFFF80  }
0x11d: {  	[tilespmem:s15], [sflag:$0x1] =	stream.indirect.gather [spmem:s3], $0x1, s9, s5, $0xb8;
	[tilespmem:$0x10228] =	vst v63  }
0x11e: {  	_ =	swait.ge [sflag:s4], $0x80  }
0x11f: {  	[sflag:s4] =	ssyncset.done $0x0  }
0x120: {  	[sflag:s4] =	ssyncadd.s32 $0xFFFFFF80  }
0x121: {  	[tilespmem:s10], [sflag:$0x1] =	stream.indirect.gather [spmem:s3], $0x1, s8, s5, $0xb8;
	[tilespmem:$0x10228] =	vst v63  }
0x122: {  	_ =	swait.ge [sflag:s4], $0x80  }
0x123: {  	p1 =	sne.s32 s0, $0x1;
	[sflag:s4] =	ssyncset.done $0x0  }
.Ltmp2:
0x124: {  	[sflag:s4] =	ssyncadd.s32 $0xFFFFFF80;
	(pc) =	sbr.rel @p1 .LBB2_2-.Ltmp2, $4  }
0x125: {  	[bflag:$0x0] =	sbarrier.arrive $0xFFFF  }
0x126: {  	[hbm4b:s6+s2] =	stream.linear.scatter [tilespmem:s7], [sflag:$0x1], $0x200, $0x38;
	[tilespmem:$0x10228] =	vst v63  }
0x127: {  	_ =	swait.ge [sflag:s4], $0x200  }
0x128: {  	s0 =	sadd.s32 $0xFFFFFFFF, s0;
	s1 =	rddreg [dreg:$0x4];
	[sflag:s4] =	ssyncset.done $0x0  }
.LBB2_3:
0x129: {  	[sflag:s4] =	ssyncadd.s32 @p0 $0xFFFFFE00  }
0x12a: {  	[tilespmem:s24], [sflag:$0x1] =	stream.linear.gather [hbm4b:s1+s2], $0x400, $0x38;
	[tilespmem:$0x10228] =	vst v63  }
0x12b: {  	_ =	swait.ge [sflag:s4], $0x400  }
0x12c: {  	[sflag:s4] =	ssyncset.done $0x0  }
0x12d: {  	s0 =	rddreg [dreg:$0x5];
	[sflag:s4] =	ssyncadd.s32 $0xFFFFFC00  }
0x12e: {  	[tilespmem:s29], [sflag:$0x1] =	stream.linear.gather [hbm4b:s0+s2], $0x400, $0x38;
	[tilespmem:$0x10228] =	vst v63  }
0x12f: {  	_ =	swait.ge [sflag:s4], $0x400  }
0x130: {  	[sflag:s4] =	ssyncset.done $0x0  }
0x131: {  	[sflag:s4] =	ssyncadd.s32 $0xFFFFFC00  }
0x132: {  	[spmem:s3] =	stream.indirect.scatter [tilespmem:s29], [sflag:$0x1], $0x1, s24, s5, $0xb8;
	[tilespmem:$0x10228] =	vst v63  }
0x133: {  	_ =	swait.ge [sflag:s4], $0x80  }
0x134: {  	[sflag:s4] =	ssyncset.done $0x0  }
0x135: {  	[sflag:s4] =	ssyncadd.s32 $0xFFFFFF80  }
0x136: {  	[spmem:s3] =	stream.indirect.scatter [tilespmem:s28], [sflag:$0x1], $0x1, s25, s5, $0xb8;
	[tilespmem:$0x10228] =	vst v63  }
0x137: {  	_ =	swait.ge [sflag:s4], $0x80  }
0x138: {  	[sflag:s4] =	ssyncset.done $0x0  }
0x139: {  	[sflag:s4] =	ssyncadd.s32 $0xFFFFFF80  }
0x13a: {  	[spmem:s3] =	stream.indirect.scatter [tilespmem:s22], [sflag:$0x1], $0x1, s20, s5, $0xb8;
	[tilespmem:$0x10228] =	vst v63  }
0x13b: {  	_ =	swait.ge [sflag:s4], $0x80  }
0x13c: {  	[sflag:s4] =	ssyncset.done $0x0  }
0x13d: {  	[sflag:s4] =	ssyncadd.s32 $0xFFFFFF80  }
0x13e: {  	[spmem:s3] =	stream.indirect.scatter [tilespmem:s18], [sflag:$0x1], $0x1, s16, s5, $0xb8;
	[tilespmem:$0x10228] =	vst v63  }
0x13f: {  	_ =	swait.ge [sflag:s4], $0x80  }
0x140: {  	[sflag:s4] =	ssyncset.done $0x0  }
0x141: {  	[sflag:s4] =	ssyncadd.s32 $0xFFFFFF80  }
0x142: {  	[spmem:s3] =	stream.indirect.scatter [tilespmem:s17], [sflag:$0x1], $0x1, s11, s5, $0xb8;
	[tilespmem:$0x10228] =	vst v63  }
0x143: {  	_ =	swait.ge [sflag:s4], $0x80  }
0x144: {  	[sflag:s4] =	ssyncset.done $0x0  }
0x145: {  	[sflag:s4] =	ssyncadd.s32 $0xFFFFFF80  }
0x146: {  	[spmem:s3] =	stream.indirect.scatter [tilespmem:s21], [sflag:$0x1], $0x1, s13, s5, $0xb8;
	[tilespmem:$0x10228] =	vst v63  }
0x147: {  	_ =	swait.ge [sflag:s4], $0x80  }
0x148: {  	[sflag:s4] =	ssyncset.done $0x0  }
0x149: {  	[sflag:s4] =	ssyncadd.s32 $0xFFFFFF80  }
0x14a: {  	[spmem:s3] =	stream.indirect.scatter [tilespmem:s26], [sflag:$0x1], $0x1, s19, s5, $0xb8;
	[tilespmem:$0x10228] =	vst v63  }
0x14b: {  	_ =	swait.ge [sflag:s4], $0x80  }
0x14c: {  	[sflag:s4] =	ssyncset.done $0x0  }
0x14d: {  	[sflag:s4] =	ssyncadd.s32 $0xFFFFFF80  }
0x14e: {  	[spmem:s3] =	stream.indirect.scatter [tilespmem:s30], [sflag:$0x1], $0x1, s23, s5, $0xb8;
	[tilespmem:$0x10228] =	vst v63  }
0x14f: {  	_ =	swait.ge [sflag:s4], $0x80  }
0x150: {  	[sflag:s4] =	ssyncset.done $0x0  }
0x151: {  	[sflag:s4] =	ssyncadd.s32 $0xFFFFFF80  }
0x152: {  	[bflag:$0x0] =	sbarrier.arrive $0xFFFF  }
0x153: {  	s1 =	rddreg [dreg:$0x6]  }
0x154: {  	[tilespmem:s12], [sflag:$0x1] =	stream.linear.gather [hbm4b:s1+s2], $0x200, $0x38;
	[tilespmem:$0x10228] =	vst v63  }
0x155: {  	_ =	swait.ge [sflag:s4], $0x200  }
0x156: {  	[sflag:s4] =	ssyncset.done $0x0  }
0x157: {  	[sflag:s4] =	ssyncadd.s32 $0xFFFFFE00  }
0x158: {  	[tilespmem:s31], [sflag:$0x1] =	stream.indirect.gather [spmem:s3], $0x1, s12, s5, $0xb8;
	[tilespmem:$0x10228] =	vst v63  }
0x159: {  	_ =	swait.ge [sflag:s4], $0x80  }
0x15a: {  	[sflag:s4] =	ssyncset.done $0x0  }
0x15b: {  	s1 =	rddreg [dreg:$0x8];
	[sflag:s4] =	ssyncadd.s32 $0xFFFFFF80  }
0x15c: {  	[tilespmem:s1], [sflag:$0x1] =	stream.indirect.gather [spmem:s3], $0x1, s14, s5, $0xb8;
	[tilespmem:$0x10228] =	vst v63  }
0x15d: {  	_ =	swait.ge [sflag:s4], $0x80  }
0x15e: {  	[sflag:s4] =	ssyncset.done $0x0  }
0x15f: {  	s1 =	rddreg [dreg:$0x9];
	[sflag:s4] =	ssyncadd.s32 $0xFFFFFF80  }
0x160: {  	[tilespmem:s1], [sflag:$0x1] =	stream.indirect.gather [spmem:s3], $0x1, s9, s5, $0xb8;
	[tilespmem:$0x10228] =	vst v63  }
0x161: {  	_ =	swait.ge [sflag:s4], $0x80  }
0x162: {  	[sflag:s4] =	ssyncset.done $0x0  }
0x163: {  	s1 =	rddreg [dreg:$0xa];
	[sflag:s4] =	ssyncadd.s32 $0xFFFFFF80  }
0x164: {  	[tilespmem:s1], [sflag:$0x1] =	stream.indirect.gather [spmem:s3], $0x1, s8, s5, $0xb8;
	[tilespmem:$0x10228] =	vst v63  }
0x165: {  	_ =	swait.ge [sflag:s4], $0x80  }
0x166: {  	[sflag:s4] =	ssyncset.done $0x0  }
0x167: {  	[sflag:s4] =	ssyncadd.s32 $0xFFFFFF80  }
0x168: {  	[bflag:$0x0] =	sbarrier.arrive $0xFFFF  }
0x169: {  	s1 =	rddreg [dreg:$0x7]  }
0x16a: {  	[hbm4b:s1+s2] =	stream.linear.scatter [tilespmem:s31], [sflag:$0x1], $0x200, $0x38;
	[tilespmem:$0x10228] =	vst v63  }
0x16b: {  	_ =	swait.ge [sflag:s4], $0x200  }
0x16c: {  	[sflag:s4] =	ssyncset.done $0x0  }
0x16d: {  	s31 =	rddreg [dreg:$0xb];
	[sflag:s4] =	ssyncadd.s32 $0xFFFFFE00  }
0x16e: {  	[tilespmem:s24], [sflag:$0x1] =	stream.linear.gather [hbm4b:s31+s2], $0x400, $0x38;
	[tilespmem:$0x10228] =	vst v63  }
0x16f: {  	_ =	swait.ge [sflag:s4], $0x400  }
0x170: {  	[sflag:s4] =	ssyncset.done $0x0  }
0x171: {  	s1 =	rddreg [dreg:$0xc];
	[sflag:s4] =	ssyncadd.s32 $0xFFFFFC00  }
0x172: {  	[tilespmem:s29], [sflag:$0x1] =	stream.linear.gather [hbm4b:s1+s2], $0x400, $0x38;
	[tilespmem:$0x10228] =	vst v63  }
0x173: {  	_ =	swait.ge [sflag:s4], $0x400  }
0x174: {  	[sflag:s4] =	ssyncset.done $0x0  }
0x175: {  	[sflag:s4] =	ssyncadd.s32 $0xFFFFFC00  }
0x176: {  	[spmem:s3] =	stream.indirect.scatter [tilespmem:s29], [sflag:$0x1], $0x1, s24, s5, $0xb8;
	[tilespmem:$0x10228] =	vst v63  }
0x177: {  	_ =	swait.ge [sflag:s4], $0x80  }
0x178: {  	[sflag:s4] =	ssyncset.done $0x0  }
0x179: {  	[sflag:s4] =	ssyncadd.s32 $0xFFFFFF80  }
0x17a: {  	[spmem:s3] =	stream.indirect.scatter [tilespmem:s28], [sflag:$0x1], $0x1, s25, s5, $0xb8;
	[tilespmem:$0x10228] =	vst v63  }
0x17b: {  	_ =	swait.ge [sflag:s4], $0x80  }
0x17c: {  	[sflag:s4] =	ssyncset.done $0x0  }
0x17d: {  	[sflag:s4] =	ssyncadd.s32 $0xFFFFFF80  }
0x17e: {  	[spmem:s3] =	stream.indirect.scatter [tilespmem:s22], [sflag:$0x1], $0x1, s20, s5, $0xb8;
	[tilespmem:$0x10228] =	vst v63  }
0x17f: {  	_ =	swait.ge [sflag:s4], $0x80  }
0x180: {  	[sflag:s4] =	ssyncset.done $0x0  }
0x181: {  	[sflag:s4] =	ssyncadd.s32 $0xFFFFFF80  }
0x182: {  	[spmem:s3] =	stream.indirect.scatter [tilespmem:s18], [sflag:$0x1], $0x1, s16, s5, $0xb8;
	[tilespmem:$0x10228] =	vst v63  }
0x183: {  	_ =	swait.ge [sflag:s4], $0x80  }
0x184: {  	[sflag:s4] =	ssyncset.done $0x0  }
0x185: {  	[sflag:s4] =	ssyncadd.s32 $0xFFFFFF80  }
0x186: {  	[spmem:s3] =	stream.indirect.scatter [tilespmem:s17], [sflag:$0x1], $0x1, s11, s5, $0xb8;
	[tilespmem:$0x10228] =	vst v63  }
0x187: {  	_ =	swait.ge [sflag:s4], $0x80  }
0x188: {  	[sflag:s4] =	ssyncset.done $0x0  }
0x189: {  	[sflag:s4] =	ssyncadd.s32 $0xFFFFFF80  }
0x18a: {  	[spmem:s3] =	stream.indirect.scatter [tilespmem:s21], [sflag:$0x1], $0x1, s13, s5, $0xb8;
	[tilespmem:$0x10228] =	vst v63  }
0x18b: {  	_ =	swait.ge [sflag:s4], $0x80  }
0x18c: {  	[sflag:s4] =	ssyncset.done $0x0  }
0x18d: {  	[sflag:s4] =	ssyncadd.s32 $0xFFFFFF80  }
0x18e: {  	[spmem:s3] =	stream.indirect.scatter [tilespmem:s26], [sflag:$0x1], $0x1, s19, s5, $0xb8;
	[tilespmem:$0x10228] =	vst v63  }
0x18f: {  	_ =	swait.ge [sflag:s4], $0x80  }
0x190: {  	[sflag:s4] =	ssyncset.done $0x0  }
0x191: {  	[sflag:s4] =	ssyncadd.s32 $0xFFFFFF80  }
0x192: {  	[spmem:s3] =	stream.indirect.scatter [tilespmem:s30], [sflag:$0x1], $0x1, s23, s5, $0xb8;
	[tilespmem:$0x10228] =	vst v63  }
0x193: {  	_ =	swait.ge [sflag:s4], $0x80  }
0x194: {  	[sflag:s4] =	ssyncset.done $0x0  }
0x195: {  	[sflag:s4] =	ssyncadd.s32 $0xFFFFFF80  }
0x196: {  	[bflag:$0x0] =	sbarrier.arrive $0xFFFF  }
0x197: {  	s29 =	rddreg [dreg:$0xd]  }
0x198: {  	[tilespmem:s12], [sflag:$0x1] =	stream.linear.gather [hbm4b:s29+s2], $0x200, $0x38;
	[tilespmem:$0x10228] =	vst v63  }
0x199: {  	_ =	swait.ge [sflag:s4], $0x200  }
0x19a: {  	[sflag:s4] =	ssyncset.done $0x0  }
0x19b: {  	[sflag:s4] =	ssyncadd.s32 $0xFFFFFE00  }
0x19c: {  	[tilespmem:s7], [sflag:$0x1] =	stream.indirect.gather [spmem:s3], $0x1, s12, s5, $0xb8;
	[tilespmem:$0x10228] =	vst v63  }
0x19d: {  	_ =	swait.ge [sflag:s4], $0x80  }
0x19e: {  	[sflag:s4] =	ssyncset.done $0x0  }
0x19f: {  	s30 =	rddreg [dreg:$0xe];
	[sflag:s4] =	ssyncadd.s32 $0xFFFFFF80  }
0x1a0: {  	[tilespmem:s30], [sflag:$0x1] =	stream.indirect.gather [spmem:s3], $0x1, s14, s5, $0xb8;
	[tilespmem:$0x10228] =	vst v63  }
0x1a1: {  	_ =	swait.ge [sflag:s4], $0x80  }
0x1a2: {  	[sflag:s4] =	ssyncset.done $0x0  }
0x1a3: {  	[sflag:s4] =	ssyncadd.s32 $0xFFFFFF80  }
0x1a4: {  	[tilespmem:s15], [sflag:$0x1] =	stream.indirect.gather [spmem:s3], $0x1, s9, s5, $0xb8;
	[tilespmem:$0x10228] =	vst v63  }
0x1a5: {  	_ =	swait.ge [sflag:s4], $0x80  }
0x1a6: {  	[sflag:s4] =	ssyncset.done $0x0  }
0x1a7: {  	[sflag:s4] =	ssyncadd.s32 $0xFFFFFF80  }
0x1a8: {  	[tilespmem:s10], [sflag:$0x1] =	stream.indirect.gather [spmem:s3], $0x1, s8, s5, $0xb8;
	[tilespmem:$0x10228] =	vst v63  }
0x1a9: {  	_ =	swait.ge [sflag:s4], $0x80  }
0x1aa: {  	[sflag:s4] =	ssyncset.done $0x0  }
0x1ab: {  	[sflag:s4] =	ssyncadd.s32 $0xFFFFFF80  }
0x1ac: {  	[bflag:$0x0] =	sbarrier.arrive $0xFFFF  }
0x1ad: {  	[hbm4b:s6+s2] =	stream.linear.scatter [tilespmem:s7], [sflag:$0x1], $0x200, $0x38;
	[tilespmem:$0x10228] =	vst v63  }
0x1ae: {  	_ =	swait.ge [sflag:s4], $0x200  }
0x1af: {  	[sflag:s4] =	ssyncset.done $0x0  }
0x1b0: {  	[sflag:s4] =	ssyncadd.s32 $0xFFFFFE00  }
0x1b1: {  	_ =	sfence.sel $0x180000  }
0x1b2: {  	[bflag:$0x0] =	sbarrier.arrive $0xFFFF  }
0x1b3: {  	_ =	strace $0x90000047  }
0x1b4: {  	s31 =	stileid.u32;
	[bflag:$0x2] =	sbarrier.arrive $0xFFFF  }
0x1b5: {  	p0 =	sne.s32 s31, $0x0;
	s0 =	rddreg [dreg:$0x3]  }
0x1b6: {  	s0 =	sadd.s32 @!p0 $0x100000, s0  }
0x1b7: {  	[sflag:s0] =	ssyncadd.tile.s32 @!p0 $0x1;
	_ =	shalt  }
.Lfunc_end2:
_tile_overlayer_lowered:
.L_overlay_start_2:
0x1b8: {  	(tag) =	ssettag $0x2  }
0x1b9: {  	s0 =	rddreg [dreg:$0x0];
	s2 =	stileid.u32  }
0x1ba: {  	s1 =	rddreg [dreg:$0x1];
	p0 =	sne.s32 s2, $0x0  }
0x1bb: {  	s3 =	rddreg [dreg:$0x2];
	[bflag:$0x3] =	sbarrier.arrive $0xFFFF;
	s2 =	simm.s32 @!p0 $0x1C01  }
0x1bc: {  	[timem:s3], [sflag:s2] =	dma.local @!p0 [hbm:s0], s1  }
0x1bd: {  	s0 =	simm.s32 @!p0 $0x1  }
0x1be: {  	_ =	swait.ge @!p0 [sflag:s0], s1  }
0x1bf: {  	s1 =	ssub.s32 @!p0 $0x0, s1;
	[sflag:s0] =	ssyncset.done @!p0 $0x0  }
0x1c0: {  	[sflag:s0] =	ssyncadd.s32 @!p0 s1  }
0x1c1: {  	[bflag:$0x3] =	sbarrier.arrive $0xFFFF  }
0x1c2: {  	_ =	shalt  }

// kernel: kernel.8.cloned.1.call-start
scs
__scs_entry_jumppad:
0x0: {  	(pc) =	sbr.rel $0x88, $3  }
0x1: {  	(tag) =	ssettag $0x0;
	lr =	simm.s32 $0x1  }
0x2: {  	[smem:$0x3F9A] =	sst lr;
	_ =	strace $0xD0000000  }
0x3: {  	_ = 	snop  }
0x4: {  	_ = 	snop  }
0x5: {  	_ = 	snop  }
0x6: {  	_ = 	snop  }
0x7: {  	_ = 	snop  }
__scs_overlays_trampoline_lowered:
0x8: {  	[smem:$0x3FA9] =	sst s0  }
0x9: {  	[smem:$0x3FAA] =	sst s1  }
0xa: {  	[smem:$0x3FAB] =	sst s2  }
0xb: {  	[smem:$0x3FAC] =	sst s3  }
0xc: {  	[smem:$0x3FAD] =	sst s4  }
0xd: {  	[smem:$0x3FAE] =	sst s5  }
0xe: {  	[smem:$0x3FAF] =	sst s6  }
0xf: {  	[smem:$0x3FB0] =	sst s7  }
0x10: {  	[smem:$0x3FB1] =	sst s8  }
0x11: {  	[smem:$0x3FB2] =	sst s9;
	s0 =	simm.s32 @!p0 $0x0  }
0x12: {  	s1 =	sld [smem:$0x3F98];
	s0 =	simm.s32 @p0 $0x1  }
0x13: {  	[smem:$0x3FB3] =	sst s0;
	s0 =	simm.s32 @!p1 $0x0  }
0x14: {  	s2 =	sld [smem:$0x3F97];
	s0 =	simm.s32 @p1 $0x1  }
0x15: {  	[smem:$0x3FB4] =	sst s0;
	s0 =	simm.s32 @!p2 $0x0  }
0x16: {  	s3 =	sld [smem:$0x3FDB];
	s0 =	simm.s32 @p2 $0x1  }
0x17: {  	s4 =	simm.s32 $0x1BF5;
	[smem:$0x3FB6] =	sst s0  }
0x18: {  	s0 =	sld [smem:$0x3F99];
	_ =	swait.ge [sflag:s4], $0x0  }
0x19: {  	s7 =	sld [smem:$0x3F9A]  }
0x1a: {  	s8 =	sadd.s32 $0xFFFFE003, lr  }
0x1b: {  	s9 =	sadd.s32 $0xFFFFFEF7, lr;
	s5 =	simm.s32 $0xFFFFFFFF;
	p2 =	slt.u32 s8, $0xFFFFF086  }
0x1c: {  	p1 =	slt.u32 s9, $0xF7A;
	s5 =	simm.s32 @!p2 $0x0  }
0x1d: {  	s5 =	simm.s32 @p1 $0x1;
	p0 =	seq.s32 s7, s2  }
0x1e: {  	s7 =	smul.u32 @!p0 $0xF7A, s2;
	p2 =	seq.s32 @!p0 s5, $0x0  }
0x1f: {  	s9 =	smul.u32 $0xF7A, s1;
	s8 =	simm.s32 @!p0 $0x1BF5;
	p2 =	por !p2, p0  }
0x20: {  	[sflag:s8] =	ssyncset.s32 @!p0 $0xFFFFF086;
	s6 =	sadd.s32 @!p0 s3, s7;
	s7 =	simm.s32 @!p0 $0x108  }
0x21: {  	s3 =	sadd.s32 s3, s9;
	s6 =	sadd.s32 @!p0 $0x88, s6;
	s7 =	simm.s32 @p2 $0x1082  }
0x22: {  	[simem:s7], [sflag:s8] =	dma.local @!p0 [hbm:s6], $0xF7A  }
0x23: {  	s9 =	sor.u32 $0xD0000000, s2;
	s6 =	simm.s32 $0x108;
	_ =	swait.ge @!p0 [sflag:s8], $0x0  }
0x24: {  	s3 =	sadd.s32 $0x88, s3;
	s6 =	simm.s32 @!p1 $0x1082;
	[sflag:s4] =	ssyncset.s32 $0xFFFFF086  }
0x25: {  	[simem:s6], [sflag:s4] =	dma.local [hbm:s3], $0xF7A  }
0x26: {  	[smem:$0x3F9A] =	sst s1;
	(tag) =	ssettag s2;
	_ =	strace s9  }
0x27: {  	s1 =	sld [smem:$0x3FAA]  }
0x28: {  	s2 =	sld [smem:$0x3FAB]  }
0x29: {  	s4 =	sld [smem:$0x3FAD]  }
0x2a: {  	p0 =	seq.s32 s5, $0x0;
	s5 =	sld [smem:$0x3FAE]  }
0x2b: {  	s6 =	sld [smem:$0x3FAF]  }
0x2c: {  	s7 =	sld [smem:$0x3FB0]  }
0x2d: {  	s3 =	simm.s32 $0x108;
	s8 =	sld [smem:$0x3FB1]  }
0x2e: {  	s3 =	simm.s32 @!p0 $0x1082;
	s9 =	sld [smem:$0x3FB2]  }
0x2f: {  	lr =	sadd.s32 s0, s3;
	s0 =	sld [smem:$0x3FA9]  }
0x30: {  	s3 =	sld [smem:$0x3FAC]  }
0x31: {  	[smem:$0x3FB5] =	sst s10  }
0x32: {  	s10 =	sld [smem:$0x3FB3];
	_ =	sdelay $0x3  }
0x33: {  	p0 =	seq.s32 s10, $0x1;
	s10 =	sld [smem:$0x3FB5];
	_ =	sdelay $0x3  }
0x34: {  	[smem:$0x3FB5] =	sst s10  }
0x35: {  	s10 =	sld [smem:$0x3FB4];
	_ =	sdelay $0x3  }
0x36: {  	p1 =	seq.s32 s10, $0x1;
	s10 =	sld [smem:$0x3FB5];
	_ =	sdelay $0x3  }
0x37: {  	[smem:$0x3FB5] =	sst s10  }
0x38: {  	s10 =	sld [smem:$0x3FB6]  }
0x39: {  	_ = 	snop;
	(pc) =	sbr.ind lr, $3  }
0x3a: {  	_ = 	snop  }
0x3b: {  	_ = 	snop  }
0x3c: {  	p2 =	seq.s32 s10, $0x1;
	s10 =	sld [smem:$0x3FB5]  }
0x3d: {  	_ =	shalt  }
0x3e: {  	_ =	shalt  }
0x3f: {  	_ =	shalt  }
0x40: {  	_ =	shalt  }
0x41: {  	_ =	shalt  }
0x42: {  	_ =	shalt  }
0x43: {  	_ =	shalt  }
0x44: {  	_ =	shalt  }
0x45: {  	_ =	shalt  }
0x46: {  	_ =	shalt  }
0x47: {  	_ =	shalt  }
0x48: {  	_ =	shalt  }
0x49: {  	_ =	shalt  }
0x4a: {  	_ =	shalt  }
0x4b: {  	_ =	shalt  }
0x4c: {  	_ =	shalt  }
0x4d: {  	_ =	shalt  }
0x4e: {  	_ =	shalt  }
0x4f: {  	_ =	shalt  }
0x50: {  	_ =	shalt  }
0x51: {  	_ =	shalt  }
0x52: {  	_ =	shalt  }
0x53: {  	_ =	shalt  }
0x54: {  	_ =	shalt  }
0x55: {  	_ =	shalt  }
0x56: {  	_ =	shalt  }
0x57: {  	_ =	shalt  }
0x58: {  	_ =	shalt  }
0x59: {  	_ =	shalt  }
0x5a: {  	_ =	shalt  }
0x5b: {  	_ =	shalt  }
0x5c: {  	_ =	shalt  }
0x5d: {  	_ =	shalt  }
0x5e: {  	_ =	shalt  }
0x5f: {  	_ =	shalt  }
0x60: {  	_ =	shalt  }
0x61: {  	_ =	shalt  }
0x62: {  	_ =	shalt  }
0x63: {  	_ =	shalt  }
0x64: {  	_ =	shalt  }
0x65: {  	_ =	shalt  }
0x66: {  	_ =	shalt  }
0x67: {  	_ =	shalt  }
0x68: {  	_ =	shalt  }
0x69: {  	_ =	shalt  }
0x6a: {  	_ =	shalt  }
0x6b: {  	_ =	shalt  }
0x6c: {  	_ =	shalt  }
0x6d: {  	_ =	shalt  }
0x6e: {  	_ =	shalt  }
0x6f: {  	_ =	shalt  }
0x70: {  	_ =	shalt  }
0x71: {  	_ =	shalt  }
0x72: {  	_ =	shalt  }
0x73: {  	_ =	shalt  }
0x74: {  	_ =	shalt  }
0x75: {  	_ =	shalt  }
0x76: {  	_ =	shalt  }
0x77: {  	_ =	shalt  }
0x78: {  	_ =	shalt  }
0x79: {  	_ =	shalt  }
0x7a: {  	_ =	shalt  }
0x7b: {  	_ =	shalt  }
0x7c: {  	_ =	shalt  }
0x7d: {  	_ =	shalt  }
0x7e: {  	_ =	shalt  }
0x7f: {  	_ =	shalt  }
0x80: {  	_ =	shalt  }
0x81: {  	_ =	shalt  }
0x82: {  	_ =	shalt  }
0x83: {  	_ =	shalt  }
0x84: {  	_ =	shalt  }
0x85: {  	_ =	shalt  }
0x86: {  	_ =	shalt  }
0x87: {  	_ =	shalt  }
.Lfunc_end0:
.L_simem_size_0:
called_computation.1_lowered:
.L_overlay_start_0:
0x88: {  	s2 =	sld [smem:$0x3FD9]  }
0x89: {  	s3 =	sld [smem:$0x3FFE];
	_ =	sdelay $0x1  }
0x8a: {  	s1 =	srdreg.scid  }
0x8b: {  	s0 =	sand.u32 $0x1, s1  }
0x8c: {  	s17 =	sshll.u32 s0, $0xA;
	s2 =	sadd.s32 s3, s2  }
0x8d: {  	s2 =	sadd.s32 s2, s17  }
0x8e: {  	[smem:$0x3FC1] =	sst s2  }
0x8f: {  	_ = 	snop  }
0x90: {  	s2 =	sld [smem:$0x3FD0];
	(tm) =	ssettm $0x1  }
0x91: {  	s18 =	sld [smem:$0x3FFB];
	_ =	sdelay $0x3  }
0x92: {  	_ =	strace s18  }
0x93: {  	s3 =	sld [smem:$0x3FFC];
	_ =	sdelay $0x3  }
0x94: {  	_ =	strace s3  }
0x95: {  	s3 =	sld [smem:$0x3FFD];
	_ =	sdelay $0x3  }
0x96: {  	_ =	strace s3  }
0x97: {  	_ =	strace $0x8FFFFFFF  }
0x98: {  	s19 =	sld [smem:$0x3FDB];
	_ =	sdelay $0x1  }
0x99: {  	s4 =	simm.s32 $_scs_section_size  }
0x9a: {  	s5 =	simm.s32 $_size__tile_overlayer_lowered;
	s6 =	simm.s32 $_tile_overlayer_lowered  }
0x9b: {  	s22 =	simm.s32 $0x1BFF;
	s21 =	sshll.u32 s6, $0x1;
	s3 =	sadd.s32 s4, s19  }
0x9c: {  	s7 =	simm.s32 $0x0;
	s20 =	sshll.u32 s5, $0x1;
	s5 =	sadd.s32 s21, s3  }
0x9d: {  	[timem:s7], [sflag:s22] =	dma.local [hbm:s5], s20  }
0x9e: {  	_ =	swait.ge [sflag:s22], s20  }
0x9f: {  	s4 =	ssub.s32 $0x0, s20;
	[sflag:s22] =	ssyncset.done $0x0  }
0xa0: {  	[sflag:s22] =	ssyncadd.s32 s4;
	_ =	sdelay $0x1  }
0xa1: {  	s23 =	simm.s32 $0x1B8B  }
0xa2: {  	_ =	swait.ge [sflag:s23], $0x1  }
0xa3: {  	[sflag:s23] =	ssyncset.done $0x0  }
0xa4: {  	s25 =	simm.s32 $0x1B8E;
	s24 =	sld [smem:$0x3FFE];
	[sflag:s23] =	ssyncadd.s32 $0xFFFFFFFF  }
0xa5: {  	s26 =	simm.s32 $execute0_lowered;
	[smem:$0x3FD2] =	sst s25  }
0xa6: {  	s5 =	sshll.u32 s26, $0x1;
	_ =	strace $0x80000049;
	[dreg:$0x1] =	wrdreg $0xFFFFFFFF  }
0xa7: {  	s28 =	simm.s32 $_size_execute0_lowered;
	s3 =	sadd.s32 s3, s5;
	[dreg:$0x0] =	wrdreg $0x0  }
0xa8: {  	s5 =	sshll.u32 s28, $0x1;
	[dreg:$0x2] =	wrdreg s3  }
0xa9: {  	[dreg:$0x3] =	wrdreg s5  }
0xaa: {  	[dreg:$0x4] =	wrdreg $0xC0  }
0xab: {  	_ =	task [dreg:s7], $0x5FFFF  }
0xac: {  	[dreg:$0x1] =	wrdreg $0xFFFFFFFF  }
0xad: {  	[dreg:$0x0] =	wrdreg $0x60  }
0xae: {  	[dreg:$0x2] =	wrdreg s24  }
0xaf: {  	[dreg:$0x3] =	wrdreg s2  }
0xb0: {  	[dreg:$0x4] =	wrdreg $0x9  }
0xb1: {  	_ =	task.clear_ibuf [dreg:s7], $0x5FFFF;
	_ =	strace $0x90000049  }
0xb2: {  	s29 =	simm.s32 $0x9;
	_ =	strace $0x8000004B  }
0xb3: {  	_ =	swait.ge [sflag:s29], $0x1  }
0xb4: {  	[sflag:s29] =	ssyncadd.s32 $0xFFFFFFFF  }
0xb5: {  	_ =	strace $0x9000004B  }
0xb6: {  	_ =	sfence  }
0xb7: {  	s30 =	sld [smem:$0x0];
	_ =	sdelay $0x2  }
0xb8: {  	s31 =	sshll.u32 s1, $0xD;
	s1 =	sshrl.u32 s1, $0x2  }
0xb9: {  	s3 =	sand.u32 $0x4000, s31;
	s1 =	sadd.s32 s1, s30  }
0xba: {  	s0 =	sor.u32 s3, s0;
	s1 =	sshll.u32 s1, $0x11  }
0xbb: {  	s0 =	sor.u32 s1, s0  }
0xbc: {  	s0 =	sadd.s32 $0x8F2B, s0  }
0xbd: {  	[sflag:s0] =	ssyncadd.remote.s32 $0x1  }
0xbe: {  	_ =	sfence.sel $0xFFFF  }
0xbf: {  	[dreg:$0x0] =	wrdreg $0xFFFFFFFF;
	(pc) =	sbr.abs _section_cstart, $3  }
0xc0: {  	[dreg:$0x1] =	wrdreg $0xFFFFFFFF  }
0xc1: {  	_ =	task.clear_ibuf [dreg:s7], $0x2FFFF;
	_ =	strace $0x9FFFFFFF  }
0xc2: {  	(tm) =	ssettm $0x7FFFFFFF  }
0xc3: {  	_ =	shalt  }
tec
execute0_lowered:
.L_overlay_start_1:
0x0: {  	(tag) =	ssettag $0x1  }
0x1: {  	s6 =	rddreg [dreg:$0x0]  }
0x2: {  	s5 =	rddreg [dreg:$0x1]  }
0x3: {  	s0 =	rddreg [dreg:$0x2]  }
0x4: {  	s3 =	srdreg.scid;
	s2 =	simm.s32 $0x0;
	s1 =	stileid.u32  }
0x5: {  	s12 =	simm.s32 $0x400;
	s13 =	simm.s32 $0x8400;
	s14 =	simm.s32 $0x4400  }
0x6: {  	s15 =	simm.s32 $0x280;
	s16 =	simm.s32 $0xC400;
	s17 =	simm.s32 $0x1  }
0x7: {  	s18 =	simm.s32 $0x100;
	s19 =	simm.s32 $0x300;
	s20 =	simm.s32 $0x180  }
0x8: {  	s21 =	simm.s32 $0x380;
	s22 =	simm.s32 $0x0;
	s4 =	sand.u32 $0x1, s3  }
0x9: {  	[smem:$0x7FF] =	sst s2;
	s7 =	sshll.u32 s1, $0x9;
	s11 =	sadd.s32 $0x3800, s6  }
0xa: {  	s3 =	sshll.u32 s4, $0xD;
	_ =	strace $0x8000004A;
	s4 =	ssub.s32 $0x2, s4  }
0xb: {  	s7 =	sor.u32 s7, s3;
	s3 =	sadd.s32 $0x4000, s6;
	s10 =	sshrl.u32 s4, $0x1  }
0xc: {  	s9 =	sshrl.u32 s7, $0x3;
	s7 =	sshll.u32 s7, $0x4;
	s10 =	ssub.s32 s4, s10  }
0xd: {  	s8 =	sadd.s32 s9, s6;
	s5 =	sadd.s32 s5, s7;
	s7 =	smax.u32 s10, $0x1  }
0xe: {  	s9 =	sadd.s32 s9, s11;
	s10 =	simm.s32 $0x200;
	s11 =	simm.s32 $0x80  }
0xf: {  	s4 =	sadd.s32 $0x3000, s8;
	s6 =	sadd.s32 $0x1000, s5;
	s8 =	simm.s32 $0x2  }
.LBB2_1:
0x10: {  	[tilespmem:s2], [sflag:$0x2] =	stream.linear.gather [hbm4b:s4+s2], $0x200, $0x38;
	[tilespmem:$0x10400] =	vst v63  }
0x11: {  	_ =	swait.ge [sflag:s8], $0x200  }
0x12: {  	[sflag:s8] =	ssyncset.done $0x0  }
0x13: {  	[sflag:s8] =	ssyncadd.s32 $0xFFFFFE00  }
0x14: {  	[tilespmem:s10], [sflag:$0x2] =	stream.linear.gather [hbm4b:s9+s2], $0x200, $0x38;
	[tilespmem:$0x10400] =	vst v63  }
0x15: {  	_ =	swait.ge [sflag:s8], $0x200  }
0x16: {  	[sflag:s8] =	ssyncset.done $0x0  }
0x17: {  	[sflag:s8] =	ssyncadd.s32 $0xFFFFFE00  }
0x18: {  	[tilespmem:s12], [sflag:$0x1] =	stream.indirect.gather [hbm4b:s3+s11], $0x80, s2, s11, $0xb8;
	[tilespmem:$0x10400] =	vst v63  }
0x19: {  	_ = 	snop  }
0x1a: {  	[tilespmem:s13], [sflag:$0x1] =	stream.indirect.gather [hbm4b:s3+s11], $0x80, s10, s11, $0xb8;
	[tilespmem:$0x10400] =	vst v63  }
0x1b: {  	_ = 	snop  }
0x1c: {  	[tilespmem:s14], [sflag:$0x1] =	stream.indirect.gather [hbm4b:s3+s11], $0x80, s11, s11, $0xb8;
	[tilespmem:$0x10400] =	vst v63  }
0x1d: {  	_ = 	snop  }
0x1e: {  	[tilespmem:s16], [sflag:$0x1] =	stream.indirect.gather [hbm4b:s3+s11], $0x80, s15, s11, $0xb8;
	[tilespmem:$0x10400] =	vst v63  }
0x1f: {  	_ =	swait.ge [sflag:s17], $0x4000  }
0x20: {  	[sflag:s17] =	ssyncset.done $0x0  }
0x21: {  	[sflag:s17] =	ssyncadd.s32 $0xFFFFC000  }
0x22: {  	_ =	swait.ge [sflag:s17], $0x4000  }
0x23: {  	[sflag:s17] =	ssyncset.done $0x0  }
0x24: {  	[sflag:s17] =	ssyncadd.s32 $0xFFFFC000  }
0x25: {  	_ =	swait.ge [sflag:s17], $0x4000  }
0x26: {  	[sflag:s17] =	ssyncset.done $0x0  }
0x27: {  	[sflag:s17] =	ssyncadd.s32 $0xFFFFC000  }
0x28: {  	_ =	swait.ge [sflag:s17], $0x4000  }
0x29: {  	[sflag:s17] =	ssyncset.done $0x0  }
0x2a: {  	s23 =	simm.s32 $0x0;
	[sflag:s17] =	ssyncadd.s32 $0xFFFFC000  }
0x2b: {  	v7 =	vld [tilespmem:s23+$0x8400]  }
0x2c: {  	v11 =	vld [tilespmem:s23+$0x8410]  }
0x2d: {  	v5 =	vld [tilespmem:s23+$0x8420]  }
0x2e: {  	v4 =	vld [tilespmem:s23+$0x8430]  }
0x2f: {  	v3 =	vld [tilespmem:s23+$0x8440]  }
0x30: {  	v2 =	vld [tilespmem:s23+$0x8450]  }
0x31: {  	v1 =	vld [tilespmem:s23+$0x8460]  }
0x32: {  	v0 =	vld [tilespmem:s23+$0x8470]  }
0x33: {  	v12 =	vld [tilespmem:s23+$0x400]  }
0x34: {  	v13 =	vld [tilespmem:s23+$0x410]  }
0x35: {  	v10 =	vld [tilespmem:s23+$0x420]  }
0x36: {  	v9 =	vld [tilespmem:s23+$0x430]  }
0x37: {  	v8 =	vld [tilespmem:s23+$0x440]  }
0x38: {  	v6 =	vld [tilespmem:s23+$0x450];
	v12 =	vmul.f32 v7, v12  }
0x39: {  	s24 =	simm.s32 $0x200;
	v11 =	vmul.f32 v11, v13;
	v7 =	vld [tilespmem:s23+$0x460]  }
.LBB2_2:
0x3a: {  	s25 =	sshra.s32 s24, $0x2;
	p0 =	sne.s32 s24, $0x1FE00;
	[tilespmem:s23+$0x400] =	vst v12;
	v5 =	vmul.f32 v5, v10;
	v10 =	vld [tilespmem:s23+$0x470]  }
0x3b: {  	v12 =	vld [tilespmem:s25+$0x8400];
	[tilespmem:s23+$0x410] =	vst v11;
	v4 =	vmul.f32 v4, v9  }
0x3c: {  	v11 =	vld [tilespmem:s25+$0x8410];
	[tilespmem:s23+$0x420] =	vst v5;
	v3 =	vmul.f32 v3, v8  }
0x3d: {  	v5 =	vld [tilespmem:s25+$0x8420];
	[tilespmem:s23+$0x430] =	vst v4;
	v2 =	vmul.f32 v2, v6  }
0x3e: {  	v4 =	vld [tilespmem:s25+$0x8430];
	[tilespmem:s23+$0x440] =	vst v3;
	v1 =	vmul.f32 v1, v7  }
0x3f: {  	v3 =	vld [tilespmem:s25+$0x8440];
	[tilespmem:s23+$0x450] =	vst v2;
	v0 =	vmul.f32 v0, v10  }
0x40: {  	v2 =	vld [tilespmem:s25+$0x8450];
	[tilespmem:s23+$0x460] =	vst v1  }
0x41: {  	v1 =	vld [tilespmem:s25+$0x8460];
	[tilespmem:s23+$0x470] =	vst v0;
	s23 =	smov.u32 s25  }
0x42: {  	v0 =	vld [tilespmem:s23+$0x8470]  }
0x43: {  	v6 =	vld [tilespmem:s23+$0x400]  }
0x44: {  	v7 =	vld [tilespmem:s23+$0x410]  }
.Ltmp0:
0x45: {  	v10 =	vld [tilespmem:s23+$0x420];
	(pc) =	sbr.rel @p0 .LBB2_2-.Ltmp0, $4  }
0x46: {  	v9 =	vld [tilespmem:s23+$0x430]  }
0x47: {  	v8 =	vld [tilespmem:s23+$0x440]  }
0x48: {  	v12 =	vmul.f32 v12, v6;
	v6 =	vld [tilespmem:s23+$0x450]  }
0x49: {  	s24 =	sadd.s32 $0x200, s24;
	v11 =	vmul.f32 v11, v7;
	v7 =	vld [tilespmem:s23+$0x460]  }
0x4a: {  	[tilespmem:s23+$0x400] =	vst v12;
	v5 =	vmul.f32 v5, v10;
	v10 =	vld [tilespmem:s23+$0x470]  }
0x4b: {  	[tilespmem:s23+$0x410] =	vst v11;
	v4 =	vmul.f32 v4, v9  }
0x4c: {  	[tilespmem:s23+$0x420] =	vst v5;
	v3 =	vmul.f32 v3, v8  }
0x4d: {  	[tilespmem:s23+$0x430] =	vst v4;
	v2 =	vmul.f32 v2, v6  }
0x4e: {  	[tilespmem:s23+$0x440] =	vst v3;
	v1 =	vmul.f32 v1, v7  }
0x4f: {  	[tilespmem:s23+$0x450] =	vst v2;
	v0 =	vmul.f32 v0, v10  }
0x50: {  	[tilespmem:s23+$0x460] =	vst v1  }
0x51: {  	s31 =	simm.s32 $0x0;
	[tilespmem:s23+$0x470] =	vst v0  }
0x52: {  	[hbm4b:s5+s31] =	stream.linear.scatter [tilespmem:s12], [sflag:$0x2], $0x8000, $0x38;
	[tilespmem:$0x10400] =	vst v63  }
0x53: {  	_ =	swait.ge [sflag:s8], $0x8000  }
0x54: {  	[sflag:s8] =	ssyncset.done $0x0  }
0x55: {  	[sflag:s8] =	ssyncadd.s32 $0xFFFF8000  }
0x56: {  	[tilespmem:s12], [sflag:$0x1] =	stream.indirect.gather [hbm4b:s3+s11], $0x80, s18, s11, $0xb8;
	[tilespmem:$0x10400] =	vst v63  }
0x57: {  	_ = 	snop  }
0x58: {  	[tilespmem:s13], [sflag:$0x1] =	stream.indirect.gather [hbm4b:s3+s11], $0x80, s19, s11, $0xb8;
	[tilespmem:$0x10400] =	vst v63  }
0x59: {  	_ = 	snop  }
0x5a: {  	[tilespmem:s14], [sflag:$0x1] =	stream.indirect.gather [hbm4b:s3+s11], $0x80, s20, s11, $0xb8;
	[tilespmem:$0x10400] =	vst v63  }
0x5b: {  	_ = 	snop  }
0x5c: {  	[tilespmem:s16], [sflag:$0x1] =	stream.indirect.gather [hbm4b:s3+s11], $0x80, s21, s11, $0xb8;
	[tilespmem:$0x10400] =	vst v63  }
0x5d: {  	_ =	swait.ge [sflag:s17], $0x4000  }
0x5e: {  	[sflag:s17] =	ssyncset.done $0x0  }
0x5f: {  	[sflag:s17] =	ssyncadd.s32 $0xFFFFC000  }
0x60: {  	_ =	swait.ge [sflag:s17], $0x4000  }
0x61: {  	[sflag:s17] =	ssyncset.done $0x0  }
0x62: {  	[sflag:s17] =	ssyncadd.s32 $0xFFFFC000  }
0x63: {  	_ =	swait.ge [sflag:s17], $0x4000  }
0x64: {  	[sflag:s17] =	ssyncset.done $0x0  }
0x65: {  	[sflag:s17] =	ssyncadd.s32 $0xFFFFC000  }
0x66: {  	_ =	swait.ge [sflag:s17], $0x4000  }
0x67: {  	[sflag:s17] =	ssyncset.done $0x0  }
0x68: {  	s23 =	simm.s32 $0x0;
	[sflag:s17] =	ssyncadd.s32 $0xFFFFC000  }
0x69: {  	v7 =	vld [tilespmem:s23+$0x8400]  }
0x6a: {  	v11 =	vld [tilespmem:s23+$0x8410]  }
0x6b: {  	v5 =	vld [tilespmem:s23+$0x8420]  }
0x6c: {  	v4 =	vld [tilespmem:s23+$0x8430]  }
0x6d: {  	v3 =	vld [tilespmem:s23+$0x8440]  }
0x6e: {  	v2 =	vld [tilespmem:s23+$0x8450]  }
0x6f: {  	v1 =	vld [tilespmem:s23+$0x8460]  }
0x70: {  	v0 =	vld [tilespmem:s23+$0x8470]  }
0x71: {  	v12 =	vld [tilespmem:s23+$0x400]  }
0x72: {  	v13 =	vld [tilespmem:s23+$0x410]  }
0x73: {  	v10 =	vld [tilespmem:s23+$0x420]  }
0x74: {  	v9 =	vld [tilespmem:s23+$0x430]  }
0x75: {  	v8 =	vld [tilespmem:s23+$0x440]  }
0x76: {  	v6 =	vld [tilespmem:s23+$0x450];
	v12 =	vmul.f32 v7, v12  }
0x77: {  	s24 =	simm.s32 $0x200;
	v11 =	vmul.f32 v11, v13;
	v7 =	vld [tilespmem:s23+$0x460]  }
.LBB2_4:
0x78: {  	s25 =	sshra.s32 s24, $0x2;
	p0 =	sne.s32 s24, $0x1FE00;
	[tilespmem:s23+$0x400] =	vst v12;
	v5 =	vmul.f32 v5, v10;
	v10 =	vld [tilespmem:s23+$0x470]  }
0x79: {  	v12 =	vld [tilespmem:s25+$0x8400];
	[tilespmem:s23+$0x410] =	vst v11;
	v4 =	vmul.f32 v4, v9  }
0x7a: {  	v11 =	vld [tilespmem:s25+$0x8410];
	[tilespmem:s23+$0x420] =	vst v5;
	v3 =	vmul.f32 v3, v8  }
0x7b: {  	v5 =	vld [tilespmem:s25+$0x8420];
	[tilespmem:s23+$0x430] =	vst v4;
	v2 =	vmul.f32 v2, v6  }
0x7c: {  	v4 =	vld [tilespmem:s25+$0x8430];
	[tilespmem:s23+$0x440] =	vst v3;
	v1 =	vmul.f32 v1, v7  }
0x7d: {  	v3 =	vld [tilespmem:s25+$0x8440];
	[tilespmem:s23+$0x450] =	vst v2;
	v0 =	vmul.f32 v0, v10  }
0x7e: {  	v2 =	vld [tilespmem:s25+$0x8450];
	[tilespmem:s23+$0x460] =	vst v1  }
0x7f: {  	v1 =	vld [tilespmem:s25+$0x8460];
	[tilespmem:s23+$0x470] =	vst v0;
	s23 =	smov.u32 s25  }
0x80: {  	v0 =	vld [tilespmem:s23+$0x8470]  }
0x81: {  	v6 =	vld [tilespmem:s23+$0x400]  }
0x82: {  	v7 =	vld [tilespmem:s23+$0x410]  }
.Ltmp1:
0x83: {  	v10 =	vld [tilespmem:s23+$0x420];
	(pc) =	sbr.rel @p0 .LBB2_4-.Ltmp1, $4  }
0x84: {  	v9 =	vld [tilespmem:s23+$0x430]  }
0x85: {  	v8 =	vld [tilespmem:s23+$0x440]  }
0x86: {  	v12 =	vmul.f32 v12, v6;
	v6 =	vld [tilespmem:s23+$0x450]  }
0x87: {  	s24 =	sadd.s32 $0x200, s24;
	v11 =	vmul.f32 v11, v7;
	v7 =	vld [tilespmem:s23+$0x460]  }
0x88: {  	[tilespmem:s23+$0x400] =	vst v12;
	v5 =	vmul.f32 v5, v10;
	v63 =	vld [tilespmem:s23+$0x470]  }
0x89: {  	[tilespmem:s23+$0x410] =	vst v11;
	v4 =	vmul.f32 v4, v9  }
0x8a: {  	[tilespmem:s23+$0x420] =	vst v5;
	v3 =	vmul.f32 v3, v8  }
0x8b: {  	[tilespmem:s23+$0x430] =	vst v4;
	v2 =	vmul.f32 v2, v6  }
0x8c: {  	[tilespmem:s23+$0x440] =	vst v3;
	v1 =	vmul.f32 v1, v7  }
0x8d: {  	s22 =	sadd.s32 $0x1, s22;
	[tilespmem:s23+$0x450] =	vst v2;
	v0 =	vmul.f32 v0, v63  }
0x8e: {  	p0 =	sne.s32 s22, s7;
	[tilespmem:s23+$0x460] =	vst v1  }
.Ltmp2:
0x8f: {  	[tilespmem:s23+$0x470] =	vst v0;
	(pc) =	sbr.rel @p0 .LBB2_1-.Ltmp2, $4  }
0x90: {  	[hbm4b:s6+s2] =	stream.linear.scatter [tilespmem:s12], [sflag:$0x2], $0x8000, $0x38;
	[tilespmem:$0x10400] =	vst v63  }
0x91: {  	_ =	swait.ge [sflag:s8], $0x8000  }
0x92: {  	[sflag:s8] =	ssyncset.done $0x0  }
0x93: {  	[sflag:s8] =	ssyncadd.s32 $0xFFFF8000  }
0x94: {  	_ =	sfence.sel $0x180000  }
0x95: {  	[bflag:$0x0] =	sbarrier.arrive $0xFFFF  }
0x96: {  	p0 =	sne.s32 s1, $0x0;
	_ =	strace $0x9000004A  }
0x97: {  	s0 =	sadd.s32 @!p0 $0x100000, s0;
	[bflag:$0x2] =	sbarrier.arrive $0xFFFF  }
0x98: {  	[sflag:s0] =	ssyncadd.tile.s32 @!p0 $0x1;
	_ =	shalt  }
.Lfunc_end2:
_tile_overlayer_lowered:
.L_overlay_start_2:
0x99: {  	(tag) =	ssettag $0x2  }
0x9a: {  	s0 =	rddreg [dreg:$0x0];
	s2 =	stileid.u32  }
0x9b: {  	s1 =	rddreg [dreg:$0x1];
	p0 =	sne.s32 s2, $0x0  }
0x9c: {  	s3 =	rddreg [dreg:$0x2];
	[bflag:$0x3] =	sbarrier.arrive $0xFFFF;
	s2 =	simm.s32 @!p0 $0x1C02  }
0x9d: {  	[timem:s3], [sflag:s2] =	dma.local @!p0 [hbm:s0], s1  }
0x9e: {  	s0 =	simm.s32 @!p0 $0x2  }
0x9f: {  	_ =	swait.ge @!p0 [sflag:s0], s1  }
0xa0: {  	s1 =	ssub.s32 @!p0 $0x0, s1;
	[sflag:s0] =	ssyncset.done @!p0 $0x0  }
0xa1: {  	[sflag:s0] =	ssyncadd.s32 @!p0 s1  }
0xa2: {  	[bflag:$0x3] =	sbarrier.arrive $0xFFFF  }
0xa3: {  	_ =	shalt  }

</sc_bundles>
